<compile_context>
chip_gen: v7x
topology: tpu7x:2x2x1
jax: 0.10.2.dev20260603
libtpu: 0.0.44.dev20260713+nightly
codegen_flags: <defaults>
</compile_context>

<pallas_src>
import functools

import jax
import jax.numpy as jnp
from jax import lax
from jax.experimental import pallas as pl
from jax.experimental.pallas import tpu as pltpu
from jax.experimental.pallas import tpu_sc as plsc

H = 12
DH = 64
DIM = 768
PE_DIM = 64
INNER = H * DH
HP = 128

_HIGH = lax.Precision.HIGHEST
_HI16 = -65536



def _proj_body(x_ref, w_ref, q_ref, kv_ref):
    y = jnp.dot(x_ref[...], w_ref[...], preferred_element_type=jnp.float32)
    q_ref[...] = y[:, :INNER]
    kb = lax.bitcast_convert_type(y[:, INNER:2 * INNER], jnp.int32)
    vb = lax.bitcast_convert_type(y[:, 2 * INNER:], jnp.int32)
    kb = (kb + 0x8000) & _HI16
    vb = ((vb + 0x8000) >> 16) & 0xFFFF
    kv_ref[...] = kb | vb


def _projection(x2, w_all):
    L = x2.shape[0]
    bl = 256
    return pl.pallas_call(
        _proj_body,
        grid=(L // bl,),
        in_specs=[
            pl.BlockSpec((bl, DIM), lambda i: (i, 0)),
            pl.BlockSpec((DIM, 3 * INNER), lambda i: (0, 0)),
        ],
        out_specs=[
            pl.BlockSpec((bl, INNER), lambda i: (i, 0)),
            pl.BlockSpec((bl, INNER), lambda i: (i, 0)),
        ],
        out_shape=[
            jax.ShapeDtypeStruct((L, INNER), jnp.float32),
            jax.ShapeDtypeStruct((L, INNER), jnp.int32),
        ],
    )(x2, w_all)



def _sc_gather(kv, idx_flat, start, count):
    d = kv.shape[1]
    nw = 32
    per_w = count // nw
    chunk = 64
    nck = per_w // chunk
    mesh = plsc.VectorSubcoreMesh(core_axis_name="c", subcore_axis_name="s")

    @functools.partial(
        pl.kernel,
        out_type=jax.ShapeDtypeStruct((count, d), jnp.int32),
        mesh=mesh,
        scratch_types=[
            pltpu.VMEM((per_w,), jnp.int32),
            pltpu.VMEM((chunk, d), jnp.int32),
            pltpu.VMEM((chunk, d), jnp.int32),
            pltpu.SemaphoreType.DMA,
            pltpu.SemaphoreType.DMA,
            pltpu.SemaphoreType.DMA,
            pltpu.SemaphoreType.DMA,
        ],
    )
    def gather_kernel(kv_hbm, i_hbm, o_hbm, idx_v, buf0, buf1,
                      gsem0, gsem1, osem0, osem1):
        wid = lax.axis_index("s") * 2 + lax.axis_index("c")
        base = wid * per_w
        pltpu.sync_copy(i_hbm.at[pl.ds(start + base, per_w)], idx_v)
        bufs = (buf0, buf1)
        gsems = (gsem0, gsem1)
        osems = (osem0, osem1)
        cp_g = [None, None]
        cp_o = [None, None]
        cp_g[0] = pltpu.async_copy(
            kv_hbm.at[idx_v.at[pl.ds(0, chunk)]], buf0, gsem0)
        for c in range(nck):
            b = c & 1
            nb = 1 - b
            if c + 1 < nck:
                if cp_o[nb] is not None:
                    cp_o[nb].wait()
                cp_g[nb] = pltpu.async_copy(
                    kv_hbm.at[idx_v.at[pl.ds((c + 1) * chunk, chunk)]],
                    bufs[nb], gsems[nb])
            cp_g[b].wait()
            cp_o[b] = pltpu.async_copy(
                bufs[b], o_hbm.at[pl.ds(base + c * chunk, chunk)], osems[b])
        cp_o[0].wait()
        cp_o[1].wait()

    return gather_kernel(kv, idx_flat)



def _attn_body(q_ref, g_ref, rpe_ref, dist_ref, wkpe_ref, wvpe_ref,
               sel_ref, sel2_ref, wout_ref, bout_ref, sig2_ref, o_ref):
    bl = q_ref.shape[0]
    k = dist_ref.shape[1]

    g = g_ref[...]
    kg = lax.bitcast_convert_type(g & _HI16, jnp.float32)
    vg = lax.bitcast_convert_type(g << 16, jnp.float32)
    rpe = rpe_ref[...].astype(jnp.bfloat16).reshape(bl * k, PE_DIM)
    kf = kg + jnp.dot(rpe, wkpe_ref[...], preferred_element_type=jnp.float32)
    vf = vg + jnp.dot(rpe, wvpe_ref[...], preferred_element_type=jnp.float32)

    q3 = q_ref[...].reshape(bl, 1, INNER)
    p = (q3 * kf.reshape(bl, k, INNER)).reshape(bl * k, INNER)
    s = jnp.dot(p.astype(jnp.bfloat16), sel_ref[...],
                preferred_element_type=jnp.float32).reshape(bl, k, HP)

    dist = dist_ref[...]
    gb = -(dist * dist).reshape(bl, k, 1) * sig2_ref[...].reshape(1, 1, HP)
    s = s + gb
    m = jnp.max(s, axis=1, keepdims=True)
    e = jnp.exp(s - m)
    a = e / jnp.sum(e, axis=1, keepdims=True)

    ax = jnp.dot(a.reshape(bl * k, HP).astype(jnp.bfloat16), sel2_ref[...],
                 preferred_element_type=jnp.float32)
    ov = (ax * vf).reshape(bl, k, INNER).sum(axis=1)
    o_ref[...] = (jnp.dot(ov.astype(jnp.bfloat16), wout_ref[...],
                          preferred_element_type=jnp.float32)
                  + bout_ref[...])


def _attention(q, g, rpe2, dist, wkpe, wvpe, sel, sel2, wout, bout2, sig2,
               row0, rows):
    k = dist.shape[1]
    bl = 64
    off = row0 // bl
    return pl.pallas_call(
        _attn_body,
        grid=(rows // bl,),
        in_specs=[
            pl.BlockSpec((bl, INNER), lambda i: (i + off, 0)),
            pl.BlockSpec((bl * k, INNER), lambda i: (i, 0)),
            pl.BlockSpec((bl, k, PE_DIM), lambda i: (i + off, 0, 0)),
            pl.BlockSpec((bl, k), lambda i: (i + off, 0)),
            pl.BlockSpec((PE_DIM, INNER), lambda i: (0, 0)),
            pl.BlockSpec((PE_DIM, INNER), lambda i: (0, 0)),
            pl.BlockSpec((INNER, HP), lambda i: (0, 0)),
            pl.BlockSpec((HP, INNER), lambda i: (0, 0)),
            pl.BlockSpec((INNER, DIM), lambda i: (0, 0)),
            pl.BlockSpec((1, DIM), lambda i: (0, 0)),
            pl.BlockSpec((1, HP), lambda i: (0, 0)),
        ],
        out_specs=pl.BlockSpec((bl, DIM), lambda i: (i, 0)),
        out_shape=jax.ShapeDtypeStruct((rows, DIM), jnp.float32),
    )(q, g, rpe2, dist, wkpe, wvpe, sel, sel2, wout, bout2, sig2)



def kernel(x, topk_indices, rpe, distances, Wq, Wk, Wv, Wout, b_out,
           log_sigma):
    B, L, D = x.shape
    K = topk_indices.shape[-1]
    scale = DH ** (-0.5)

    x2 = x.reshape(L, D).astype(jnp.bfloat16)
    idx_flat = topk_indices.reshape(L * K).astype(jnp.int32)
    rpe3 = rpe.reshape(L, K, PE_DIM)
    dist = distances.reshape(L, K)

    w_all = jnp.concatenate([Wq, Wk[:DIM], Wv[:DIM]],
                            axis=1).astype(jnp.bfloat16)

    head_of_col = jnp.arange(INNER, dtype=jnp.int32) // DH
    hp_ids = jnp.arange(HP, dtype=jnp.int32)
    sel = ((head_of_col[:, None] == hp_ids[None, :])
           .astype(jnp.bfloat16) * jnp.bfloat16(scale))
    sel2 = (hp_ids[:, None] == head_of_col[None, :]).astype(jnp.bfloat16)

    inv2sig2 = 0.5 * jnp.exp(-2.0 * log_sigma)
    sig2 = jnp.concatenate(
        [inv2sig2, jnp.ones((HP - H,), jnp.float32)]).reshape(1, HP)
    bout2 = b_out.reshape(1, DIM)

    q, kv = _projection(x2, w_all)
    wkpe16 = Wk[DIM:].astype(jnp.bfloat16)
    wvpe16 = Wv[DIM:].astype(jnp.bfloat16)
    wout16 = Wout.astype(jnp.bfloat16)

    nsplit = 4
    rows = L // nsplit
    outs = []
    for i in range(nsplit):
        gi = _sc_gather(kv, idx_flat, i * rows * K, rows * K)
        outs.append(_attention(q, gi, rpe3, dist, wkpe16, wvpe16,
                               sel, sel2, wout16, bout2, sig2,
                               i * rows, rows))
    out = jnp.concatenate(outs, axis=0)
    return out.reshape(B, L, DIM)

# --- scband reference (transcript-rebuilt; emitter-appended) ---
"""Pipeline reference for scband-local-self-attention-with-gaussian-bias-65506841198821 (READ-ONLY COPY).

The authoritative reference and input builder live on the scoring server;
editing this copy changes nothing except your own understanding.
"""

import jax, jax.numpy as jnp
import numpy as np

H = 12
DH = 64
DIM = 768
PE_DIM = 64
INNER = H * DH

def setup_inputs(seed: int = 0) -> dict:
    key = jax.random.key(seed)
    ks = jax.random.split(key, 12)
    B, L, K = 1, 2048, 16
    x = jax.random.normal(ks[0], (B, L, DIM), dtype=jnp.float32)
    topk_indices = jax.random.randint(ks[1], (B, L, K), 0, L, dtype=jnp.int64)
    rpe = jax.random.normal(ks[2], (B, L, K, PE_DIM), dtype=jnp.float32)
    distances = jax.random.uniform(ks[3], (B, L, K), dtype=jnp.float32)
    Wq = jax.random.normal(ks[4], (DIM, INNER), dtype=jnp.float32) * 0.02
    Wk = jax.random.normal(ks[5], (DIM + PE_DIM, INNER), dtype=jnp.float32) * 0.02
    Wv = jax.random.normal(ks[6], (DIM + PE_DIM, INNER), dtype=jnp.float32) * 0.02
    Wout = jax.random.normal(ks[7], (INNER, DIM), dtype=jnp.float32) * 0.02
    b_out = jnp.zeros((DIM,), dtype=jnp.float32)
    log_sigma = jnp.full((H,), float(np.log(3.0)), dtype=jnp.float32)
    return {"x": x, "topk_indices": topk_indices, "rpe": rpe, "distances": distances,
            "Wq": Wq, "Wk": Wk, "Wv": Wv, "Wout": Wout, "b_out": b_out, "log_sigma": log_sigma}

def reference(x, topk_indices, rpe, distances, Wq, Wk, Wv, Wout, b_out, log_sigma):
    B, L, D = x.shape
    K = topk_indices.shape[-1]
    scale = DH ** (-0.5)
    # gather neighbors: neighbors[b,l,j] = x[b, topk_indices[b,l,j]]
    neighbors = jax.vmap(lambda xb, ib: xb[ib])(x, topk_indices)  # [B,L,K,D]
    context = jnp.concatenate([neighbors, rpe], axis=-1)  # [B,L,K,D+pe]
    Q = x @ Wq                     # [B,L,inner]
    Kp = context @ Wk              # [B,L,K,inner]
    Vp = context @ Wv              # [B,L,K,inner]
    Q = Q.reshape(B, L, H, DH).transpose(0, 2, 1, 3)            # [B,H,L,DH]
    Kp = Kp.reshape(B, L, K, H, DH).transpose(0, 3, 1, 2, 4)    # [B,H,L,K,DH]
    Vp = Vp.reshape(B, L, K, H, DH).transpose(0, 3, 1, 2, 4)    # [B,H,L,K,DH]
    attn = jnp.einsum('bhld,bhlkd->bhlk', Q, Kp) * scale
    sigma = jnp.exp(log_sigma)
    sigma_sq = (sigma ** 2).reshape(1, H, 1, 1)
    dist_sq = (distances ** 2)[:, None, :, :]
    gaussian_bias = -dist_sq / (2.0 * sigma_sq)
    attn = jax.nn.softmax(attn + gaussian_bias, axis=-1)
    out = jnp.einsum('bhlk,bhlkd->bhld', attn, Vp)
    out = out.transpose(0, 2, 1, 3).reshape(B, L, INNER)
    return out @ Wout + b_out

if __name__ == "__main__":
    import jax
    _d = setup_inputs()
    print(jax.jit(kernel)(*tuple(_d.values())))

</pallas_src>

<mosaic_0001>
#map = affine_map<(d0, d1) -> (0, 0)>
#map1 = affine_map<(d0, d1) -> (0)>
module attributes {stable_mosaic.version = 14 : i64} {
  func.func @gather_kernel(%arg0: i32, %arg1: i32, %arg2: memref<2048x768xi32, #tpu.memory_space<hbm>>, %arg3: memref<32768xi32, #tpu.memory_space<hbm>>, %arg4: memref<8192x768xi32, #tpu.memory_space<hbm>>, %arg5: memref<256xi32, #tpu.memory_space<vmem>>, %arg6: memref<64x768xi32, #tpu.memory_space<vmem>>, %arg7: memref<64x768xi32, #tpu.memory_space<vmem>>, %arg8: memref<!tpu.dma_semaphore, #tpu.memory_space<semaphore_mem>>, %arg9: memref<!tpu.dma_semaphore, #tpu.memory_space<semaphore_mem>>, %arg10: memref<!tpu.dma_semaphore, #tpu.memory_space<semaphore_mem>>, %arg11: memref<!tpu.dma_semaphore, #tpu.memory_space<semaphore_mem>>) attributes {dimension_semantics = [#tpu.dimension_semantics<core_parallel>, #tpu.dimension_semantics<subcore_parallel>], iteration_bounds = array<i64: 2, 16>, scalar_prefetch = 0 : i64, scratch_operands = 7 : i64, tpu.core_type = #tpu.core_type<sc_vector_subcore>, window_params = [{transform_indices = #map}, {transform_indices = #map1}, {transform_indices = #map}]} {
    %mul3A = arith.constant 2 : i32
    %mul3A_0 = arith.muli %arg1, %mul3A : i32
    %add3A = arith.addi %mul3A_0, %arg0 : i32
    %mul3A_1 = arith.constant 256 : i32
    %mul3A_2 = arith.muli %add3A, %mul3A_1 : i32
    %add3A_3 = arith.constant 24576 : i32
    %add3A_4 = arith.addi %add3A_3, %mul3A_2 : i32
    "tpu.region"() ({
      %run_scoped3A = tpu.sem_alloc : memref<!tpu.dma_semaphore, #tpu.memory_space<semaphore_mem>>
      %dma_start3A_83 = tpu.memref_slice %arg3[%add3A_4] : memref<32768xi32, #tpu.memory_space<hbm>> -> memref<256xi32, #tpu.memory_space<hbm>>
      %dma_start3A_84 = tpu.memref_slice %arg3[%add3A_4] : memref<32768xi32, #tpu.memory_space<hbm>> -> memref<256xi32, #tpu.memory_space<hbm>>
      tpu.enqueue_dma source(%dma_start3A_84 : memref<256xi32, #tpu.memory_space<hbm>>) target(%arg5 : memref<256xi32, #tpu.memory_space<vmem>>) target_semaphore(%run_scoped3A : memref<!tpu.dma_semaphore, #tpu.memory_space<semaphore_mem>>)
      %dma_wait3A_85 = tpu.memref_slice %arg3[%add3A_4] : memref<32768xi32, #tpu.memory_space<hbm>> -> memref<256xi32, #tpu.memory_space<hbm>>
      %dma_wait3A_86 = tpu.memref_slice %arg3[%add3A_4] : memref<32768xi32, #tpu.memory_space<hbm>> -> memref<256xi32, #tpu.memory_space<hbm>>
      tpu.wait_dma2 semaphore(%run_scoped3A : memref<!tpu.dma_semaphore, #tpu.memory_space<semaphore_mem>>) src(%dma_wait3A_86 : memref<256xi32, #tpu.memory_space<hbm>>) dst(%arg5 : memref<256xi32, #tpu.memory_space<vmem>>)
      tpu.yield
    }) : () -> ()
    %dma_start3A = arith.constant 0 : i32
    %dma_start3A_5 = tpu.memref_slice %arg5[%dma_start3A] : memref<256xi32, #tpu.memory_space<vmem>> -> memref<64xi32, #tpu.memory_space<vmem>>
    %dma_start3A_6 = arith.constant 0 : i32
    %dma_start3A_7 = arith.constant 0 : i32
    %dma_start3A_8 = tpu.memref_slice %arg2[%dma_start3A_6, %dma_start3A_7] : memref<2048x768xi32, #tpu.memory_space<hbm>> -> memref<2048x768xi32, #tpu.memory_space<hbm>>
    tpu.enqueue_indirect_dma source(%dma_start3A_8 : memref<2048x768xi32, #tpu.memory_space<hbm>>) target(%arg6 : memref<64x768xi32, #tpu.memory_space<vmem>>) offsets(%dma_start3A_5 : memref<64xi32, #tpu.memory_space<vmem>>) semaphore(%arg8 : memref<!tpu.dma_semaphore, #tpu.memory_space<semaphore_mem>>)
    %dma_start3A_9 = arith.constant 64 : i32
    %dma_start3A_10 = tpu.memref_slice %arg5[%dma_start3A_9] : memref<256xi32, #tpu.memory_space<vmem>> -> memref<64xi32, #tpu.memory_space<vmem>>
    %dma_start3A_11 = arith.constant 0 : i32
    %dma_start3A_12 = arith.constant 0 : i32
    %dma_start3A_13 = tpu.memref_slice %arg2[%dma_start3A_11, %dma_start3A_12] : memref<2048x768xi32, #tpu.memory_space<hbm>> -> memref<2048x768xi32, #tpu.memory_space<hbm>>
    tpu.enqueue_indirect_dma source(%dma_start3A_13 : memref<2048x768xi32, #tpu.memory_space<hbm>>) target(%arg7 : memref<64x768xi32, #tpu.memory_space<vmem>>) offsets(%dma_start3A_10 : memref<64xi32, #tpu.memory_space<vmem>>) semaphore(%arg9 : memref<!tpu.dma_semaphore, #tpu.memory_space<semaphore_mem>>)
    %dma_wait3A = arith.constant 0 : i32
    %dma_wait3A_14 = tpu.memref_slice %arg5[%dma_wait3A] : memref<256xi32, #tpu.memory_space<vmem>> -> memref<64xi32, #tpu.memory_space<vmem>>
    %dma_wait3A_15 = arith.constant 0 : i32
    %dma_wait3A_16 = arith.constant 0 : i32
    %dma_wait3A_17 = tpu.memref_slice %arg2[%dma_wait3A_15, %dma_wait3A_16] : memref<2048x768xi32, #tpu.memory_space<hbm>> -> memref<2048x768xi32, #tpu.memory_space<hbm>>
    tpu.wait_indirect_dma semaphore(%arg8 : memref<!tpu.dma_semaphore, #tpu.memory_space<semaphore_mem>>) src(%dma_wait3A_17 : memref<2048x768xi32, #tpu.memory_space<hbm>>) dst(%arg6 : memref<64x768xi32, #tpu.memory_space<vmem>>)
    %add3A_18 = arith.constant 0 : i32
    %add3A_19 = arith.addi %mul3A_2, %add3A_18 : i32
    %dma_start3A_20 = arith.constant 0 : i32
    %dma_start3A_21 = tpu.memref_slice %arg4[%add3A_19, %dma_start3A_20] : memref<8192x768xi32, #tpu.memory_space<hbm>> -> memref<64x768xi32, #tpu.memory_space<hbm>>
    %dma_start3A_22 = arith.constant 0 : i32
    %dma_start3A_23 = tpu.memref_slice %arg4[%add3A_19, %dma_start3A_22] : memref<8192x768xi32, #tpu.memory_space<hbm>> -> memref<64x768xi32, #tpu.memory_space<hbm>>
    tpu.enqueue_dma source(%arg6 : memref<64x768xi32, #tpu.memory_space<vmem>>) target(%dma_start3A_23 : memref<64x768xi32, #tpu.memory_space<hbm>>) target_semaphore(%arg10 : memref<!tpu.dma_semaphore, #tpu.memory_space<semaphore_mem>>)
    %dma_wait3A_24 = arith.constant 0 : i32
    %dma_wait3A_25 = tpu.memref_slice %arg4[%add3A_19, %dma_wait3A_24] : memref<8192x768xi32, #tpu.memory_space<hbm>> -> memref<64x768xi32, #tpu.memory_space<hbm>>
    %dma_wait3A_26 = arith.constant 0 : i32
    %dma_wait3A_27 = tpu.memref_slice %arg4[%add3A_19, %dma_wait3A_26] : memref<8192x768xi32, #tpu.memory_space<hbm>> -> memref<64x768xi32, #tpu.memory_space<hbm>>
    tpu.wait_dma2 semaphore(%arg10 : memref<!tpu.dma_semaphore, #tpu.memory_space<semaphore_mem>>) src(%arg6 : memref<64x768xi32, #tpu.memory_space<vmem>>) dst(%dma_wait3A_27 : memref<64x768xi32, #tpu.memory_space<hbm>>)
    %dma_start3A_28 = arith.constant 128 : i32
    %dma_start3A_29 = tpu.memref_slice %arg5[%dma_start3A_28] : memref<256xi32, #tpu.memory_space<vmem>> -> memref<64xi32, #tpu.memory_space<vmem>>
    %dma_start3A_30 = arith.constant 0 : i32
    %dma_start3A_31 = arith.constant 0 : i32
    %dma_start3A_32 = tpu.memref_slice %arg2[%dma_start3A_30, %dma_start3A_31] : memref<2048x768xi32, #tpu.memory_space<hbm>> -> memref<2048x768xi32, #tpu.memory_space<hbm>>
    tpu.enqueue_indirect_dma source(%dma_start3A_32 : memref<2048x768xi32, #tpu.memory_space<hbm>>) target(%arg6 : memref<64x768xi32, #tpu.memory_space<vmem>>) offsets(%dma_start3A_29 : memref<64xi32, #tpu.memory_space<vmem>>) semaphore(%arg8 : memref<!tpu.dma_semaphore, #tpu.memory_space<semaphore_mem>>)
    %dma_wait3A_33 = arith.constant 64 : i32
    %dma_wait3A_34 = tpu.memref_slice %arg5[%dma_wait3A_33] : memref<256xi32, #tpu.memory_space<vmem>> -> memref<64xi32, #tpu.memory_space<vmem>>
    %dma_wait3A_35 = arith.constant 0 : i32
    %dma_wait3A_36 = arith.constant 0 : i32
    %dma_wait3A_37 = tpu.memref_slice %arg2[%dma_wait3A_35, %dma_wait3A_36] : memref<2048x768xi32, #tpu.memory_space<hbm>> -> memref<2048x768xi32, #tpu.memory_space<hbm>>
    tpu.wait_indirect_dma semaphore(%arg9 : memref<!tpu.dma_semaphore, #tpu.memory_space<semaphore_mem>>) src(%dma_wait3A_37 : memref<2048x768xi32, #tpu.memory_space<hbm>>) dst(%arg7 : memref<64x768xi32, #tpu.memory_space<vmem>>)
    %add3A_38 = arith.constant 64 : i32
    %add3A_39 = arith.addi %mul3A_2, %add3A_38 : i32
    %dma_start3A_40 = arith.constant 0 : i32
    %dma_start3A_41 = tpu.memref_slice %arg4[%add3A_39, %dma_start3A_40] : memref<8192x768xi32, #tpu.memory_space<hbm>> -> memref<64x768xi32, #tpu.memory_space<hbm>>
    %dma_start3A_42 = arith.constant 0 : i32
    %dma_start3A_43 = tpu.memref_slice %arg4[%add3A_39, %dma_start3A_42] : memref<8192x768xi32, #tpu.memory_space<hbm>> -> memref<64x768xi32, #tpu.memory_space<hbm>>
    tpu.enqueue_dma source(%arg7 : memref<64x768xi32, #tpu.memory_space<vmem>>) target(%dma_start3A_43 : memref<64x768xi32, #tpu.memory_space<hbm>>) target_semaphore(%arg11 : memref<!tpu.dma_semaphore, #tpu.memory_space<semaphore_mem>>)
    %dma_wait3A_44 = arith.constant 0 : i32
    %dma_wait3A_45 = tpu.memref_slice %arg4[%add3A_39, %dma_wait3A_44] : memref<8192x768xi32, #tpu.memory_space<hbm>> -> memref<64x768xi32, #tpu.memory_space<hbm>>
    %dma_wait3A_46 = arith.constant 0 : i32
    %dma_wait3A_47 = tpu.memref_slice %arg4[%add3A_39, %dma_wait3A_46] : memref<8192x768xi32, #tpu.memory_space<hbm>> -> memref<64x768xi32, #tpu.memory_space<hbm>>
    tpu.wait_dma2 semaphore(%arg11 : memref<!tpu.dma_semaphore, #tpu.memory_space<semaphore_mem>>) src(%arg7 : memref<64x768xi32, #tpu.memory_space<vmem>>) dst(%dma_wait3A_47 : memref<64x768xi32, #tpu.memory_space<hbm>>)
    %dma_start3A_48 = arith.constant 192 : i32
    %dma_start3A_49 = tpu.memref_slice %arg5[%dma_start3A_48] : memref<256xi32, #tpu.memory_space<vmem>> -> memref<64xi32, #tpu.memory_space<vmem>>
    %dma_start3A_50 = arith.constant 0 : i32
    %dma_start3A_51 = arith.constant 0 : i32
    %dma_start3A_52 = tpu.memref_slice %arg2[%dma_start3A_50, %dma_start3A_51] : memref<2048x768xi32, #tpu.memory_space<hbm>> -> memref<2048x768xi32, #tpu.memory_space<hbm>>
    tpu.enqueue_indirect_dma source(%dma_start3A_52 : memref<2048x768xi32, #tpu.memory_space<hbm>>) target(%arg7 : memref<64x768xi32, #tpu.memory_space<vmem>>) offsets(%dma_start3A_49 : memref<64xi32, #tpu.memory_space<vmem>>) semaphore(%arg9 : memref<!tpu.dma_semaphore, #tpu.memory_space<semaphore_mem>>)
    %dma_wait3A_53 = arith.constant 128 : i32
    %dma_wait3A_54 = tpu.memref_slice %arg5[%dma_wait3A_53] : memref<256xi32, #tpu.memory_space<vmem>> -> memref<64xi32, #tpu.memory_space<vmem>>
    %dma_wait3A_55 = arith.constant 0 : i32
    %dma_wait3A_56 = arith.constant 0 : i32
    %dma_wait3A_57 = tpu.memref_slice %arg2[%dma_wait3A_55, %dma_wait3A_56] : memref<2048x768xi32, #tpu.memory_space<hbm>> -> memref<2048x768xi32, #tpu.memory_space<hbm>>
    tpu.wait_indirect_dma semaphore(%arg8 : memref<!tpu.dma_semaphore, #tpu.memory_space<semaphore_mem>>) src(%dma_wait3A_57 : memref<2048x768xi32, #tpu.memory_space<hbm>>) dst(%arg6 : memref<64x768xi32, #tpu.memory_space<vmem>>)
    %add3A_58 = arith.constant 128 : i32
    %add3A_59 = arith.addi %mul3A_2, %add3A_58 : i32
    %dma_start3A_60 = arith.constant 0 : i32
    %dma_start3A_61 = tpu.memref_slice %arg4[%add3A_59, %dma_start3A_60] : memref<8192x768xi32, #tpu.memory_space<hbm>> -> memref<64x768xi32, #tpu.memory_space<hbm>>
    %dma_start3A_62 = arith.constant 0 : i32
    %dma_start3A_63 = tpu.memref_slice %arg4[%add3A_59, %dma_start3A_62] : memref<8192x768xi32, #tpu.memory_space<hbm>> -> memref<64x768xi32, #tpu.memory_space<hbm>>
    tpu.enqueue_dma source(%arg6 : memref<64x768xi32, #tpu.memory_space<vmem>>) target(%dma_start3A_63 : memref<64x768xi32, #tpu.memory_space<hbm>>) target_semaphore(%arg10 : memref<!tpu.dma_semaphore, #tpu.memory_space<semaphore_mem>>)
    %dma_wait3A_64 = arith.constant 192 : i32
    %dma_wait3A_65 = tpu.memref_slice %arg5[%dma_wait3A_64] : memref<256xi32, #tpu.memory_space<vmem>> -> memref<64xi32, #tpu.memory_space<vmem>>
    %dma_wait3A_66 = arith.constant 0 : i32
    %dma_wait3A_67 = arith.constant 0 : i32
    %dma_wait3A_68 = tpu.memref_slice %arg2[%dma_wait3A_66, %dma_wait3A_67] : memref<2048x768xi32, #tpu.memory_space<hbm>> -> memref<2048x768xi32, #tpu.memory_space<hbm>>
    tpu.wait_indirect_dma semaphore(%arg9 : memref<!tpu.dma_semaphore, #tpu.memory_space<semaphore_mem>>) src(%dma_wait3A_68 : memref<2048x768xi32, #tpu.memory_space<hbm>>) dst(%arg7 : memref<64x768xi32, #tpu.memory_space<vmem>>)
    %add3A_69 = arith.constant 192 : i32
    %add3A_70 = arith.addi %mul3A_2, %add3A_69 : i32
    %dma_start3A_71 = arith.constant 0 : i32
    %dma_start3A_72 = tpu.memref_slice %arg4[%add3A_70, %dma_start3A_71] : memref<8192x768xi32, #tpu.memory_space<hbm>> -> memref<64x768xi32, #tpu.memory_space<hbm>>
    %dma_start3A_73 = arith.constant 0 : i32
    %dma_start3A_74 = tpu.memref_slice %arg4[%add3A_70, %dma_start3A_73] : memref<8192x768xi32, #tpu.memory_space<hbm>> -> memref<64x768xi32, #tpu.memory_space<hbm>>
    tpu.enqueue_dma source(%arg7 : memref<64x768xi32, #tpu.memory_space<vmem>>) target(%dma_start3A_74 : memref<64x768xi32, #tpu.memory_space<hbm>>) target_semaphore(%arg11 : memref<!tpu.dma_semaphore, #tpu.memory_space<semaphore_mem>>)
    %dma_wait3A_75 = arith.constant 0 : i32
    %dma_wait3A_76 = tpu.memref_slice %arg4[%add3A_59, %dma_wait3A_75] : memref<8192x768xi32, #tpu.memory_space<hbm>> -> memref<64x768xi32, #tpu.memory_space<hbm>>
    %dma_wait3A_77 = arith.constant 0 : i32
    %dma_wait3A_78 = tpu.memref_slice %arg4[%add3A_59, %dma_wait3A_77] : memref<8192x768xi32, #tpu.memory_space<hbm>> -> memref<64x768xi32, #tpu.memory_space<hbm>>
    tpu.wait_dma2 semaphore(%arg10 : memref<!tpu.dma_semaphore, #tpu.memory_space<semaphore_mem>>) src(%arg6 : memref<64x768xi32, #tpu.memory_space<vmem>>) dst(%dma_wait3A_78 : memref<64x768xi32, #tpu.memory_space<hbm>>)
    %dma_wait3A_79 = arith.constant 0 : i32
    %dma_wait3A_80 = tpu.memref_slice %arg4[%add3A_70, %dma_wait3A_79] : memref<8192x768xi32, #tpu.memory_space<hbm>> -> memref<64x768xi32, #tpu.memory_space<hbm>>
    %dma_wait3A_81 = arith.constant 0 : i32
    %dma_wait3A_82 = tpu.memref_slice %arg4[%add3A_70, %dma_wait3A_81] : memref<8192x768xi32, #tpu.memory_space<hbm>> -> memref<64x768xi32, #tpu.memory_space<hbm>>
    tpu.wait_dma2 semaphore(%arg11 : memref<!tpu.dma_semaphore, #tpu.memory_space<semaphore_mem>>) src(%arg7 : memref<64x768xi32, #tpu.memory_space<vmem>>) dst(%dma_wait3A_82 : memref<64x768xi32, #tpu.memory_space<hbm>>)
    return
  }
}

#map = affine_map<(d0, d1) -> (0, 0)>
#map1 = affine_map<(d0, d1) -> (0)>
module attributes {stable_mosaic.version = 14 : i64} {
  func.func @gather_kernel(%arg0: i32, %arg1: i32, %arg2: memref<2048x768xi32, #tpu.memory_space<hbm>>, %arg3: memref<32768xi32, #tpu.memory_space<hbm>>, %arg4: memref<8192x768xi32, #tpu.memory_space<hbm>>, %arg5: memref<256xi32, #tpu.memory_space<vmem>>, %arg6: memref<64x768xi32, #tpu.memory_space<vmem>>, %arg7: memref<64x768xi32, #tpu.memory_space<vmem>>, %arg8: memref<!tpu.dma_semaphore, #tpu.memory_space<semaphore_mem>>, %arg9: memref<!tpu.dma_semaphore, #tpu.memory_space<semaphore_mem>>, %arg10: memref<!tpu.dma_semaphore, #tpu.memory_space<semaphore_mem>>, %arg11: memref<!tpu.dma_semaphore, #tpu.memory_space<semaphore_mem>>) attributes {dimension_semantics = [#tpu.dimension_semantics<core_parallel>, #tpu.dimension_semantics<subcore_parallel>], iteration_bounds = array<i64: 2, 16>, scalar_prefetch = 0 : i64, scratch_operands = 7 : i64, tpu.core_type = #tpu.core_type<sc_vector_subcore>, window_params = [{transform_indices = #map}, {transform_indices = #map1}, {transform_indices = #map}]} {
    %mul3A = arith.constant 2 : i32
    %mul3A_0 = arith.muli %arg1, %mul3A : i32
    %add3A = arith.addi %mul3A_0, %arg0 : i32
    %mul3A_1 = arith.constant 256 : i32
    %mul3A_2 = arith.muli %add3A, %mul3A_1 : i32
    %add3A_3 = arith.constant 8192 : i32
    %add3A_4 = arith.addi %add3A_3, %mul3A_2 : i32
    "tpu.region"() ({
      %run_scoped3A = tpu.sem_alloc : memref<!tpu.dma_semaphore, #tpu.memory_space<semaphore_mem>>
      %dma_start3A_83 = tpu.memref_slice %arg3[%add3A_4] : memref<32768xi32, #tpu.memory_space<hbm>> -> memref<256xi32, #tpu.memory_space<hbm>>
      %dma_start3A_84 = tpu.memref_slice %arg3[%add3A_4] : memref<32768xi32, #tpu.memory_space<hbm>> -> memref<256xi32, #tpu.memory_space<hbm>>
      tpu.enqueue_dma source(%dma_start3A_84 : memref<256xi32, #tpu.memory_space<hbm>>) target(%arg5 : memref<256xi32, #tpu.memory_space<vmem>>) target_semaphore(%run_scoped3A : memref<!tpu.dma_semaphore, #tpu.memory_space<semaphore_mem>>)
      %dma_wait3A_85 = tpu.memref_slice %arg3[%add3A_4] : memref<32768xi32, #tpu.memory_space<hbm>> -> memref<256xi32, #tpu.memory_space<hbm>>
      %dma_wait3A_86 = tpu.memref_slice %arg3[%add3A_4] : memref<32768xi32, #tpu.memory_space<hbm>> -> memref<256xi32, #tpu.memory_space<hbm>>
      tpu.wait_dma2 semaphore(%run_scoped3A : memref<!tpu.dma_semaphore, #tpu.memory_space<semaphore_mem>>) src(%dma_wait3A_86 : memref<256xi32, #tpu.memory_space<hbm>>) dst(%arg5 : memref<256xi32, #tpu.memory_space<vmem>>)
      tpu.yield
    }) : () -> ()
    %dma_start3A = arith.constant 0 : i32
    %dma_start3A_5 = tpu.memref_slice %arg5[%dma_start3A] : memref<256xi32, #tpu.memory_space<vmem>> -> memref<64xi32, #tpu.memory_space<vmem>>
    %dma_start3A_6 = arith.constant 0 : i32
    %dma_start3A_7 = arith.constant 0 : i32
    %dma_start3A_8 = tpu.memref_slice %arg2[%dma_start3A_6, %dma_start3A_7] : memref<2048x768xi32, #tpu.memory_space<hbm>> -> memref<2048x768xi32, #tpu.memory_space<hbm>>
    tpu.enqueue_indirect_dma source(%dma_start3A_8 : memref<2048x768xi32, #tpu.memory_space<hbm>>) target(%arg6 : memref<64x768xi32, #tpu.memory_space<vmem>>) offsets(%dma_start3A_5 : memref<64xi32, #tpu.memory_space<vmem>>) semaphore(%arg8 : memref<!tpu.dma_semaphore, #tpu.memory_space<semaphore_mem>>)
    %dma_start3A_9 = arith.constant 64 : i32
    %dma_start3A_10 = tpu.memref_slice %arg5[%dma_start3A_9] : memref<256xi32, #tpu.memory_space<vmem>> -> memref<64xi32, #tpu.memory_space<vmem>>
    %dma_start3A_11 = arith.constant 0 : i32
    %dma_start3A_12 = arith.constant 0 : i32
    %dma_start3A_13 = tpu.memref_slice %arg2[%dma_start3A_11, %dma_start3A_12] : memref<2048x768xi32, #tpu.memory_space<hbm>> -> memref<2048x768xi32, #tpu.memory_space<hbm>>
    tpu.enqueue_indirect_dma source(%dma_start3A_13 : memref<2048x768xi32, #tpu.memory_space<hbm>>) target(%arg7 : memref<64x768xi32, #tpu.memory_space<vmem>>) offsets(%dma_start3A_10 : memref<64xi32, #tpu.memory_space<vmem>>) semaphore(%arg9 : memref<!tpu.dma_semaphore, #tpu.memory_space<semaphore_mem>>)
    %dma_wait3A = arith.constant 0 : i32
    %dma_wait3A_14 = tpu.memref_slice %arg5[%dma_wait3A] : memref<256xi32, #tpu.memory_space<vmem>> -> memref<64xi32, #tpu.memory_space<vmem>>
    %dma_wait3A_15 = arith.constant 0 : i32
    %dma_wait3A_16 = arith.constant 0 : i32
    %dma_wait3A_17 = tpu.memref_slice %arg2[%dma_wait3A_15, %dma_wait3A_16] : memref<2048x768xi32, #tpu.memory_space<hbm>> -> memref<2048x768xi32, #tpu.memory_space<hbm>>
    tpu.wait_indirect_dma semaphore(%arg8 : memref<!tpu.dma_semaphore, #tpu.memory_space<semaphore_mem>>) src(%dma_wait3A_17 : memref<2048x768xi32, #tpu.memory_space<hbm>>) dst(%arg6 : memref<64x768xi32, #tpu.memory_space<vmem>>)
    %add3A_18 = arith.constant 0 : i32
    %add3A_19 = arith.addi %mul3A_2, %add3A_18 : i32
    %dma_start3A_20 = arith.constant 0 : i32
    %dma_start3A_21 = tpu.memref_slice %arg4[%add3A_19, %dma_start3A_20] : memref<8192x768xi32, #tpu.memory_space<hbm>> -> memref<64x768xi32, #tpu.memory_space<hbm>>
    %dma_start3A_22 = arith.constant 0 : i32
    %dma_start3A_23 = tpu.memref_slice %arg4[%add3A_19, %dma_start3A_22] : memref<8192x768xi32, #tpu.memory_space<hbm>> -> memref<64x768xi32, #tpu.memory_space<hbm>>
    tpu.enqueue_dma source(%arg6 : memref<64x768xi32, #tpu.memory_space<vmem>>) target(%dma_start3A_23 : memref<64x768xi32, #tpu.memory_space<hbm>>) target_semaphore(%arg10 : memref<!tpu.dma_semaphore, #tpu.memory_space<semaphore_mem>>)
    %dma_wait3A_24 = arith.constant 0 : i32
    %dma_wait3A_25 = tpu.memref_slice %arg4[%add3A_19, %dma_wait3A_24] : memref<8192x768xi32, #tpu.memory_space<hbm>> -> memref<64x768xi32, #tpu.memory_space<hbm>>
    %dma_wait3A_26 = arith.constant 0 : i32
    %dma_wait3A_27 = tpu.memref_slice %arg4[%add3A_19, %dma_wait3A_26] : memref<8192x768xi32, #tpu.memory_space<hbm>> -> memref<64x768xi32, #tpu.memory_space<hbm>>
    tpu.wait_dma2 semaphore(%arg10 : memref<!tpu.dma_semaphore, #tpu.memory_space<semaphore_mem>>) src(%arg6 : memref<64x768xi32, #tpu.memory_space<vmem>>) dst(%dma_wait3A_27 : memref<64x768xi32, #tpu.memory_space<hbm>>)
    %dma_start3A_28 = arith.constant 128 : i32
    %dma_start3A_29 = tpu.memref_slice %arg5[%dma_start3A_28] : memref<256xi32, #tpu.memory_space<vmem>> -> memref<64xi32, #tpu.memory_space<vmem>>
    %dma_start3A_30 = arith.constant 0 : i32
    %dma_start3A_31 = arith.constant 0 : i32
    %dma_start3A_32 = tpu.memref_slice %arg2[%dma_start3A_30, %dma_start3A_31] : memref<2048x768xi32, #tpu.memory_space<hbm>> -> memref<2048x768xi32, #tpu.memory_space<hbm>>
    tpu.enqueue_indirect_dma source(%dma_start3A_32 : memref<2048x768xi32, #tpu.memory_space<hbm>>) target(%arg6 : memref<64x768xi32, #tpu.memory_space<vmem>>) offsets(%dma_start3A_29 : memref<64xi32, #tpu.memory_space<vmem>>) semaphore(%arg8 : memref<!tpu.dma_semaphore, #tpu.memory_space<semaphore_mem>>)
    %dma_wait3A_33 = arith.constant 64 : i32
    %dma_wait3A_34 = tpu.memref_slice %arg5[%dma_wait3A_33] : memref<256xi32, #tpu.memory_space<vmem>> -> memref<64xi32, #tpu.memory_space<vmem>>
    %dma_wait3A_35 = arith.constant 0 : i32
    %dma_wait3A_36 = arith.constant 0 : i32
    %dma_wait3A_37 = tpu.memref_slice %arg2[%dma_wait3A_35, %dma_wait3A_36] : memref<2048x768xi32, #tpu.memory_space<hbm>> -> memref<2048x768xi32, #tpu.memory_space<hbm>>
    tpu.wait_indirect_dma semaphore(%arg9 : memref<!tpu.dma_semaphore, #tpu.memory_space<semaphore_mem>>) src(%dma_wait3A_37 : memref<2048x768xi32, #tpu.memory_space<hbm>>) dst(%arg7 : memref<64x768xi32, #tpu.memory_space<vmem>>)
    %add3A_38 = arith.constant 64 : i32
    %add3A_39 = arith.addi %mul3A_2, %add3A_38 : i32
    %dma_start3A_40 = arith.constant 0 : i32
    %dma_start3A_41 = tpu.memref_slice %arg4[%add3A_39, %dma_start3A_40] : memref<8192x768xi32, #tpu.memory_space<hbm>> -> memref<64x768xi32, #tpu.memory_space<hbm>>
    %dma_start3A_42 = arith.constant 0 : i32
    %dma_start3A_43 = tpu.memref_slice %arg4[%add3A_39, %dma_start3A_42] : memref<8192x768xi32, #tpu.memory_space<hbm>> -> memref<64x768xi32, #tpu.memory_space<hbm>>
    tpu.enqueue_dma source(%arg7 : memref<64x768xi32, #tpu.memory_space<vmem>>) target(%dma_start3A_43 : memref<64x768xi32, #tpu.memory_space<hbm>>) target_semaphore(%arg11 : memref<!tpu.dma_semaphore, #tpu.memory_space<semaphore_mem>>)
    %dma_wait3A_44 = arith.constant 0 : i32
    %dma_wait3A_45 = tpu.memref_slice %arg4[%add3A_39, %dma_wait3A_44] : memref<8192x768xi32, #tpu.memory_space<hbm>> -> memref<64x768xi32, #tpu.memory_space<hbm>>
    %dma_wait3A_46 = arith.constant 0 : i32
    %dma_wait3A_47 = tpu.memref_slice %arg4[%add3A_39, %dma_wait3A_46] : memref<8192x768xi32, #tpu.memory_space<hbm>> -> memref<64x768xi32, #tpu.memory_space<hbm>>
    tpu.wait_dma2 semaphore(%arg11 : memref<!tpu.dma_semaphore, #tpu.memory_space<semaphore_mem>>) src(%arg7 : memref<64x768xi32, #tpu.memory_space<vmem>>) dst(%dma_wait3A_47 : memref<64x768xi32, #tpu.memory_space<hbm>>)
    %dma_start3A_48 = arith.constant 192 : i32
    %dma_start3A_49 = tpu.memref_slice %arg5[%dma_start3A_48] : memref<256xi32, #tpu.memory_space<vmem>> -> memref<64xi32, #tpu.memory_space<vmem>>
    %dma_start3A_50 = arith.constant 0 : i32
    %dma_start3A_51 = arith.constant 0 : i32
    %dma_start3A_52 = tpu.memref_slice %arg2[%dma_start3A_50, %dma_start3A_51] : memref<2048x768xi32, #tpu.memory_space<hbm>> -> memref<2048x768xi32, #tpu.memory_space<hbm>>
    tpu.enqueue_indirect_dma source(%dma_start3A_52 : memref<2048x768xi32, #tpu.memory_space<hbm>>) target(%arg7 : memref<64x768xi32, #tpu.memory_space<vmem>>) offsets(%dma_start3A_49 : memref<64xi32, #tpu.memory_space<vmem>>) semaphore(%arg9 : memref<!tpu.dma_semaphore, #tpu.memory_space<semaphore_mem>>)
    %dma_wait3A_53 = arith.constant 128 : i32
    %dma_wait3A_54 = tpu.memref_slice %arg5[%dma_wait3A_53] : memref<256xi32, #tpu.memory_space<vmem>> -> memref<64xi32, #tpu.memory_space<vmem>>
    %dma_wait3A_55 = arith.constant 0 : i32
    %dma_wait3A_56 = arith.constant 0 : i32
    %dma_wait3A_57 = tpu.memref_slice %arg2[%dma_wait3A_55, %dma_wait3A_56] : memref<2048x768xi32, #tpu.memory_space<hbm>> -> memref<2048x768xi32, #tpu.memory_space<hbm>>
    tpu.wait_indirect_dma semaphore(%arg8 : memref<!tpu.dma_semaphore, #tpu.memory_space<semaphore_mem>>) src(%dma_wait3A_57 : memref<2048x768xi32, #tpu.memory_space<hbm>>) dst(%arg6 : memref<64x768xi32, #tpu.memory_space<vmem>>)
    %add3A_58 = arith.constant 128 : i32
    %add3A_59 = arith.addi %mul3A_2, %add3A_58 : i32
    %dma_start3A_60 = arith.constant 0 : i32
    %dma_start3A_61 = tpu.memref_slice %arg4[%add3A_59, %dma_start3A_60] : memref<8192x768xi32, #tpu.memory_space<hbm>> -> memref<64x768xi32, #tpu.memory_space<hbm>>
    %dma_start3A_62 = arith.constant 0 : i32
    %dma_start3A_63 = tpu.memref_slice %arg4[%add3A_59, %dma_start3A_62] : memref<8192x768xi32, #tpu.memory_space<hbm>> -> memref<64x768xi32, #tpu.memory_space<hbm>>
    tpu.enqueue_dma source(%arg6 : memref<64x768xi32, #tpu.memory_space<vmem>>) target(%dma_start3A_63 : memref<64x768xi32, #tpu.memory_space<hbm>>) target_semaphore(%arg10 : memref<!tpu.dma_semaphore, #tpu.memory_space<semaphore_mem>>)
    %dma_wait3A_64 = arith.constant 192 : i32
    %dma_wait3A_65 = tpu.memref_slice %arg5[%dma_wait3A_64] : memref<256xi32, #tpu.memory_space<vmem>> -> memref<64xi32, #tpu.memory_space<vmem>>
    %dma_wait3A_66 = arith.constant 0 : i32
    %dma_wait3A_67 = arith.constant 0 : i32
    %dma_wait3A_68 = tpu.memref_slice %arg2[%dma_wait3A_66, %dma_wait3A_67] : memref<2048x768xi32, #tpu.memory_space<hbm>> -> memref<2048x768xi32, #tpu.memory_space<hbm>>
    tpu.wait_indirect_dma semaphore(%arg9 : memref<!tpu.dma_semaphore, #tpu.memory_space<semaphore_mem>>) src(%dma_wait3A_68 : memref<2048x768xi32, #tpu.memory_space<hbm>>) dst(%arg7 : memref<64x768xi32, #tpu.memory_space<vmem>>)
    %add3A_69 = arith.constant 192 : i32
    %add3A_70 = arith.addi %mul3A_2, %add3A_69 : i32
    %dma_start3A_71 = arith.constant 0 : i32
    %dma_start3A_72 = tpu.memref_slice %arg4[%add3A_70, %dma_start3A_71] : memref<8192x768xi32, #tpu.memory_space<hbm>> -> memref<64x768xi32, #tpu.memory_space<hbm>>
    %dma_start3A_73 = arith.constant 0 : i32
    %dma_start3A_74 = tpu.memref_slice %arg4[%add3A_70, %dma_start3A_73] : memref<8192x768xi32, #tpu.memory_space<hbm>> -> memref<64x768xi32, #tpu.memory_space<hbm>>
    tpu.enqueue_dma source(%arg7 : memref<64x768xi32, #tpu.memory_space<vmem>>) target(%dma_start3A_74 : memref<64x768xi32, #tpu.memory_space<hbm>>) target_semaphore(%arg11 : memref<!tpu.dma_semaphore, #tpu.memory_space<semaphore_mem>>)
    %dma_wait3A_75 = arith.constant 0 : i32
    %dma_wait3A_76 = tpu.memref_slice %arg4[%add3A_59, %dma_wait3A_75] : memref<8192x768xi32, #tpu.memory_space<hbm>> -> memref<64x768xi32, #tpu.memory_space<hbm>>
    %dma_wait3A_77 = arith.constant 0 : i32
    %dma_wait3A_78 = tpu.memref_slice %arg4[%add3A_59, %dma_wait3A_77] : memref<8192x768xi32, #tpu.memory_space<hbm>> -> memref<64x768xi32, #tpu.memory_space<hbm>>
    tpu.wait_dma2 semaphore(%arg10 : memref<!tpu.dma_semaphore, #tpu.memory_space<semaphore_mem>>) src(%arg6 : memref<64x768xi32, #tpu.memory_space<vmem>>) dst(%dma_wait3A_78 : memref<64x768xi32, #tpu.memory_space<hbm>>)
    %dma_wait3A_79 = arith.constant 0 : i32
    %dma_wait3A_80 = tpu.memref_slice %arg4[%add3A_70, %dma_wait3A_79] : memref<8192x768xi32, #tpu.memory_space<hbm>> -> memref<64x768xi32, #tpu.memory_space<hbm>>
    %dma_wait3A_81 = arith.constant 0 : i32
    %dma_wait3A_82 = tpu.memref_slice %arg4[%add3A_70, %dma_wait3A_81] : memref<8192x768xi32, #tpu.memory_space<hbm>> -> memref<64x768xi32, #tpu.memory_space<hbm>>
    tpu.wait_dma2 semaphore(%arg11 : memref<!tpu.dma_semaphore, #tpu.memory_space<semaphore_mem>>) src(%arg7 : memref<64x768xi32, #tpu.memory_space<vmem>>) dst(%dma_wait3A_82 : memref<64x768xi32, #tpu.memory_space<hbm>>)
    return
  }
}

#map = affine_map<(d0, d1) -> (0, 0)>
#map1 = affine_map<(d0, d1) -> (0)>
module attributes {stable_mosaic.version = 14 : i64} {
  func.func @gather_kernel(%arg0: i32, %arg1: i32, %arg2: memref<2048x768xi32, #tpu.memory_space<hbm>>, %arg3: memref<32768xi32, #tpu.memory_space<hbm>>, %arg4: memref<8192x768xi32, #tpu.memory_space<hbm>>, %arg5: memref<256xi32, #tpu.memory_space<vmem>>, %arg6: memref<64x768xi32, #tpu.memory_space<vmem>>, %arg7: memref<64x768xi32, #tpu.memory_space<vmem>>, %arg8: memref<!tpu.dma_semaphore, #tpu.memory_space<semaphore_mem>>, %arg9: memref<!tpu.dma_semaphore, #tpu.memory_space<semaphore_mem>>, %arg10: memref<!tpu.dma_semaphore, #tpu.memory_space<semaphore_mem>>, %arg11: memref<!tpu.dma_semaphore, #tpu.memory_space<semaphore_mem>>) attributes {dimension_semantics = [#tpu.dimension_semantics<core_parallel>, #tpu.dimension_semantics<subcore_parallel>], iteration_bounds = array<i64: 2, 16>, scalar_prefetch = 0 : i64, scratch_operands = 7 : i64, tpu.core_type = #tpu.core_type<sc_vector_subcore>, window_params = [{transform_indices = #map}, {transform_indices = #map1}, {transform_indices = #map}]} {
    %mul3A = arith.constant 2 : i32
    %mul3A_0 = arith.muli %arg1, %mul3A : i32
    %add3A = arith.addi %mul3A_0, %arg0 : i32
    %mul3A_1 = arith.constant 256 : i32
    %mul3A_2 = arith.muli %add3A, %mul3A_1 : i32
    %add3A_3 = arith.constant 16384 : i32
    %add3A_4 = arith.addi %add3A_3, %mul3A_2 : i32
    "tpu.region"() ({
      %run_scoped3A = tpu.sem_alloc : memref<!tpu.dma_semaphore, #tpu.memory_space<semaphore_mem>>
      %dma_start3A_83 = tpu.memref_slice %arg3[%add3A_4] : memref<32768xi32, #tpu.memory_space<hbm>> -> memref<256xi32, #tpu.memory_space<hbm>>
      %dma_start3A_84 = tpu.memref_slice %arg3[%add3A_4] : memref<32768xi32, #tpu.memory_space<hbm>> -> memref<256xi32, #tpu.memory_space<hbm>>
      tpu.enqueue_dma source(%dma_start3A_84 : memref<256xi32, #tpu.memory_space<hbm>>) target(%arg5 : memref<256xi32, #tpu.memory_space<vmem>>) target_semaphore(%run_scoped3A : memref<!tpu.dma_semaphore, #tpu.memory_space<semaphore_mem>>)
      %dma_wait3A_85 = tpu.memref_slice %arg3[%add3A_4] : memref<32768xi32, #tpu.memory_space<hbm>> -> memref<256xi32, #tpu.memory_space<hbm>>
      %dma_wait3A_86 = tpu.memref_slice %arg3[%add3A_4] : memref<32768xi32, #tpu.memory_space<hbm>> -> memref<256xi32, #tpu.memory_space<hbm>>
      tpu.wait_dma2 semaphore(%run_scoped3A : memref<!tpu.dma_semaphore, #tpu.memory_space<semaphore_mem>>) src(%dma_wait3A_86 : memref<256xi32, #tpu.memory_space<hbm>>) dst(%arg5 : memref<256xi32, #tpu.memory_space<vmem>>)
      tpu.yield
    }) : () -> ()
    %dma_start3A = arith.constant 0 : i32
    %dma_start3A_5 = tpu.memref_slice %arg5[%dma_start3A] : memref<256xi32, #tpu.memory_space<vmem>> -> memref<64xi32, #tpu.memory_space<vmem>>
    %dma_start3A_6 = arith.constant 0 : i32
    %dma_start3A_7 = arith.constant 0 : i32
    %dma_start3A_8 = tpu.memref_slice %arg2[%dma_start3A_6, %dma_start3A_7] : memref<2048x768xi32, #tpu.memory_space<hbm>> -> memref<2048x768xi32, #tpu.memory_space<hbm>>
    tpu.enqueue_indirect_dma source(%dma_start3A_8 : memref<2048x768xi32, #tpu.memory_space<hbm>>) target(%arg6 : memref<64x768xi32, #tpu.memory_space<vmem>>) offsets(%dma_start3A_5 : memref<64xi32, #tpu.memory_space<vmem>>) semaphore(%arg8 : memref<!tpu.dma_semaphore, #tpu.memory_space<semaphore_mem>>)
    %dma_start3A_9 = arith.constant 64 : i32
    %dma_start3A_10 = tpu.memref_slice %arg5[%dma_start3A_9] : memref<256xi32, #tpu.memory_space<vmem>> -> memref<64xi32, #tpu.memory_space<vmem>>
    %dma_start3A_11 = arith.constant 0 : i32
    %dma_start3A_12 = arith.constant 0 : i32
    %dma_start3A_13 = tpu.memref_slice %arg2[%dma_start3A_11, %dma_start3A_12] : memref<2048x768xi32, #tpu.memory_space<hbm>> -> memref<2048x768xi32, #tpu.memory_space<hbm>>
    tpu.enqueue_indirect_dma source(%dma_start3A_13 : memref<2048x768xi32, #tpu.memory_space<hbm>>) target(%arg7 : memref<64x768xi32, #tpu.memory_space<vmem>>) offsets(%dma_start3A_10 : memref<64xi32, #tpu.memory_space<vmem>>) semaphore(%arg9 : memref<!tpu.dma_semaphore, #tpu.memory_space<semaphore_mem>>)
    %dma_wait3A = arith.constant 0 : i32
    %dma_wait3A_14 = tpu.memref_slice %arg5[%dma_wait3A] : memref<256xi32, #tpu.memory_space<vmem>> -> memref<64xi32, #tpu.memory_space<vmem>>
    %dma_wait3A_15 = arith.constant 0 : i32
    %dma_wait3A_16 = arith.constant 0 : i32
    %dma_wait3A_17 = tpu.memref_slice %arg2[%dma_wait3A_15, %dma_wait3A_16] : memref<2048x768xi32, #tpu.memory_space<hbm>> -> memref<2048x768xi32, #tpu.memory_space<hbm>>
    tpu.wait_indirect_dma semaphore(%arg8 : memref<!tpu.dma_semaphore, #tpu.memory_space<semaphore_mem>>) src(%dma_wait3A_17 : memref<2048x768xi32, #tpu.memory_space<hbm>>) dst(%arg6 : memref<64x768xi32, #tpu.memory_space<vmem>>)
    %add3A_18 = arith.constant 0 : i32
    %add3A_19 = arith.addi %mul3A_2, %add3A_18 : i32
    %dma_start3A_20 = arith.constant 0 : i32
    %dma_start3A_21 = tpu.memref_slice %arg4[%add3A_19, %dma_start3A_20] : memref<8192x768xi32, #tpu.memory_space<hbm>> -> memref<64x768xi32, #tpu.memory_space<hbm>>
    %dma_start3A_22 = arith.constant 0 : i32
    %dma_start3A_23 = tpu.memref_slice %arg4[%add3A_19, %dma_start3A_22] : memref<8192x768xi32, #tpu.memory_space<hbm>> -> memref<64x768xi32, #tpu.memory_space<hbm>>
    tpu.enqueue_dma source(%arg6 : memref<64x768xi32, #tpu.memory_space<vmem>>) target(%dma_start3A_23 : memref<64x768xi32, #tpu.memory_space<hbm>>) target_semaphore(%arg10 : memref<!tpu.dma_semaphore, #tpu.memory_space<semaphore_mem>>)
    %dma_wait3A_24 = arith.constant 0 : i32
    %dma_wait3A_25 = tpu.memref_slice %arg4[%add3A_19, %dma_wait3A_24] : memref<8192x768xi32, #tpu.memory_space<hbm>> -> memref<64x768xi32, #tpu.memory_space<hbm>>
    %dma_wait3A_26 = arith.constant 0 : i32
    %dma_wait3A_27 = tpu.memref_slice %arg4[%add3A_19, %dma_wait3A_26] : memref<8192x768xi32, #tpu.memory_space<hbm>> -> memref<64x768xi32, #tpu.memory_space<hbm>>
    tpu.wait_dma2 semaphore(%arg10 : memref<!tpu.dma_semaphore, #tpu.memory_space<semaphore_mem>>) src(%arg6 : memref<64x768xi32, #tpu.memory_space<vmem>>) dst(%dma_wait3A_27 : memref<64x768xi32, #tpu.memory_space<hbm>>)
    %dma_start3A_28 = arith.constant 128 : i32
    %dma_start3A_29 = tpu.memref_slice %arg5[%dma_start3A_28] : memref<256xi32, #tpu.memory_space<vmem>> -> memref<64xi32, #tpu.memory_space<vmem>>
    %dma_start3A_30 = arith.constant 0 : i32
    %dma_start3A_31 = arith.constant 0 : i32
    %dma_start3A_32 = tpu.memref_slice %arg2[%dma_start3A_30, %dma_start3A_31] : memref<2048x768xi32, #tpu.memory_space<hbm>> -> memref<2048x768xi32, #tpu.memory_space<hbm>>
    tpu.enqueue_indirect_dma source(%dma_start3A_32 : memref<2048x768xi32, #tpu.memory_space<hbm>>) target(%arg6 : memref<64x768xi32, #tpu.memory_space<vmem>>) offsets(%dma_start3A_29 : memref<64xi32, #tpu.memory_space<vmem>>) semaphore(%arg8 : memref<!tpu.dma_semaphore, #tpu.memory_space<semaphore_mem>>)
    %dma_wait3A_33 = arith.constant 64 : i32
    %dma_wait3A_34 = tpu.memref_slice %arg5[%dma_wait3A_33] : memref<256xi32, #tpu.memory_space<vmem>> -> memref<64xi32, #tpu.memory_space<vmem>>
    %dma_wait3A_35 = arith.constant 0 : i32
    %dma_wait3A_36 = arith.constant 0 : i32
    %dma_wait3A_37 = tpu.memref_slice %arg2[%dma_wait3A_35, %dma_wait3A_36] : memref<2048x768xi32, #tpu.memory_space<hbm>> -> memref<2048x768xi32, #tpu.memory_space<hbm>>
    tpu.wait_indirect_dma semaphore(%arg9 : memref<!tpu.dma_semaphore, #tpu.memory_space<semaphore_mem>>) src(%dma_wait3A_37 : memref<2048x768xi32, #tpu.memory_space<hbm>>) dst(%arg7 : memref<64x768xi32, #tpu.memory_space<vmem>>)
    %add3A_38 = arith.constant 64 : i32
    %add3A_39 = arith.addi %mul3A_2, %add3A_38 : i32
    %dma_start3A_40 = arith.constant 0 : i32
    %dma_start3A_41 = tpu.memref_slice %arg4[%add3A_39, %dma_start3A_40] : memref<8192x768xi32, #tpu.memory_space<hbm>> -> memref<64x768xi32, #tpu.memory_space<hbm>>
    %dma_start3A_42 = arith.constant 0 : i32
    %dma_start3A_43 = tpu.memref_slice %arg4[%add3A_39, %dma_start3A_42] : memref<8192x768xi32, #tpu.memory_space<hbm>> -> memref<64x768xi32, #tpu.memory_space<hbm>>
    tpu.enqueue_dma source(%arg7 : memref<64x768xi32, #tpu.memory_space<vmem>>) target(%dma_start3A_43 : memref<64x768xi32, #tpu.memory_space<hbm>>) target_semaphore(%arg11 : memref<!tpu.dma_semaphore, #tpu.memory_space<semaphore_mem>>)
    %dma_wait3A_44 = arith.constant 0 : i32
    %dma_wait3A_45 = tpu.memref_slice %arg4[%add3A_39, %dma_wait3A_44] : memref<8192x768xi32, #tpu.memory_space<hbm>> -> memref<64x768xi32, #tpu.memory_space<hbm>>
    %dma_wait3A_46 = arith.constant 0 : i32
    %dma_wait3A_47 = tpu.memref_slice %arg4[%add3A_39, %dma_wait3A_46] : memref<8192x768xi32, #tpu.memory_space<hbm>> -> memref<64x768xi32, #tpu.memory_space<hbm>>
    tpu.wait_dma2 semaphore(%arg11 : memref<!tpu.dma_semaphore, #tpu.memory_space<semaphore_mem>>) src(%arg7 : memref<64x768xi32, #tpu.memory_space<vmem>>) dst(%dma_wait3A_47 : memref<64x768xi32, #tpu.memory_space<hbm>>)
    %dma_start3A_48 = arith.constant 192 : i32
    %dma_start3A_49 = tpu.memref_slice %arg5[%dma_start3A_48] : memref<256xi32, #tpu.memory_space<vmem>> -> memref<64xi32, #tpu.memory_space<vmem>>
    %dma_start3A_50 = arith.constant 0 : i32
    %dma_start3A_51 = arith.constant 0 : i32
    %dma_start3A_52 = tpu.memref_slice %arg2[%dma_start3A_50, %dma_start3A_51] : memref<2048x768xi32, #tpu.memory_space<hbm>> -> memref<2048x768xi32, #tpu.memory_space<hbm>>
    tpu.enqueue_indirect_dma source(%dma_start3A_52 : memref<2048x768xi32, #tpu.memory_space<hbm>>) target(%arg7 : memref<64x768xi32, #tpu.memory_space<vmem>>) offsets(%dma_start3A_49 : memref<64xi32, #tpu.memory_space<vmem>>) semaphore(%arg9 : memref<!tpu.dma_semaphore, #tpu.memory_space<semaphore_mem>>)
    %dma_wait3A_53 = arith.constant 128 : i32
    %dma_wait3A_54 = tpu.memref_slice %arg5[%dma_wait3A_53] : memref<256xi32, #tpu.memory_space<vmem>> -> memref<64xi32, #tpu.memory_space<vmem>>
    %dma_wait3A_55 = arith.constant 0 : i32
    %dma_wait3A_56 = arith.constant 0 : i32
    %dma_wait3A_57 = tpu.memref_slice %arg2[%dma_wait3A_55, %dma_wait3A_56] : memref<2048x768xi32, #tpu.memory_space<hbm>> -> memref<2048x768xi32, #tpu.memory_space<hbm>>
    tpu.wait_indirect_dma semaphore(%arg8 : memref<!tpu.dma_semaphore, #tpu.memory_space<semaphore_mem>>) src(%dma_wait3A_57 : memref<2048x768xi32, #tpu.memory_space<hbm>>) dst(%arg6 : memref<64x768xi32, #tpu.memory_space<vmem>>)
    %add3A_58 = arith.constant 128 : i32
    %add3A_59 = arith.addi %mul3A_2, %add3A_58 : i32
    %dma_start3A_60 = arith.constant 0 : i32
    %dma_start3A_61 = tpu.memref_slice %arg4[%add3A_59, %dma_start3A_60] : memref<8192x768xi32, #tpu.memory_space<hbm>> -> memref<64x768xi32, #tpu.memory_space<hbm>>
    %dma_start3A_62 = arith.constant 0 : i32
    %dma_start3A_63 = tpu.memref_slice %arg4[%add3A_59, %dma_start3A_62] : memref<8192x768xi32, #tpu.memory_space<hbm>> -> memref<64x768xi32, #tpu.memory_space<hbm>>
    tpu.enqueue_dma source(%arg6 : memref<64x768xi32, #tpu.memory_space<vmem>>) target(%dma_start3A_63 : memref<64x768xi32, #tpu.memory_space<hbm>>) target_semaphore(%arg10 : memref<!tpu.dma_semaphore, #tpu.memory_space<semaphore_mem>>)
    %dma_wait3A_64 = arith.constant 192 : i32
    %dma_wait3A_65 = tpu.memref_slice %arg5[%dma_wait3A_64] : memref<256xi32, #tpu.memory_space<vmem>> -> memref<64xi32, #tpu.memory_space<vmem>>
    %dma_wait3A_66 = arith.constant 0 : i32
    %dma_wait3A_67 = arith.constant 0 : i32
    %dma_wait3A_68 = tpu.memref_slice %arg2[%dma_wait3A_66, %dma_wait3A_67] : memref<2048x768xi32, #tpu.memory_space<hbm>> -> memref<2048x768xi32, #tpu.memory_space<hbm>>
    tpu.wait_indirect_dma semaphore(%arg9 : memref<!tpu.dma_semaphore, #tpu.memory_space<semaphore_mem>>) src(%dma_wait3A_68 : memref<2048x768xi32, #tpu.memory_space<hbm>>) dst(%arg7 : memref<64x768xi32, #tpu.memory_space<vmem>>)
    %add3A_69 = arith.constant 192 : i32
    %add3A_70 = arith.addi %mul3A_2, %add3A_69 : i32
    %dma_start3A_71 = arith.constant 0 : i32
    %dma_start3A_72 = tpu.memref_slice %arg4[%add3A_70, %dma_start3A_71] : memref<8192x768xi32, #tpu.memory_space<hbm>> -> memref<64x768xi32, #tpu.memory_space<hbm>>
    %dma_start3A_73 = arith.constant 0 : i32
    %dma_start3A_74 = tpu.memref_slice %arg4[%add3A_70, %dma_start3A_73] : memref<8192x768xi32, #tpu.memory_space<hbm>> -> memref<64x768xi32, #tpu.memory_space<hbm>>
    tpu.enqueue_dma source(%arg7 : memref<64x768xi32, #tpu.memory_space<vmem>>) target(%dma_start3A_74 : memref<64x768xi32, #tpu.memory_space<hbm>>) target_semaphore(%arg11 : memref<!tpu.dma_semaphore, #tpu.memory_space<semaphore_mem>>)
    %dma_wait3A_75 = arith.constant 0 : i32
    %dma_wait3A_76 = tpu.memref_slice %arg4[%add3A_59, %dma_wait3A_75] : memref<8192x768xi32, #tpu.memory_space<hbm>> -> memref<64x768xi32, #tpu.memory_space<hbm>>
    %dma_wait3A_77 = arith.constant 0 : i32
    %dma_wait3A_78 = tpu.memref_slice %arg4[%add3A_59, %dma_wait3A_77] : memref<8192x768xi32, #tpu.memory_space<hbm>> -> memref<64x768xi32, #tpu.memory_space<hbm>>
    tpu.wait_dma2 semaphore(%arg10 : memref<!tpu.dma_semaphore, #tpu.memory_space<semaphore_mem>>) src(%arg6 : memref<64x768xi32, #tpu.memory_space<vmem>>) dst(%dma_wait3A_78 : memref<64x768xi32, #tpu.memory_space<hbm>>)
    %dma_wait3A_79 = arith.constant 0 : i32
    %dma_wait3A_80 = tpu.memref_slice %arg4[%add3A_70, %dma_wait3A_79] : memref<8192x768xi32, #tpu.memory_space<hbm>> -> memref<64x768xi32, #tpu.memory_space<hbm>>
    %dma_wait3A_81 = arith.constant 0 : i32
    %dma_wait3A_82 = tpu.memref_slice %arg4[%add3A_70, %dma_wait3A_81] : memref<8192x768xi32, #tpu.memory_space<hbm>> -> memref<64x768xi32, #tpu.memory_space<hbm>>
    tpu.wait_dma2 semaphore(%arg11 : memref<!tpu.dma_semaphore, #tpu.memory_space<semaphore_mem>>) src(%arg7 : memref<64x768xi32, #tpu.memory_space<vmem>>) dst(%dma_wait3A_82 : memref<64x768xi32, #tpu.memory_space<hbm>>)
    return
  }
}

#map = affine_map<(d0, d1) -> (0, 0)>
#map1 = affine_map<(d0, d1) -> (0)>
module attributes {stable_mosaic.version = 14 : i64} {
  func.func @gather_kernel(%arg0: i32, %arg1: i32, %arg2: memref<2048x768xi32, #tpu.memory_space<hbm>>, %arg3: memref<32768xi32, #tpu.memory_space<hbm>>, %arg4: memref<8192x768xi32, #tpu.memory_space<hbm>>, %arg5: memref<256xi32, #tpu.memory_space<vmem>>, %arg6: memref<64x768xi32, #tpu.memory_space<vmem>>, %arg7: memref<64x768xi32, #tpu.memory_space<vmem>>, %arg8: memref<!tpu.dma_semaphore, #tpu.memory_space<semaphore_mem>>, %arg9: memref<!tpu.dma_semaphore, #tpu.memory_space<semaphore_mem>>, %arg10: memref<!tpu.dma_semaphore, #tpu.memory_space<semaphore_mem>>, %arg11: memref<!tpu.dma_semaphore, #tpu.memory_space<semaphore_mem>>) attributes {dimension_semantics = [#tpu.dimension_semantics<core_parallel>, #tpu.dimension_semantics<subcore_parallel>], iteration_bounds = array<i64: 2, 16>, scalar_prefetch = 0 : i64, scratch_operands = 7 : i64, tpu.core_type = #tpu.core_type<sc_vector_subcore>, window_params = [{transform_indices = #map}, {transform_indices = #map1}, {transform_indices = #map}]} {
    %mul3A = arith.constant 2 : i32
    %mul3A_0 = arith.muli %arg1, %mul3A : i32
    %add3A = arith.addi %mul3A_0, %arg0 : i32
    %mul3A_1 = arith.constant 256 : i32
    %mul3A_2 = arith.muli %add3A, %mul3A_1 : i32
    %add3A_3 = arith.constant 0 : i32
    %add3A_4 = arith.addi %add3A_3, %mul3A_2 : i32
    "tpu.region"() ({
      %run_scoped3A = tpu.sem_alloc : memref<!tpu.dma_semaphore, #tpu.memory_space<semaphore_mem>>
      %dma_start3A_83 = tpu.memref_slice %arg3[%add3A_4] : memref<32768xi32, #tpu.memory_space<hbm>> -> memref<256xi32, #tpu.memory_space<hbm>>
      %dma_start3A_84 = tpu.memref_slice %arg3[%add3A_4] : memref<32768xi32, #tpu.memory_space<hbm>> -> memref<256xi32, #tpu.memory_space<hbm>>
      tpu.enqueue_dma source(%dma_start3A_84 : memref<256xi32, #tpu.memory_space<hbm>>) target(%arg5 : memref<256xi32, #tpu.memory_space<vmem>>) target_semaphore(%run_scoped3A : memref<!tpu.dma_semaphore, #tpu.memory_space<semaphore_mem>>)
      %dma_wait3A_85 = tpu.memref_slice %arg3[%add3A_4] : memref<32768xi32, #tpu.memory_space<hbm>> -> memref<256xi32, #tpu.memory_space<hbm>>
      %dma_wait3A_86 = tpu.memref_slice %arg3[%add3A_4] : memref<32768xi32, #tpu.memory_space<hbm>> -> memref<256xi32, #tpu.memory_space<hbm>>
      tpu.wait_dma2 semaphore(%run_scoped3A : memref<!tpu.dma_semaphore, #tpu.memory_space<semaphore_mem>>) src(%dma_wait3A_86 : memref<256xi32, #tpu.memory_space<hbm>>) dst(%arg5 : memref<256xi32, #tpu.memory_space<vmem>>)
      tpu.yield
    }) : () -> ()
    %dma_start3A = arith.constant 0 : i32
    %dma_start3A_5 = tpu.memref_slice %arg5[%dma_start3A] : memref<256xi32, #tpu.memory_space<vmem>> -> memref<64xi32, #tpu.memory_space<vmem>>
    %dma_start3A_6 = arith.constant 0 : i32
    %dma_start3A_7 = arith.constant 0 : i32
    %dma_start3A_8 = tpu.memref_slice %arg2[%dma_start3A_6, %dma_start3A_7] : memref<2048x768xi32, #tpu.memory_space<hbm>> -> memref<2048x768xi32, #tpu.memory_space<hbm>>
    tpu.enqueue_indirect_dma source(%dma_start3A_8 : memref<2048x768xi32, #tpu.memory_space<hbm>>) target(%arg6 : memref<64x768xi32, #tpu.memory_space<vmem>>) offsets(%dma_start3A_5 : memref<64xi32, #tpu.memory_space<vmem>>) semaphore(%arg8 : memref<!tpu.dma_semaphore, #tpu.memory_space<semaphore_mem>>)
    %dma_start3A_9 = arith.constant 64 : i32
    %dma_start3A_10 = tpu.memref_slice %arg5[%dma_start3A_9] : memref<256xi32, #tpu.memory_space<vmem>> -> memref<64xi32, #tpu.memory_space<vmem>>
    %dma_start3A_11 = arith.constant 0 : i32
    %dma_start3A_12 = arith.constant 0 : i32
    %dma_start3A_13 = tpu.memref_slice %arg2[%dma_start3A_11, %dma_start3A_12] : memref<2048x768xi32, #tpu.memory_space<hbm>> -> memref<2048x768xi32, #tpu.memory_space<hbm>>
    tpu.enqueue_indirect_dma source(%dma_start3A_13 : memref<2048x768xi32, #tpu.memory_space<hbm>>) target(%arg7 : memref<64x768xi32, #tpu.memory_space<vmem>>) offsets(%dma_start3A_10 : memref<64xi32, #tpu.memory_space<vmem>>) semaphore(%arg9 : memref<!tpu.dma_semaphore, #tpu.memory_space<semaphore_mem>>)
    %dma_wait3A = arith.constant 0 : i32
    %dma_wait3A_14 = tpu.memref_slice %arg5[%dma_wait3A] : memref<256xi32, #tpu.memory_space<vmem>> -> memref<64xi32, #tpu.memory_space<vmem>>
    %dma_wait3A_15 = arith.constant 0 : i32
    %dma_wait3A_16 = arith.constant 0 : i32
    %dma_wait3A_17 = tpu.memref_slice %arg2[%dma_wait3A_15, %dma_wait3A_16] : memref<2048x768xi32, #tpu.memory_space<hbm>> -> memref<2048x768xi32, #tpu.memory_space<hbm>>
    tpu.wait_indirect_dma semaphore(%arg8 : memref<!tpu.dma_semaphore, #tpu.memory_space<semaphore_mem>>) src(%dma_wait3A_17 : memref<2048x768xi32, #tpu.memory_space<hbm>>) dst(%arg6 : memref<64x768xi32, #tpu.memory_space<vmem>>)
    %add3A_18 = arith.constant 0 : i32
    %add3A_19 = arith.addi %mul3A_2, %add3A_18 : i32
    %dma_start3A_20 = arith.constant 0 : i32
    %dma_start3A_21 = tpu.memref_slice %arg4[%add3A_19, %dma_start3A_20] : memref<8192x768xi32, #tpu.memory_space<hbm>> -> memref<64x768xi32, #tpu.memory_space<hbm>>
    %dma_start3A_22 = arith.constant 0 : i32
    %dma_start3A_23 = tpu.memref_slice %arg4[%add3A_19, %dma_start3A_22] : memref<8192x768xi32, #tpu.memory_space<hbm>> -> memref<64x768xi32, #tpu.memory_space<hbm>>
    tpu.enqueue_dma source(%arg6 : memref<64x768xi32, #tpu.memory_space<vmem>>) target(%dma_start3A_23 : memref<64x768xi32, #tpu.memory_space<hbm>>) target_semaphore(%arg10 : memref<!tpu.dma_semaphore, #tpu.memory_space<semaphore_mem>>)
    %dma_wait3A_24 = arith.constant 0 : i32
    %dma_wait3A_25 = tpu.memref_slice %arg4[%add3A_19, %dma_wait3A_24] : memref<8192x768xi32, #tpu.memory_space<hbm>> -> memref<64x768xi32, #tpu.memory_space<hbm>>
    %dma_wait3A_26 = arith.constant 0 : i32
    %dma_wait3A_27 = tpu.memref_slice %arg4[%add3A_19, %dma_wait3A_26] : memref<8192x768xi32, #tpu.memory_space<hbm>> -> memref<64x768xi32, #tpu.memory_space<hbm>>
    tpu.wait_dma2 semaphore(%arg10 : memref<!tpu.dma_semaphore, #tpu.memory_space<semaphore_mem>>) src(%arg6 : memref<64x768xi32, #tpu.memory_space<vmem>>) dst(%dma_wait3A_27 : memref<64x768xi32, #tpu.memory_space<hbm>>)
    %dma_start3A_28 = arith.constant 128 : i32
    %dma_start3A_29 = tpu.memref_slice %arg5[%dma_start3A_28] : memref<256xi32, #tpu.memory_space<vmem>> -> memref<64xi32, #tpu.memory_space<vmem>>
    %dma_start3A_30 = arith.constant 0 : i32
    %dma_start3A_31 = arith.constant 0 : i32
    %dma_start3A_32 = tpu.memref_slice %arg2[%dma_start3A_30, %dma_start3A_31] : memref<2048x768xi32, #tpu.memory_space<hbm>> -> memref<2048x768xi32, #tpu.memory_space<hbm>>
    tpu.enqueue_indirect_dma source(%dma_start3A_32 : memref<2048x768xi32, #tpu.memory_space<hbm>>) target(%arg6 : memref<64x768xi32, #tpu.memory_space<vmem>>) offsets(%dma_start3A_29 : memref<64xi32, #tpu.memory_space<vmem>>) semaphore(%arg8 : memref<!tpu.dma_semaphore, #tpu.memory_space<semaphore_mem>>)
    %dma_wait3A_33 = arith.constant 64 : i32
    %dma_wait3A_34 = tpu.memref_slice %arg5[%dma_wait3A_33] : memref<256xi32, #tpu.memory_space<vmem>> -> memref<64xi32, #tpu.memory_space<vmem>>
    %dma_wait3A_35 = arith.constant 0 : i32
    %dma_wait3A_36 = arith.constant 0 : i32
    %dma_wait3A_37 = tpu.memref_slice %arg2[%dma_wait3A_35, %dma_wait3A_36] : memref<2048x768xi32, #tpu.memory_space<hbm>> -> memref<2048x768xi32, #tpu.memory_space<hbm>>
    tpu.wait_indirect_dma semaphore(%arg9 : memref<!tpu.dma_semaphore, #tpu.memory_space<semaphore_mem>>) src(%dma_wait3A_37 : memref<2048x768xi32, #tpu.memory_space<hbm>>) dst(%arg7 : memref<64x768xi32, #tpu.memory_space<vmem>>)
    %add3A_38 = arith.constant 64 : i32
    %add3A_39 = arith.addi %mul3A_2, %add3A_38 : i32
    %dma_start3A_40 = arith.constant 0 : i32
    %dma_start3A_41 = tpu.memref_slice %arg4[%add3A_39, %dma_start3A_40] : memref<8192x768xi32, #tpu.memory_space<hbm>> -> memref<64x768xi32, #tpu.memory_space<hbm>>
    %dma_start3A_42 = arith.constant 0 : i32
    %dma_start3A_43 = tpu.memref_slice %arg4[%add3A_39, %dma_start3A_42] : memref<8192x768xi32, #tpu.memory_space<hbm>> -> memref<64x768xi32, #tpu.memory_space<hbm>>
    tpu.enqueue_dma source(%arg7 : memref<64x768xi32, #tpu.memory_space<vmem>>) target(%dma_start3A_43 : memref<64x768xi32, #tpu.memory_space<hbm>>) target_semaphore(%arg11 : memref<!tpu.dma_semaphore, #tpu.memory_space<semaphore_mem>>)
    %dma_wait3A_44 = arith.constant 0 : i32
    %dma_wait3A_45 = tpu.memref_slice %arg4[%add3A_39, %dma_wait3A_44] : memref<8192x768xi32, #tpu.memory_space<hbm>> -> memref<64x768xi32, #tpu.memory_space<hbm>>
    %dma_wait3A_46 = arith.constant 0 : i32
    %dma_wait3A_47 = tpu.memref_slice %arg4[%add3A_39, %dma_wait3A_46] : memref<8192x768xi32, #tpu.memory_space<hbm>> -> memref<64x768xi32, #tpu.memory_space<hbm>>
    tpu.wait_dma2 semaphore(%arg11 : memref<!tpu.dma_semaphore, #tpu.memory_space<semaphore_mem>>) src(%arg7 : memref<64x768xi32, #tpu.memory_space<vmem>>) dst(%dma_wait3A_47 : memref<64x768xi32, #tpu.memory_space<hbm>>)
    %dma_start3A_48 = arith.constant 192 : i32
    %dma_start3A_49 = tpu.memref_slice %arg5[%dma_start3A_48] : memref<256xi32, #tpu.memory_space<vmem>> -> memref<64xi32, #tpu.memory_space<vmem>>
    %dma_start3A_50 = arith.constant 0 : i32
    %dma_start3A_51 = arith.constant 0 : i32
    %dma_start3A_52 = tpu.memref_slice %arg2[%dma_start3A_50, %dma_start3A_51] : memref<2048x768xi32, #tpu.memory_space<hbm>> -> memref<2048x768xi32, #tpu.memory_space<hbm>>
    tpu.enqueue_indirect_dma source(%dma_start3A_52 : memref<2048x768xi32, #tpu.memory_space<hbm>>) target(%arg7 : memref<64x768xi32, #tpu.memory_space<vmem>>) offsets(%dma_start3A_49 : memref<64xi32, #tpu.memory_space<vmem>>) semaphore(%arg9 : memref<!tpu.dma_semaphore, #tpu.memory_space<semaphore_mem>>)
    %dma_wait3A_53 = arith.constant 128 : i32
    %dma_wait3A_54 = tpu.memref_slice %arg5[%dma_wait3A_53] : memref<256xi32, #tpu.memory_space<vmem>> -> memref<64xi32, #tpu.memory_space<vmem>>
    %dma_wait3A_55 = arith.constant 0 : i32
    %dma_wait3A_56 = arith.constant 0 : i32
    %dma_wait3A_57 = tpu.memref_slice %arg2[%dma_wait3A_55, %dma_wait3A_56] : memref<2048x768xi32, #tpu.memory_space<hbm>> -> memref<2048x768xi32, #tpu.memory_space<hbm>>
    tpu.wait_indirect_dma semaphore(%arg8 : memref<!tpu.dma_semaphore, #tpu.memory_space<semaphore_mem>>) src(%dma_wait3A_57 : memref<2048x768xi32, #tpu.memory_space<hbm>>) dst(%arg6 : memref<64x768xi32, #tpu.memory_space<vmem>>)
    %add3A_58 = arith.constant 128 : i32
    %add3A_59 = arith.addi %mul3A_2, %add3A_58 : i32
    %dma_start3A_60 = arith.constant 0 : i32
    %dma_start3A_61 = tpu.memref_slice %arg4[%add3A_59, %dma_start3A_60] : memref<8192x768xi32, #tpu.memory_space<hbm>> -> memref<64x768xi32, #tpu.memory_space<hbm>>
    %dma_start3A_62 = arith.constant 0 : i32
    %dma_start3A_63 = tpu.memref_slice %arg4[%add3A_59, %dma_start3A_62] : memref<8192x768xi32, #tpu.memory_space<hbm>> -> memref<64x768xi32, #tpu.memory_space<hbm>>
    tpu.enqueue_dma source(%arg6 : memref<64x768xi32, #tpu.memory_space<vmem>>) target(%dma_start3A_63 : memref<64x768xi32, #tpu.memory_space<hbm>>) target_semaphore(%arg10 : memref<!tpu.dma_semaphore, #tpu.memory_space<semaphore_mem>>)
    %dma_wait3A_64 = arith.constant 192 : i32
    %dma_wait3A_65 = tpu.memref_slice %arg5[%dma_wait3A_64] : memref<256xi32, #tpu.memory_space<vmem>> -> memref<64xi32, #tpu.memory_space<vmem>>
    %dma_wait3A_66 = arith.constant 0 : i32
    %dma_wait3A_67 = arith.constant 0 : i32
    %dma_wait3A_68 = tpu.memref_slice %arg2[%dma_wait3A_66, %dma_wait3A_67] : memref<2048x768xi32, #tpu.memory_space<hbm>> -> memref<2048x768xi32, #tpu.memory_space<hbm>>
    tpu.wait_indirect_dma semaphore(%arg9 : memref<!tpu.dma_semaphore, #tpu.memory_space<semaphore_mem>>) src(%dma_wait3A_68 : memref<2048x768xi32, #tpu.memory_space<hbm>>) dst(%arg7 : memref<64x768xi32, #tpu.memory_space<vmem>>)
    %add3A_69 = arith.constant 192 : i32
    %add3A_70 = arith.addi %mul3A_2, %add3A_69 : i32
    %dma_start3A_71 = arith.constant 0 : i32
    %dma_start3A_72 = tpu.memref_slice %arg4[%add3A_70, %dma_start3A_71] : memref<8192x768xi32, #tpu.memory_space<hbm>> -> memref<64x768xi32, #tpu.memory_space<hbm>>
    %dma_start3A_73 = arith.constant 0 : i32
    %dma_start3A_74 = tpu.memref_slice %arg4[%add3A_70, %dma_start3A_73] : memref<8192x768xi32, #tpu.memory_space<hbm>> -> memref<64x768xi32, #tpu.memory_space<hbm>>
    tpu.enqueue_dma source(%arg7 : memref<64x768xi32, #tpu.memory_space<vmem>>) target(%dma_start3A_74 : memref<64x768xi32, #tpu.memory_space<hbm>>) target_semaphore(%arg11 : memref<!tpu.dma_semaphore, #tpu.memory_space<semaphore_mem>>)
    %dma_wait3A_75 = arith.constant 0 : i32
    %dma_wait3A_76 = tpu.memref_slice %arg4[%add3A_59, %dma_wait3A_75] : memref<8192x768xi32, #tpu.memory_space<hbm>> -> memref<64x768xi32, #tpu.memory_space<hbm>>
    %dma_wait3A_77 = arith.constant 0 : i32
    %dma_wait3A_78 = tpu.memref_slice %arg4[%add3A_59, %dma_wait3A_77] : memref<8192x768xi32, #tpu.memory_space<hbm>> -> memref<64x768xi32, #tpu.memory_space<hbm>>
    tpu.wait_dma2 semaphore(%arg10 : memref<!tpu.dma_semaphore, #tpu.memory_space<semaphore_mem>>) src(%arg6 : memref<64x768xi32, #tpu.memory_space<vmem>>) dst(%dma_wait3A_78 : memref<64x768xi32, #tpu.memory_space<hbm>>)
    %dma_wait3A_79 = arith.constant 0 : i32
    %dma_wait3A_80 = tpu.memref_slice %arg4[%add3A_70, %dma_wait3A_79] : memref<8192x768xi32, #tpu.memory_space<hbm>> -> memref<64x768xi32, #tpu.memory_space<hbm>>
    %dma_wait3A_81 = arith.constant 0 : i32
    %dma_wait3A_82 = tpu.memref_slice %arg4[%add3A_70, %dma_wait3A_81] : memref<8192x768xi32, #tpu.memory_space<hbm>> -> memref<64x768xi32, #tpu.memory_space<hbm>>
    tpu.wait_dma2 semaphore(%arg11 : memref<!tpu.dma_semaphore, #tpu.memory_space<semaphore_mem>>) src(%arg7 : memref<64x768xi32, #tpu.memory_space<vmem>>) dst(%dma_wait3A_82 : memref<64x768xi32, #tpu.memory_space<hbm>>)
    return
  }
}

module attributes {stable_mosaic.version = 14 : i64} {
  func.func @_proj_body(%arg0: i32, %arg1: memref<256x768xbf16, #tpu.memory_space<vmem>>, %arg2: memref<768x2304xbf16, #tpu.memory_space<vmem>>, %arg3: memref<256x768xf32, #tpu.memory_space<vmem>>, %arg4: memref<256x768xi32, #tpu.memory_space<vmem>>) attributes {dimension_semantics = [#tpu.dimension_semantics<arbitrary>], iteration_bounds = array<i64: 8>, scalar_prefetch = 0 : i64, scratch_operands = 0 : i64, tpu.core_type = #tpu.core_type<tc>, window_params = [{transform_indices = @transform_0, window_bounds = array<i64: 256, 768>}, {pipeline_mode = #tpu.pipeline_mode<synchronous>, transform_indices = @transform_1, window_bounds = array<i64: 768, 2304>}, {transform_indices = @transform_2, window_bounds = array<i64: 256, 768>}, {transform_indices = @transform_3, window_bounds = array<i64: 256, 768>}]} {
    %get3A = arith.constant 0 : index
    %get3A_0 = arith.constant 0 : index
    %get3A_1 = vector.load %arg1[%get3A, %get3A_0] : memref<256x768xbf16, #tpu.memory_space<vmem>>, vector<256x768xbf16>
    %get3A_2 = arith.constant 0 : index
    %get3A_3 = arith.constant 0 : index
    %get3A_4 = vector.load %arg2[%get3A_2, %get3A_3] : memref<768x2304xbf16, #tpu.memory_space<vmem>>, vector<768x2304xbf16>
    %dot_general3A = arith.constant dense<0.000000e+00> : vector<256x2304xf32>
    %dot_general3A_5 = tpu.matmul %get3A_1, %get3A_4, %dot_general3A {dimension_numbers = #tpu.dot_dimension_numbers<[1], [0], [0], [1], [0, 0, 1, 1], [], []>, transpose_lhs_hint = false} : vector<256x768xbf16>, vector<768x2304xbf16>, vector<256x2304xf32> -> vector<256x2304xf32>
    %slice3A = vector.extract_strided_slice %dot_general3A_5 {offsets = [0, 0], sizes = [256, 768], strides = [1, 1]} : vector<256x2304xf32> to vector<256x768xf32>
    %swap3A = arith.constant 0 : index
    %swap3A_6 = arith.constant 0 : index
    %swap3A_7 = vector.load %arg3[%swap3A, %swap3A_6] : memref<256x768xf32, #tpu.memory_space<vmem>>, vector<256x768xf32>
    tpu.vector_store %arg3[%swap3A, %swap3A_6], %slice3A {strides = array<i32>} : memref<256x768xf32, #tpu.memory_space<vmem>>, vector<256x768xf32>,
    %slice3A_8 = vector.extract_strided_slice %dot_general3A_5 {offsets = [0, 768], sizes = [256, 768], strides = [1, 1]} : vector<256x2304xf32> to vector<256x768xf32>
    %bitcast_convert_type3A = tpu.bitcast %slice3A_8 : vector<256x768xf32> -> vector<256x768xi32>
    %slice3A_9 = vector.extract_strided_slice %dot_general3A_5 {offsets = [0, 1536], sizes = [256, 768], strides = [1, 1]} : vector<256x2304xf32> to vector<256x768xf32>
    %bitcast_convert_type3A_10 = tpu.bitcast %slice3A_9 : vector<256x768xf32> -> vector<256x768xi32>
    %add3A = arith.constant 32768 : i32
    %add3A_11 = vector.broadcast %add3A : i32 to vector<256x768xi32>
    %add3A_12 = arith.addi %bitcast_convert_type3A, %add3A_11 : vector<256x768xi32>
    %and3A = arith.constant -65536 : i32
    %and3A_13 = vector.broadcast %and3A : i32 to vector<256x768xi32>
    %and3A_14 = arith.andi %add3A_12, %and3A_13 : vector<256x768xi32>
    %add3A_15 = arith.constant 32768 : i32
    %add3A_16 = vector.broadcast %add3A_15 : i32 to vector<256x768xi32>
    %add3A_17 = arith.addi %bitcast_convert_type3A_10, %add3A_16 : vector<256x768xi32>
    %shift_right_arithmetic3A = arith.constant 16 : i32
    %shift_right_arithmetic3A_18 = vector.broadcast %shift_right_arithmetic3A : i32 to vector<256x768xi32>
    %shift_right_arithmetic3A_19 = arith.shrsi %add3A_17, %shift_right_arithmetic3A_18 : vector<256x768xi32>
    %and3A_20 = arith.constant 65535 : i32
    %and3A_21 = vector.broadcast %and3A_20 : i32 to vector<256x768xi32>
    %and3A_22 = arith.andi %shift_right_arithmetic3A_19, %and3A_21 : vector<256x768xi32>
    %or3A = arith.ori %and3A_14, %and3A_22 : vector<256x768xi32>
    %swap3A_23 = arith.constant 0 : index
    %swap3A_24 = arith.constant 0 : index
    %swap3A_25 = vector.load %arg4[%swap3A_23, %swap3A_24] : memref<256x768xi32, #tpu.memory_space<vmem>>, vector<256x768xi32>
    tpu.vector_store %arg4[%swap3A_23, %swap3A_24], %or3A {strides = array<i32>} : memref<256x768xi32, #tpu.memory_space<vmem>>, vector<256x768xi32>,
    return
  }
  func.func @transform_0(%arg0: i32) -> (i32, i32) {
    %c0_i32 = arith.constant 0 : i32
    %c0_i32_0 = arith.constant 0 : i32
    return %arg0, %c0_i32 : i32, i32
  }
  func.func @transform_1(%arg0: i32) -> (i32, i32) {
    %c0_i32 = arith.constant 0 : i32
    %c0_i32_0 = arith.constant 0 : i32
    %c0_i32_1 = arith.constant 0 : i32
    return %c0_i32, %c0_i32_0 : i32, i32
  }
  func.func @transform_2(%arg0: i32) -> (i32, i32) {
    %c0_i32 = arith.constant 0 : i32
    %c0_i32_0 = arith.constant 0 : i32
    return %arg0, %c0_i32 : i32, i32
  }
  func.func @transform_3(%arg0: i32) -> (i32, i32) {
    %c0_i32 = arith.constant 0 : i32
    %c0_i32_0 = arith.constant 0 : i32
    return %arg0, %c0_i32 : i32, i32
  }
}

module attributes {stable_mosaic.version = 14 : i64} {
  func.func @_attn_body(%arg0: i32, %arg1: memref<64x768xf32, #tpu.memory_space<vmem>>, %arg2: memref<1024x768xi32, #tpu.memory_space<vmem>>, %arg3: memref<64x16x64xf32, #tpu.memory_space<vmem>>, %arg4: memref<64x16xf32, #tpu.memory_space<vmem>>, %arg5: memref<64x768xbf16, #tpu.memory_space<vmem>>, %arg6: memref<64x768xbf16, #tpu.memory_space<vmem>>, %arg7: memref<768x128xbf16, #tpu.memory_space<vmem>>, %arg8: memref<128x768xbf16, #tpu.memory_space<vmem>>, %arg9: memref<768x768xbf16, #tpu.memory_space<vmem>>, %arg10: memref<1x768xf32, #tpu.memory_space<vmem>>, %arg11: memref<1x128xf32, #tpu.memory_space<vmem>>, %arg12: memref<64x768xf32, #tpu.memory_space<vmem>>) attributes {dimension_semantics = [#tpu.dimension_semantics<arbitrary>], iteration_bounds = array<i64: 8>, scalar_prefetch = 0 : i64, scratch_operands = 0 : i64, tpu.core_type = #tpu.core_type<tc>, window_params = [{transform_indices = @transform_0, window_bounds = array<i64: 64, 768>}, {transform_indices = @transform_1, window_bounds = array<i64: 1024, 768>}, {transform_indices = @transform_2, window_bounds = array<i64: 64, 16, 64>}, {transform_indices = @transform_3, window_bounds = array<i64: 64, 16>}, {pipeline_mode = #tpu.pipeline_mode<synchronous>, transform_indices = @transform_4, window_bounds = array<i64: 64, 768>}, {pipeline_mode = #tpu.pipeline_mode<synchronous>, transform_indices = @transform_5, window_bounds = array<i64: 64, 768>}, {pipeline_mode = #tpu.pipeline_mode<synchronous>, transform_indices = @transform_6, window_bounds = array<i64: 768, 128>}, {pipeline_mode = #tpu.pipeline_mode<synchronous>, transform_indices = @transform_7, window_bounds = array<i64: 128, 768>}, {pipeline_mode = #tpu.pipeline_mode<synchronous>, transform_indices = @transform_8, window_bounds = array<i64: 768, 768>}, {pipeline_mode = #tpu.pipeline_mode<synchronous>, transform_indices = @transform_9, window_bounds = array<i64: 1, 768>}, {pipeline_mode = #tpu.pipeline_mode<synchronous>, transform_indices = @transform_10, window_bounds = array<i64: 1, 128>}, {transform_indices = @transform_11, window_bounds = array<i64: 64, 768>}]} {
    %get3A = arith.constant 0 : index
    %get3A_0 = arith.constant 0 : index
    %get3A_1 = vector.load %arg2[%get3A, %get3A_0] : memref<1024x768xi32, #tpu.memory_space<vmem>>, vector<1024x768xi32>
    %and3A = arith.constant -65536 : i32
    %and3A_2 = vector.broadcast %and3A : i32 to vector<1024x768xi32>
    %and3A_3 = arith.andi %get3A_1, %and3A_2 : vector<1024x768xi32>
    %bitcast_convert_type3A = tpu.bitcast %and3A_3 : vector<1024x768xi32> -> vector<1024x768xf32>
    %shift_left3A = arith.constant 16 : i32
    %shift_left3A_4 = vector.broadcast %shift_left3A : i32 to vector<1024x768xi32>
    %shift_left3A_5 = arith.shli %get3A_1, %shift_left3A_4 : vector<1024x768xi32>
    %bitcast_convert_type3A_6 = tpu.bitcast %shift_left3A_5 : vector<1024x768xi32> -> vector<1024x768xf32>
    %get3A_7 = arith.constant 0 : index
    %get3A_8 = arith.constant 0 : index
    %get3A_9 = arith.constant 0 : index
    %get3A_10 = vector.load %arg3[%get3A_7, %get3A_8, %get3A_9] : memref<64x16x64xf32, #tpu.memory_space<vmem>>, vector<64x16x64xf32>
    %convert_element_type3A = arith.truncf %get3A_10 : vector<64x16x64xf32> to vector<64x16x64xbf16>
    %reshape3A = vector.shape_cast %convert_element_type3A : vector<64x16x64xbf16> to vector<1024x64xbf16>
    %get3A_11 = arith.constant 0 : index
    %get3A_12 = arith.constant 0 : index
    %get3A_13 = vector.load %arg5[%get3A_11, %get3A_12] : memref<64x768xbf16, #tpu.memory_space<vmem>>, vector<64x768xbf16>
    %dot_general3A = arith.constant dense<0.000000e+00> : vector<1024x768xf32>
    %dot_general3A_14 = tpu.matmul %reshape3A, %get3A_13, %dot_general3A {dimension_numbers = #tpu.dot_dimension_numbers<[1], [0], [0], [1], [0, 0, 1, 1], [], []>, transpose_lhs_hint = false} : vector<1024x64xbf16>, vector<64x768xbf16>, vector<1024x768xf32> -> vector<1024x768xf32>
    %add3A = arith.addf %bitcast_convert_type3A, %dot_general3A_14 : vector<1024x768xf32>
    %get3A_15 = arith.constant 0 : index
    %get3A_16 = arith.constant 0 : index
    %get3A_17 = vector.load %arg6[%get3A_15, %get3A_16] : memref<64x768xbf16, #tpu.memory_space<vmem>>, vector<64x768xbf16>
    %dot_general3A_18 = arith.constant dense<0.000000e+00> : vector<1024x768xf32>
    %dot_general3A_19 = tpu.matmul %reshape3A, %get3A_17, %dot_general3A_18 {dimension_numbers = #tpu.dot_dimension_numbers<[1], [0], [0], [1], [0, 0, 1, 1], [], []>, transpose_lhs_hint = false} : vector<1024x64xbf16>, vector<64x768xbf16>, vector<1024x768xf32> -> vector<1024x768xf32>
    %add3A_20 = arith.addf %bitcast_convert_type3A_6, %dot_general3A_19 : vector<1024x768xf32>
    %get3A_21 = arith.constant 0 : index
    %get3A_22 = arith.constant 0 : index
    %get3A_23 = vector.load %arg1[%get3A_21, %get3A_22] : memref<64x768xf32, #tpu.memory_space<vmem>>, vector<64x768xf32>
    %reshape3A_24 = vector.shape_cast %get3A_23 : vector<64x768xf32> to vector<64x1x768xf32>
    %reshape3A_25 = vector.shape_cast %add3A : vector<1024x768xf32> to vector<64x16x768xf32>
    %mul3A = vector.broadcast %reshape3A_24 : vector<64x1x768xf32> to vector<64x16x768xf32>
    %mul3A_26 = arith.mulf %mul3A, %reshape3A_25 : vector<64x16x768xf32>
    %reshape3A_27 = vector.shape_cast %mul3A_26 : vector<64x16x768xf32> to vector<1024x768xf32>
    %convert_element_type3A_28 = arith.truncf %reshape3A_27 : vector<1024x768xf32> to vector<1024x768xbf16>
    %get3A_29 = arith.constant 0 : index
    %get3A_30 = arith.constant 0 : index
    %get3A_31 = vector.load %arg7[%get3A_29, %get3A_30] : memref<768x128xbf16, #tpu.memory_space<vmem>>, vector<768x128xbf16>
    %dot_general3A_32 = arith.constant dense<0.000000e+00> : vector<1024x128xf32>
    %dot_general3A_33 = tpu.matmul %convert_element_type3A_28, %get3A_31, %dot_general3A_32 {dimension_numbers = #tpu.dot_dimension_numbers<[1], [0], [0], [1], [0, 0, 1, 1], [], []>, transpose_lhs_hint = false} : vector<1024x768xbf16>, vector<768x128xbf16>, vector<1024x128xf32> -> vector<1024x128xf32>
    %reshape3A_34 = vector.shape_cast %dot_general3A_33 : vector<1024x128xf32> to vector<64x16x128xf32>
    %get3A_35 = arith.constant 0 : index
    %get3A_36 = arith.constant 0 : index
    %get3A_37 = vector.load %arg4[%get3A_35, %get3A_36] : memref<64x16xf32, #tpu.memory_space<vmem>>, vector<64x16xf32>
    %mul3A_38 = arith.mulf %get3A_37, %get3A_37 : vector<64x16xf32>
    %reshape3A_39 = vector.shape_cast %mul3A_38 : vector<64x16xf32> to vector<64x16x1xf32>
    %neg3A = arith.constant 0.000000e+00 : f32
    %neg3A_40 = vector.broadcast %neg3A : f32 to vector<64x16x1xf32>
    %neg3A_41 = arith.subf %neg3A_40, %reshape3A_39 : vector<64x16x1xf32>
    %get3A_42 = arith.constant 0 : index
    %get3A_43 = arith.constant 0 : index
    %get3A_44 = vector.load %arg11[%get3A_42, %get3A_43] : memref<1x128xf32, #tpu.memory_space<vmem>>, vector<1x128xf32>
    %reshape3A_45 = vector.shape_cast %get3A_44 : vector<1x128xf32> to vector<1x1x128xf32>
    %mul3A_46 = vector.broadcast %neg3A_41 : vector<64x16x1xf32> to vector<64x16x128xf32>
    %mul3A_47 = vector.broadcast %reshape3A_45 : vector<1x1x128xf32> to vector<64x16x128xf32>
    %mul3A_48 = arith.mulf %mul3A_46, %mul3A_47 : vector<64x16x128xf32>
    %add3A_49 = arith.addf %reshape3A_34, %mul3A_48 : vector<64x16x128xf32>
    %reduce_max3A = arith.constant dense<0xFF800000> : vector<64x128xf32>
    %reduce_max3A_50 = vector.multi_reduction <maximumf>, %add3A_49, %reduce_max3A [1] : vector<64x16x128xf32> to vector<64x128xf32>
    %broadcast_in_dim3A = vector.shape_cast %reduce_max3A_50 : vector<64x128xf32> to vector<64x1x128xf32>
    %sub3A = vector.broadcast %broadcast_in_dim3A : vector<64x1x128xf32> to vector<64x16x128xf32>
    %sub3A_51 = arith.subf %add3A_49, %sub3A : vector<64x16x128xf32>
    %exp3A = math.exp %sub3A_51 : vector<64x16x128xf32>
    %reduce_sum3A = arith.constant dense<0.000000e+00> : vector<64x128xf32>
    %reduce_sum3A_52 = vector.multi_reduction <add>, %exp3A, %reduce_sum3A [1] : vector<64x16x128xf32> to vector<64x128xf32>
    %broadcast_in_dim3A_53 = vector.shape_cast %reduce_sum3A_52 : vector<64x128xf32> to vector<64x1x128xf32>
    %div3A = vector.broadcast %broadcast_in_dim3A_53 : vector<64x1x128xf32> to vector<64x16x128xf32>
    %div3A_54 = arith.divf %exp3A, %div3A : vector<64x16x128xf32>
    %reshape3A_55 = vector.shape_cast %div3A_54 : vector<64x16x128xf32> to vector<1024x128xf32>
    %convert_element_type3A_56 = arith.truncf %reshape3A_55 : vector<1024x128xf32> to vector<1024x128xbf16>
    %get3A_57 = arith.constant 0 : index
    %get3A_58 = arith.constant 0 : index
    %get3A_59 = vector.load %arg8[%get3A_57, %get3A_58] : memref<128x768xbf16, #tpu.memory_space<vmem>>, vector<128x768xbf16>
    %dot_general3A_60 = arith.constant dense<0.000000e+00> : vector<1024x768xf32>
    %dot_general3A_61 = tpu.matmul %convert_element_type3A_56, %get3A_59, %dot_general3A_60 {dimension_numbers = #tpu.dot_dimension_numbers<[1], [0], [0], [1], [0, 0, 1, 1], [], []>, transpose_lhs_hint = false} : vector<1024x128xbf16>, vector<128x768xbf16>, vector<1024x768xf32> -> vector<1024x768xf32>
    %mul3A_62 = arith.mulf %dot_general3A_61, %add3A_20 : vector<1024x768xf32>
    %reshape3A_63 = vector.shape_cast %mul3A_62 : vector<1024x768xf32> to vector<64x16x768xf32>
    %reduce_sum3A_64 = arith.constant dense<0.000000e+00> : vector<64x768xf32>
    %reduce_sum3A_65 = vector.multi_reduction <add>, %reshape3A_63, %reduce_sum3A_64 [1] : vector<64x16x768xf32> to vector<64x768xf32>
    %convert_element_type3A_66 = arith.truncf %reduce_sum3A_65 : vector<64x768xf32> to vector<64x768xbf16>
    %get3A_67 = arith.constant 0 : index
    %get3A_68 = arith.constant 0 : index
    %get3A_69 = vector.load %arg9[%get3A_67, %get3A_68] : memref<768x768xbf16, #tpu.memory_space<vmem>>, vector<768x768xbf16>
    %dot_general3A_70 = arith.constant dense<0.000000e+00> : vector<64x768xf32>
    %dot_general3A_71 = tpu.matmul %convert_element_type3A_66, %get3A_69, %dot_general3A_70 {dimension_numbers = #tpu.dot_dimension_numbers<[1], [0], [0], [1], [0, 0, 1, 1], [], []>, transpose_lhs_hint = false} : vector<64x768xbf16>, vector<768x768xbf16>, vector<64x768xf32> -> vector<64x768xf32>
    %get3A_72 = arith.constant 0 : index
    %get3A_73 = arith.constant 0 : index
    %get3A_74 = vector.load %arg10[%get3A_72, %get3A_73] : memref<1x768xf32, #tpu.memory_space<vmem>>, vector<1x768xf32>
    %add3A_75 = vector.broadcast %get3A_74 : vector<1x768xf32> to vector<64x768xf32>
    %add3A_76 = arith.addf %dot_general3A_71, %add3A_75 : vector<64x768xf32>
    %swap3A = arith.constant 0 : index
    %swap3A_77 = arith.constant 0 : index
    %swap3A_78 = vector.load %arg12[%swap3A, %swap3A_77] : memref<64x768xf32, #tpu.memory_space<vmem>>, vector<64x768xf32>
    tpu.vector_store %arg12[%swap3A, %swap3A_77], %add3A_76 {strides = array<i32>} : memref<64x768xf32, #tpu.memory_space<vmem>>, vector<64x768xf32>,
    return
  }
  func.func @transform_0(%arg0: i32) -> (i32, i32) {
    %add3A = arith.constant 24 : i32
    %add3A_0 = arith.addi %arg0, %add3A : i32
    %c0_i32 = arith.constant 0 : i32
    %c0_i32_1 = arith.constant 0 : i32
    return %add3A_0, %c0_i32 : i32, i32
  }
  func.func @transform_1(%arg0: i32) -> (i32, i32) {
    %c0_i32 = arith.constant 0 : i32
    %c0_i32_0 = arith.constant 0 : i32
    return %arg0, %c0_i32 : i32, i32
  }
  func.func @transform_2(%arg0: i32) -> (i32, i32, i32) {
    %add3A = arith.constant 24 : i32
    %add3A_0 = arith.addi %arg0, %add3A : i32
    %c0_i32 = arith.constant 0 : i32
    %c0_i32_1 = arith.constant 0 : i32
    %c0_i32_2 = arith.constant 0 : i32
    return %add3A_0, %c0_i32, %c0_i32_1 : i32, i32, i32
  }
  func.func @transform_3(%arg0: i32) -> (i32, i32) {
    %add3A = arith.constant 24 : i32
    %add3A_0 = arith.addi %arg0, %add3A : i32
    %c0_i32 = arith.constant 0 : i32
    %c0_i32_1 = arith.constant 0 : i32
    return %add3A_0, %c0_i32 : i32, i32
  }
  func.func @transform_4(%arg0: i32) -> (i32, i32) {
    %c0_i32 = arith.constant 0 : i32
    %c0_i32_0 = arith.constant 0 : i32
    %c0_i32_1 = arith.constant 0 : i32
    return %c0_i32, %c0_i32_0 : i32, i32
  }
  func.func @transform_5(%arg0: i32) -> (i32, i32) {
    %c0_i32 = arith.constant 0 : i32
    %c0_i32_0 = arith.constant 0 : i32
    %c0_i32_1 = arith.constant 0 : i32
    return %c0_i32, %c0_i32_0 : i32, i32
  }
  func.func @transform_6(%arg0: i32) -> (i32, i32) {
    %c0_i32 = arith.constant 0 : i32
    %c0_i32_0 = arith.constant 0 : i32
    %c0_i32_1 = arith.constant 0 : i32
    return %c0_i32, %c0_i32_0 : i32, i32
  }
  func.func @transform_7(%arg0: i32) -> (i32, i32) {
    %c0_i32 = arith.constant 0 : i32
    %c0_i32_0 = arith.constant 0 : i32
    %c0_i32_1 = arith.constant 0 : i32
    return %c0_i32, %c0_i32_0 : i32, i32
  }
  func.func @transform_8(%arg0: i32) -> (i32, i32) {
    %c0_i32 = arith.constant 0 : i32
    %c0_i32_0 = arith.constant 0 : i32
    %c0_i32_1 = arith.constant 0 : i32
    return %c0_i32, %c0_i32_0 : i32, i32
  }
  func.func @transform_9(%arg0: i32) -> (i32, i32) {
    %c0_i32 = arith.constant 0 : i32
    %c0_i32_0 = arith.constant 0 : i32
    %c0_i32_1 = arith.constant 0 : i32
    return %c0_i32, %c0_i32_0 : i32, i32
  }
  func.func @transform_10(%arg0: i32) -> (i32, i32) {
    %c0_i32 = arith.constant 0 : i32
    %c0_i32_0 = arith.constant 0 : i32
    %c0_i32_1 = arith.constant 0 : i32
    return %c0_i32, %c0_i32_0 : i32, i32
  }
  func.func @transform_11(%arg0: i32) -> (i32, i32) {
    %c0_i32 = arith.constant 0 : i32
    %c0_i32_0 = arith.constant 0 : i32
    return %arg0, %c0_i32 : i32, i32
  }
}

module attributes {stable_mosaic.version = 14 : i64} {
  func.func @_attn_body(%arg0: i32, %arg1: memref<64x768xf32, #tpu.memory_space<vmem>>, %arg2: memref<1024x768xi32, #tpu.memory_space<vmem>>, %arg3: memref<64x16x64xf32, #tpu.memory_space<vmem>>, %arg4: memref<64x16xf32, #tpu.memory_space<vmem>>, %arg5: memref<64x768xbf16, #tpu.memory_space<vmem>>, %arg6: memref<64x768xbf16, #tpu.memory_space<vmem>>, %arg7: memref<768x128xbf16, #tpu.memory_space<vmem>>, %arg8: memref<128x768xbf16, #tpu.memory_space<vmem>>, %arg9: memref<768x768xbf16, #tpu.memory_space<vmem>>, %arg10: memref<1x768xf32, #tpu.memory_space<vmem>>, %arg11: memref<1x128xf32, #tpu.memory_space<vmem>>, %arg12: memref<64x768xf32, #tpu.memory_space<vmem>>) attributes {dimension_semantics = [#tpu.dimension_semantics<arbitrary>], iteration_bounds = array<i64: 8>, scalar_prefetch = 0 : i64, scratch_operands = 0 : i64, tpu.core_type = #tpu.core_type<tc>, window_params = [{transform_indices = @transform_0, window_bounds = array<i64: 64, 768>}, {transform_indices = @transform_1, window_bounds = array<i64: 1024, 768>}, {transform_indices = @transform_2, window_bounds = array<i64: 64, 16, 64>}, {transform_indices = @transform_3, window_bounds = array<i64: 64, 16>}, {pipeline_mode = #tpu.pipeline_mode<synchronous>, transform_indices = @transform_4, window_bounds = array<i64: 64, 768>}, {pipeline_mode = #tpu.pipeline_mode<synchronous>, transform_indices = @transform_5, window_bounds = array<i64: 64, 768>}, {pipeline_mode = #tpu.pipeline_mode<synchronous>, transform_indices = @transform_6, window_bounds = array<i64: 768, 128>}, {pipeline_mode = #tpu.pipeline_mode<synchronous>, transform_indices = @transform_7, window_bounds = array<i64: 128, 768>}, {pipeline_mode = #tpu.pipeline_mode<synchronous>, transform_indices = @transform_8, window_bounds = array<i64: 768, 768>}, {pipeline_mode = #tpu.pipeline_mode<synchronous>, transform_indices = @transform_9, window_bounds = array<i64: 1, 768>}, {pipeline_mode = #tpu.pipeline_mode<synchronous>, transform_indices = @transform_10, window_bounds = array<i64: 1, 128>}, {transform_indices = @transform_11, window_bounds = array<i64: 64, 768>}]} {
    %get3A = arith.constant 0 : index
    %get3A_0 = arith.constant 0 : index
    %get3A_1 = vector.load %arg2[%get3A, %get3A_0] : memref<1024x768xi32, #tpu.memory_space<vmem>>, vector<1024x768xi32>
    %and3A = arith.constant -65536 : i32
    %and3A_2 = vector.broadcast %and3A : i32 to vector<1024x768xi32>
    %and3A_3 = arith.andi %get3A_1, %and3A_2 : vector<1024x768xi32>
    %bitcast_convert_type3A = tpu.bitcast %and3A_3 : vector<1024x768xi32> -> vector<1024x768xf32>
    %shift_left3A = arith.constant 16 : i32
    %shift_left3A_4 = vector.broadcast %shift_left3A : i32 to vector<1024x768xi32>
    %shift_left3A_5 = arith.shli %get3A_1, %shift_left3A_4 : vector<1024x768xi32>
    %bitcast_convert_type3A_6 = tpu.bitcast %shift_left3A_5 : vector<1024x768xi32> -> vector<1024x768xf32>
    %get3A_7 = arith.constant 0 : index
    %get3A_8 = arith.constant 0 : index
    %get3A_9 = arith.constant 0 : index
    %get3A_10 = vector.load %arg3[%get3A_7, %get3A_8, %get3A_9] : memref<64x16x64xf32, #tpu.memory_space<vmem>>, vector<64x16x64xf32>
    %convert_element_type3A = arith.truncf %get3A_10 : vector<64x16x64xf32> to vector<64x16x64xbf16>
    %reshape3A = vector.shape_cast %convert_element_type3A : vector<64x16x64xbf16> to vector<1024x64xbf16>
    %get3A_11 = arith.constant 0 : index
    %get3A_12 = arith.constant 0 : index
    %get3A_13 = vector.load %arg5[%get3A_11, %get3A_12] : memref<64x768xbf16, #tpu.memory_space<vmem>>, vector<64x768xbf16>
    %dot_general3A = arith.constant dense<0.000000e+00> : vector<1024x768xf32>
    %dot_general3A_14 = tpu.matmul %reshape3A, %get3A_13, %dot_general3A {dimension_numbers = #tpu.dot_dimension_numbers<[1], [0], [0], [1], [0, 0, 1, 1], [], []>, transpose_lhs_hint = false} : vector<1024x64xbf16>, vector<64x768xbf16>, vector<1024x768xf32> -> vector<1024x768xf32>
    %add3A = arith.addf %bitcast_convert_type3A, %dot_general3A_14 : vector<1024x768xf32>
    %get3A_15 = arith.constant 0 : index
    %get3A_16 = arith.constant 0 : index
    %get3A_17 = vector.load %arg6[%get3A_15, %get3A_16] : memref<64x768xbf16, #tpu.memory_space<vmem>>, vector<64x768xbf16>
    %dot_general3A_18 = arith.constant dense<0.000000e+00> : vector<1024x768xf32>
    %dot_general3A_19 = tpu.matmul %reshape3A, %get3A_17, %dot_general3A_18 {dimension_numbers = #tpu.dot_dimension_numbers<[1], [0], [0], [1], [0, 0, 1, 1], [], []>, transpose_lhs_hint = false} : vector<1024x64xbf16>, vector<64x768xbf16>, vector<1024x768xf32> -> vector<1024x768xf32>
    %add3A_20 = arith.addf %bitcast_convert_type3A_6, %dot_general3A_19 : vector<1024x768xf32>
    %get3A_21 = arith.constant 0 : index
    %get3A_22 = arith.constant 0 : index
    %get3A_23 = vector.load %arg1[%get3A_21, %get3A_22] : memref<64x768xf32, #tpu.memory_space<vmem>>, vector<64x768xf32>
    %reshape3A_24 = vector.shape_cast %get3A_23 : vector<64x768xf32> to vector<64x1x768xf32>
    %reshape3A_25 = vector.shape_cast %add3A : vector<1024x768xf32> to vector<64x16x768xf32>
    %mul3A = vector.broadcast %reshape3A_24 : vector<64x1x768xf32> to vector<64x16x768xf32>
    %mul3A_26 = arith.mulf %mul3A, %reshape3A_25 : vector<64x16x768xf32>
    %reshape3A_27 = vector.shape_cast %mul3A_26 : vector<64x16x768xf32> to vector<1024x768xf32>
    %convert_element_type3A_28 = arith.truncf %reshape3A_27 : vector<1024x768xf32> to vector<1024x768xbf16>
    %get3A_29 = arith.constant 0 : index
    %get3A_30 = arith.constant 0 : index
    %get3A_31 = vector.load %arg7[%get3A_29, %get3A_30] : memref<768x128xbf16, #tpu.memory_space<vmem>>, vector<768x128xbf16>
    %dot_general3A_32 = arith.constant dense<0.000000e+00> : vector<1024x128xf32>
    %dot_general3A_33 = tpu.matmul %convert_element_type3A_28, %get3A_31, %dot_general3A_32 {dimension_numbers = #tpu.dot_dimension_numbers<[1], [0], [0], [1], [0, 0, 1, 1], [], []>, transpose_lhs_hint = false} : vector<1024x768xbf16>, vector<768x128xbf16>, vector<1024x128xf32> -> vector<1024x128xf32>
    %reshape3A_34 = vector.shape_cast %dot_general3A_33 : vector<1024x128xf32> to vector<64x16x128xf32>
    %get3A_35 = arith.constant 0 : index
    %get3A_36 = arith.constant 0 : index
    %get3A_37 = vector.load %arg4[%get3A_35, %get3A_36] : memref<64x16xf32, #tpu.memory_space<vmem>>, vector<64x16xf32>
    %mul3A_38 = arith.mulf %get3A_37, %get3A_37 : vector<64x16xf32>
    %reshape3A_39 = vector.shape_cast %mul3A_38 : vector<64x16xf32> to vector<64x16x1xf32>
    %neg3A = arith.constant 0.000000e+00 : f32
    %neg3A_40 = vector.broadcast %neg3A : f32 to vector<64x16x1xf32>
    %neg3A_41 = arith.subf %neg3A_40, %reshape3A_39 : vector<64x16x1xf32>
    %get3A_42 = arith.constant 0 : index
    %get3A_43 = arith.constant 0 : index
    %get3A_44 = vector.load %arg11[%get3A_42, %get3A_43] : memref<1x128xf32, #tpu.memory_space<vmem>>, vector<1x128xf32>
    %reshape3A_45 = vector.shape_cast %get3A_44 : vector<1x128xf32> to vector<1x1x128xf32>
    %mul3A_46 = vector.broadcast %neg3A_41 : vector<64x16x1xf32> to vector<64x16x128xf32>
    %mul3A_47 = vector.broadcast %reshape3A_45 : vector<1x1x128xf32> to vector<64x16x128xf32>
    %mul3A_48 = arith.mulf %mul3A_46, %mul3A_47 : vector<64x16x128xf32>
    %add3A_49 = arith.addf %reshape3A_34, %mul3A_48 : vector<64x16x128xf32>
    %reduce_max3A = arith.constant dense<0xFF800000> : vector<64x128xf32>
    %reduce_max3A_50 = vector.multi_reduction <maximumf>, %add3A_49, %reduce_max3A [1] : vector<64x16x128xf32> to vector<64x128xf32>
    %broadcast_in_dim3A = vector.shape_cast %reduce_max3A_50 : vector<64x128xf32> to vector<64x1x128xf32>
    %sub3A = vector.broadcast %broadcast_in_dim3A : vector<64x1x128xf32> to vector<64x16x128xf32>
    %sub3A_51 = arith.subf %add3A_49, %sub3A : vector<64x16x128xf32>
    %exp3A = math.exp %sub3A_51 : vector<64x16x128xf32>
    %reduce_sum3A = arith.constant dense<0.000000e+00> : vector<64x128xf32>
    %reduce_sum3A_52 = vector.multi_reduction <add>, %exp3A, %reduce_sum3A [1] : vector<64x16x128xf32> to vector<64x128xf32>
    %broadcast_in_dim3A_53 = vector.shape_cast %reduce_sum3A_52 : vector<64x128xf32> to vector<64x1x128xf32>
    %div3A = vector.broadcast %broadcast_in_dim3A_53 : vector<64x1x128xf32> to vector<64x16x128xf32>
    %div3A_54 = arith.divf %exp3A, %div3A : vector<64x16x128xf32>
    %reshape3A_55 = vector.shape_cast %div3A_54 : vector<64x16x128xf32> to vector<1024x128xf32>
    %convert_element_type3A_56 = arith.truncf %reshape3A_55 : vector<1024x128xf32> to vector<1024x128xbf16>
    %get3A_57 = arith.constant 0 : index
    %get3A_58 = arith.constant 0 : index
    %get3A_59 = vector.load %arg8[%get3A_57, %get3A_58] : memref<128x768xbf16, #tpu.memory_space<vmem>>, vector<128x768xbf16>
    %dot_general3A_60 = arith.constant dense<0.000000e+00> : vector<1024x768xf32>
    %dot_general3A_61 = tpu.matmul %convert_element_type3A_56, %get3A_59, %dot_general3A_60 {dimension_numbers = #tpu.dot_dimension_numbers<[1], [0], [0], [1], [0, 0, 1, 1], [], []>, transpose_lhs_hint = false} : vector<1024x128xbf16>, vector<128x768xbf16>, vector<1024x768xf32> -> vector<1024x768xf32>
    %mul3A_62 = arith.mulf %dot_general3A_61, %add3A_20 : vector<1024x768xf32>
    %reshape3A_63 = vector.shape_cast %mul3A_62 : vector<1024x768xf32> to vector<64x16x768xf32>
    %reduce_sum3A_64 = arith.constant dense<0.000000e+00> : vector<64x768xf32>
    %reduce_sum3A_65 = vector.multi_reduction <add>, %reshape3A_63, %reduce_sum3A_64 [1] : vector<64x16x768xf32> to vector<64x768xf32>
    %convert_element_type3A_66 = arith.truncf %reduce_sum3A_65 : vector<64x768xf32> to vector<64x768xbf16>
    %get3A_67 = arith.constant 0 : index
    %get3A_68 = arith.constant 0 : index
    %get3A_69 = vector.load %arg9[%get3A_67, %get3A_68] : memref<768x768xbf16, #tpu.memory_space<vmem>>, vector<768x768xbf16>
    %dot_general3A_70 = arith.constant dense<0.000000e+00> : vector<64x768xf32>
    %dot_general3A_71 = tpu.matmul %convert_element_type3A_66, %get3A_69, %dot_general3A_70 {dimension_numbers = #tpu.dot_dimension_numbers<[1], [0], [0], [1], [0, 0, 1, 1], [], []>, transpose_lhs_hint = false} : vector<64x768xbf16>, vector<768x768xbf16>, vector<64x768xf32> -> vector<64x768xf32>
    %get3A_72 = arith.constant 0 : index
    %get3A_73 = arith.constant 0 : index
    %get3A_74 = vector.load %arg10[%get3A_72, %get3A_73] : memref<1x768xf32, #tpu.memory_space<vmem>>, vector<1x768xf32>
    %add3A_75 = vector.broadcast %get3A_74 : vector<1x768xf32> to vector<64x768xf32>
    %add3A_76 = arith.addf %dot_general3A_71, %add3A_75 : vector<64x768xf32>
    %swap3A = arith.constant 0 : index
    %swap3A_77 = arith.constant 0 : index
    %swap3A_78 = vector.load %arg12[%swap3A, %swap3A_77] : memref<64x768xf32, #tpu.memory_space<vmem>>, vector<64x768xf32>
    tpu.vector_store %arg12[%swap3A, %swap3A_77], %add3A_76 {strides = array<i32>} : memref<64x768xf32, #tpu.memory_space<vmem>>, vector<64x768xf32>,
    return
  }
  func.func @transform_0(%arg0: i32) -> (i32, i32) {
    %add3A = arith.constant 16 : i32
    %add3A_0 = arith.addi %arg0, %add3A : i32
    %c0_i32 = arith.constant 0 : i32
    %c0_i32_1 = arith.constant 0 : i32
    return %add3A_0, %c0_i32 : i32, i32
  }
  func.func @transform_1(%arg0: i32) -> (i32, i32) {
    %c0_i32 = arith.constant 0 : i32
    %c0_i32_0 = arith.constant 0 : i32
    return %arg0, %c0_i32 : i32, i32
  }
  func.func @transform_2(%arg0: i32) -> (i32, i32, i32) {
    %add3A = arith.constant 16 : i32
    %add3A_0 = arith.addi %arg0, %add3A : i32
    %c0_i32 = arith.constant 0 : i32
    %c0_i32_1 = arith.constant 0 : i32
    %c0_i32_2 = arith.constant 0 : i32
    return %add3A_0, %c0_i32, %c0_i32_1 : i32, i32, i32
  }
  func.func @transform_3(%arg0: i32) -> (i32, i32) {
    %add3A = arith.constant 16 : i32
    %add3A_0 = arith.addi %arg0, %add3A : i32
    %c0_i32 = arith.constant 0 : i32
    %c0_i32_1 = arith.constant 0 : i32
    return %add3A_0, %c0_i32 : i32, i32
  }
  func.func @transform_4(%arg0: i32) -> (i32, i32) {
    %c0_i32 = arith.constant 0 : i32
    %c0_i32_0 = arith.constant 0 : i32
    %c0_i32_1 = arith.constant 0 : i32
    return %c0_i32, %c0_i32_0 : i32, i32
  }
  func.func @transform_5(%arg0: i32) -> (i32, i32) {
    %c0_i32 = arith.constant 0 : i32
    %c0_i32_0 = arith.constant 0 : i32
    %c0_i32_1 = arith.constant 0 : i32
    return %c0_i32, %c0_i32_0 : i32, i32
  }
  func.func @transform_6(%arg0: i32) -> (i32, i32) {
    %c0_i32 = arith.constant 0 : i32
    %c0_i32_0 = arith.constant 0 : i32
    %c0_i32_1 = arith.constant 0 : i32
    return %c0_i32, %c0_i32_0 : i32, i32
  }
  func.func @transform_7(%arg0: i32) -> (i32, i32) {
    %c0_i32 = arith.constant 0 : i32
    %c0_i32_0 = arith.constant 0 : i32
    %c0_i32_1 = arith.constant 0 : i32
    return %c0_i32, %c0_i32_0 : i32, i32
  }
  func.func @transform_8(%arg0: i32) -> (i32, i32) {
    %c0_i32 = arith.constant 0 : i32
    %c0_i32_0 = arith.constant 0 : i32
    %c0_i32_1 = arith.constant 0 : i32
    return %c0_i32, %c0_i32_0 : i32, i32
  }
  func.func @transform_9(%arg0: i32) -> (i32, i32) {
    %c0_i32 = arith.constant 0 : i32
    %c0_i32_0 = arith.constant 0 : i32
    %c0_i32_1 = arith.constant 0 : i32
    return %c0_i32, %c0_i32_0 : i32, i32
  }
  func.func @transform_10(%arg0: i32) -> (i32, i32) {
    %c0_i32 = arith.constant 0 : i32
    %c0_i32_0 = arith.constant 0 : i32
    %c0_i32_1 = arith.constant 0 : i32
    return %c0_i32, %c0_i32_0 : i32, i32
  }
  func.func @transform_11(%arg0: i32) -> (i32, i32) {
    %c0_i32 = arith.constant 0 : i32
    %c0_i32_0 = arith.constant 0 : i32
    return %arg0, %c0_i32 : i32, i32
  }
}

module attributes {stable_mosaic.version = 14 : i64} {
  func.func @_attn_body(%arg0: i32, %arg1: memref<64x768xf32, #tpu.memory_space<vmem>>, %arg2: memref<1024x768xi32, #tpu.memory_space<vmem>>, %arg3: memref<64x16x64xf32, #tpu.memory_space<vmem>>, %arg4: memref<64x16xf32, #tpu.memory_space<vmem>>, %arg5: memref<64x768xbf16, #tpu.memory_space<vmem>>, %arg6: memref<64x768xbf16, #tpu.memory_space<vmem>>, %arg7: memref<768x128xbf16, #tpu.memory_space<vmem>>, %arg8: memref<128x768xbf16, #tpu.memory_space<vmem>>, %arg9: memref<768x768xbf16, #tpu.memory_space<vmem>>, %arg10: memref<1x768xf32, #tpu.memory_space<vmem>>, %arg11: memref<1x128xf32, #tpu.memory_space<vmem>>, %arg12: memref<64x768xf32, #tpu.memory_space<vmem>>) attributes {dimension_semantics = [#tpu.dimension_semantics<arbitrary>], iteration_bounds = array<i64: 8>, scalar_prefetch = 0 : i64, scratch_operands = 0 : i64, tpu.core_type = #tpu.core_type<tc>, window_params = [{transform_indices = @transform_0, window_bounds = array<i64: 64, 768>}, {transform_indices = @transform_1, window_bounds = array<i64: 1024, 768>}, {transform_indices = @transform_2, window_bounds = array<i64: 64, 16, 64>}, {transform_indices = @transform_3, window_bounds = array<i64: 64, 16>}, {pipeline_mode = #tpu.pipeline_mode<synchronous>, transform_indices = @transform_4, window_bounds = array<i64: 64, 768>}, {pipeline_mode = #tpu.pipeline_mode<synchronous>, transform_indices = @transform_5, window_bounds = array<i64: 64, 768>}, {pipeline_mode = #tpu.pipeline_mode<synchronous>, transform_indices = @transform_6, window_bounds = array<i64: 768, 128>}, {pipeline_mode = #tpu.pipeline_mode<synchronous>, transform_indices = @transform_7, window_bounds = array<i64: 128, 768>}, {pipeline_mode = #tpu.pipeline_mode<synchronous>, transform_indices = @transform_8, window_bounds = array<i64: 768, 768>}, {pipeline_mode = #tpu.pipeline_mode<synchronous>, transform_indices = @transform_9, window_bounds = array<i64: 1, 768>}, {pipeline_mode = #tpu.pipeline_mode<synchronous>, transform_indices = @transform_10, window_bounds = array<i64: 1, 128>}, {transform_indices = @transform_11, window_bounds = array<i64: 64, 768>}]} {
    %get3A = arith.constant 0 : index
    %get3A_0 = arith.constant 0 : index
    %get3A_1 = vector.load %arg2[%get3A, %get3A_0] : memref<1024x768xi32, #tpu.memory_space<vmem>>, vector<1024x768xi32>
    %and3A = arith.constant -65536 : i32
    %and3A_2 = vector.broadcast %and3A : i32 to vector<1024x768xi32>
    %and3A_3 = arith.andi %get3A_1, %and3A_2 : vector<1024x768xi32>
    %bitcast_convert_type3A = tpu.bitcast %and3A_3 : vector<1024x768xi32> -> vector<1024x768xf32>
    %shift_left3A = arith.constant 16 : i32
    %shift_left3A_4 = vector.broadcast %shift_left3A : i32 to vector<1024x768xi32>
    %shift_left3A_5 = arith.shli %get3A_1, %shift_left3A_4 : vector<1024x768xi32>
    %bitcast_convert_type3A_6 = tpu.bitcast %shift_left3A_5 : vector<1024x768xi32> -> vector<1024x768xf32>
    %get3A_7 = arith.constant 0 : index
    %get3A_8 = arith.constant 0 : index
    %get3A_9 = arith.constant 0 : index
    %get3A_10 = vector.load %arg3[%get3A_7, %get3A_8, %get3A_9] : memref<64x16x64xf32, #tpu.memory_space<vmem>>, vector<64x16x64xf32>
    %convert_element_type3A = arith.truncf %get3A_10 : vector<64x16x64xf32> to vector<64x16x64xbf16>
    %reshape3A = vector.shape_cast %convert_element_type3A : vector<64x16x64xbf16> to vector<1024x64xbf16>
    %get3A_11 = arith.constant 0 : index
    %get3A_12 = arith.constant 0 : index
    %get3A_13 = vector.load %arg5[%get3A_11, %get3A_12] : memref<64x768xbf16, #tpu.memory_space<vmem>>, vector<64x768xbf16>
    %dot_general3A = arith.constant dense<0.000000e+00> : vector<1024x768xf32>
    %dot_general3A_14 = tpu.matmul %reshape3A, %get3A_13, %dot_general3A {dimension_numbers = #tpu.dot_dimension_numbers<[1], [0], [0], [1], [0, 0, 1, 1], [], []>, transpose_lhs_hint = false} : vector<1024x64xbf16>, vector<64x768xbf16>, vector<1024x768xf32> -> vector<1024x768xf32>
    %add3A = arith.addf %bitcast_convert_type3A, %dot_general3A_14 : vector<1024x768xf32>
    %get3A_15 = arith.constant 0 : index
    %get3A_16 = arith.constant 0 : index
    %get3A_17 = vector.load %arg6[%get3A_15, %get3A_16] : memref<64x768xbf16, #tpu.memory_space<vmem>>, vector<64x768xbf16>
    %dot_general3A_18 = arith.constant dense<0.000000e+00> : vector<1024x768xf32>
    %dot_general3A_19 = tpu.matmul %reshape3A, %get3A_17, %dot_general3A_18 {dimension_numbers = #tpu.dot_dimension_numbers<[1], [0], [0], [1], [0, 0, 1, 1], [], []>, transpose_lhs_hint = false} : vector<1024x64xbf16>, vector<64x768xbf16>, vector<1024x768xf32> -> vector<1024x768xf32>
    %add3A_20 = arith.addf %bitcast_convert_type3A_6, %dot_general3A_19 : vector<1024x768xf32>
    %get3A_21 = arith.constant 0 : index
    %get3A_22 = arith.constant 0 : index
    %get3A_23 = vector.load %arg1[%get3A_21, %get3A_22] : memref<64x768xf32, #tpu.memory_space<vmem>>, vector<64x768xf32>
    %reshape3A_24 = vector.shape_cast %get3A_23 : vector<64x768xf32> to vector<64x1x768xf32>
    %reshape3A_25 = vector.shape_cast %add3A : vector<1024x768xf32> to vector<64x16x768xf32>
    %mul3A = vector.broadcast %reshape3A_24 : vector<64x1x768xf32> to vector<64x16x768xf32>
    %mul3A_26 = arith.mulf %mul3A, %reshape3A_25 : vector<64x16x768xf32>
    %reshape3A_27 = vector.shape_cast %mul3A_26 : vector<64x16x768xf32> to vector<1024x768xf32>
    %convert_element_type3A_28 = arith.truncf %reshape3A_27 : vector<1024x768xf32> to vector<1024x768xbf16>
    %get3A_29 = arith.constant 0 : index
    %get3A_30 = arith.constant 0 : index
    %get3A_31 = vector.load %arg7[%get3A_29, %get3A_30] : memref<768x128xbf16, #tpu.memory_space<vmem>>, vector<768x128xbf16>
    %dot_general3A_32 = arith.constant dense<0.000000e+00> : vector<1024x128xf32>
    %dot_general3A_33 = tpu.matmul %convert_element_type3A_28, %get3A_31, %dot_general3A_32 {dimension_numbers = #tpu.dot_dimension_numbers<[1], [0], [0], [1], [0, 0, 1, 1], [], []>, transpose_lhs_hint = false} : vector<1024x768xbf16>, vector<768x128xbf16>, vector<1024x128xf32> -> vector<1024x128xf32>
    %reshape3A_34 = vector.shape_cast %dot_general3A_33 : vector<1024x128xf32> to vector<64x16x128xf32>
    %get3A_35 = arith.constant 0 : index
    %get3A_36 = arith.constant 0 : index
    %get3A_37 = vector.load %arg4[%get3A_35, %get3A_36] : memref<64x16xf32, #tpu.memory_space<vmem>>, vector<64x16xf32>
    %mul3A_38 = arith.mulf %get3A_37, %get3A_37 : vector<64x16xf32>
    %reshape3A_39 = vector.shape_cast %mul3A_38 : vector<64x16xf32> to vector<64x16x1xf32>
    %neg3A = arith.constant 0.000000e+00 : f32
    %neg3A_40 = vector.broadcast %neg3A : f32 to vector<64x16x1xf32>
    %neg3A_41 = arith.subf %neg3A_40, %reshape3A_39 : vector<64x16x1xf32>
    %get3A_42 = arith.constant 0 : index
    %get3A_43 = arith.constant 0 : index
    %get3A_44 = vector.load %arg11[%get3A_42, %get3A_43] : memref<1x128xf32, #tpu.memory_space<vmem>>, vector<1x128xf32>
    %reshape3A_45 = vector.shape_cast %get3A_44 : vector<1x128xf32> to vector<1x1x128xf32>
    %mul3A_46 = vector.broadcast %neg3A_41 : vector<64x16x1xf32> to vector<64x16x128xf32>
    %mul3A_47 = vector.broadcast %reshape3A_45 : vector<1x1x128xf32> to vector<64x16x128xf32>
    %mul3A_48 = arith.mulf %mul3A_46, %mul3A_47 : vector<64x16x128xf32>
    %add3A_49 = arith.addf %reshape3A_34, %mul3A_48 : vector<64x16x128xf32>
    %reduce_max3A = arith.constant dense<0xFF800000> : vector<64x128xf32>
    %reduce_max3A_50 = vector.multi_reduction <maximumf>, %add3A_49, %reduce_max3A [1] : vector<64x16x128xf32> to vector<64x128xf32>
    %broadcast_in_dim3A = vector.shape_cast %reduce_max3A_50 : vector<64x128xf32> to vector<64x1x128xf32>
    %sub3A = vector.broadcast %broadcast_in_dim3A : vector<64x1x128xf32> to vector<64x16x128xf32>
    %sub3A_51 = arith.subf %add3A_49, %sub3A : vector<64x16x128xf32>
    %exp3A = math.exp %sub3A_51 : vector<64x16x128xf32>
    %reduce_sum3A = arith.constant dense<0.000000e+00> : vector<64x128xf32>
    %reduce_sum3A_52 = vector.multi_reduction <add>, %exp3A, %reduce_sum3A [1] : vector<64x16x128xf32> to vector<64x128xf32>
    %broadcast_in_dim3A_53 = vector.shape_cast %reduce_sum3A_52 : vector<64x128xf32> to vector<64x1x128xf32>
    %div3A = vector.broadcast %broadcast_in_dim3A_53 : vector<64x1x128xf32> to vector<64x16x128xf32>
    %div3A_54 = arith.divf %exp3A, %div3A : vector<64x16x128xf32>
    %reshape3A_55 = vector.shape_cast %div3A_54 : vector<64x16x128xf32> to vector<1024x128xf32>
    %convert_element_type3A_56 = arith.truncf %reshape3A_55 : vector<1024x128xf32> to vector<1024x128xbf16>
    %get3A_57 = arith.constant 0 : index
    %get3A_58 = arith.constant 0 : index
    %get3A_59 = vector.load %arg8[%get3A_57, %get3A_58] : memref<128x768xbf16, #tpu.memory_space<vmem>>, vector<128x768xbf16>
    %dot_general3A_60 = arith.constant dense<0.000000e+00> : vector<1024x768xf32>
    %dot_general3A_61 = tpu.matmul %convert_element_type3A_56, %get3A_59, %dot_general3A_60 {dimension_numbers = #tpu.dot_dimension_numbers<[1], [0], [0], [1], [0, 0, 1, 1], [], []>, transpose_lhs_hint = false} : vector<1024x128xbf16>, vector<128x768xbf16>, vector<1024x768xf32> -> vector<1024x768xf32>
    %mul3A_62 = arith.mulf %dot_general3A_61, %add3A_20 : vector<1024x768xf32>
    %reshape3A_63 = vector.shape_cast %mul3A_62 : vector<1024x768xf32> to vector<64x16x768xf32>
    %reduce_sum3A_64 = arith.constant dense<0.000000e+00> : vector<64x768xf32>
    %reduce_sum3A_65 = vector.multi_reduction <add>, %reshape3A_63, %reduce_sum3A_64 [1] : vector<64x16x768xf32> to vector<64x768xf32>
    %convert_element_type3A_66 = arith.truncf %reduce_sum3A_65 : vector<64x768xf32> to vector<64x768xbf16>
    %get3A_67 = arith.constant 0 : index
    %get3A_68 = arith.constant 0 : index
    %get3A_69 = vector.load %arg9[%get3A_67, %get3A_68] : memref<768x768xbf16, #tpu.memory_space<vmem>>, vector<768x768xbf16>
    %dot_general3A_70 = arith.constant dense<0.000000e+00> : vector<64x768xf32>
    %dot_general3A_71 = tpu.matmul %convert_element_type3A_66, %get3A_69, %dot_general3A_70 {dimension_numbers = #tpu.dot_dimension_numbers<[1], [0], [0], [1], [0, 0, 1, 1], [], []>, transpose_lhs_hint = false} : vector<64x768xbf16>, vector<768x768xbf16>, vector<64x768xf32> -> vector<64x768xf32>
    %get3A_72 = arith.constant 0 : index
    %get3A_73 = arith.constant 0 : index
    %get3A_74 = vector.load %arg10[%get3A_72, %get3A_73] : memref<1x768xf32, #tpu.memory_space<vmem>>, vector<1x768xf32>
    %add3A_75 = vector.broadcast %get3A_74 : vector<1x768xf32> to vector<64x768xf32>
    %add3A_76 = arith.addf %dot_general3A_71, %add3A_75 : vector<64x768xf32>
    %swap3A = arith.constant 0 : index
    %swap3A_77 = arith.constant 0 : index
    %swap3A_78 = vector.load %arg12[%swap3A, %swap3A_77] : memref<64x768xf32, #tpu.memory_space<vmem>>, vector<64x768xf32>
    tpu.vector_store %arg12[%swap3A, %swap3A_77], %add3A_76 {strides = array<i32>} : memref<64x768xf32, #tpu.memory_space<vmem>>, vector<64x768xf32>,
    return
  }
  func.func @transform_0(%arg0: i32) -> (i32, i32) {
    %add3A = arith.constant 8 : i32
    %add3A_0 = arith.addi %arg0, %add3A : i32
    %c0_i32 = arith.constant 0 : i32
    %c0_i32_1 = arith.constant 0 : i32
    return %add3A_0, %c0_i32 : i32, i32
  }
  func.func @transform_1(%arg0: i32) -> (i32, i32) {
    %c0_i32 = arith.constant 0 : i32
    %c0_i32_0 = arith.constant 0 : i32
    return %arg0, %c0_i32 : i32, i32
  }
  func.func @transform_2(%arg0: i32) -> (i32, i32, i32) {
    %add3A = arith.constant 8 : i32
    %add3A_0 = arith.addi %arg0, %add3A : i32
    %c0_i32 = arith.constant 0 : i32
    %c0_i32_1 = arith.constant 0 : i32
    %c0_i32_2 = arith.constant 0 : i32
    return %add3A_0, %c0_i32, %c0_i32_1 : i32, i32, i32
  }
  func.func @transform_3(%arg0: i32) -> (i32, i32) {
    %add3A = arith.constant 8 : i32
    %add3A_0 = arith.addi %arg0, %add3A : i32
    %c0_i32 = arith.constant 0 : i32
    %c0_i32_1 = arith.constant 0 : i32
    return %add3A_0, %c0_i32 : i32, i32
  }
  func.func @transform_4(%arg0: i32) -> (i32, i32) {
    %c0_i32 = arith.constant 0 : i32
    %c0_i32_0 = arith.constant 0 : i32
    %c0_i32_1 = arith.constant 0 : i32
    return %c0_i32, %c0_i32_0 : i32, i32
  }
  func.func @transform_5(%arg0: i32) -> (i32, i32) {
    %c0_i32 = arith.constant 0 : i32
    %c0_i32_0 = arith.constant 0 : i32
    %c0_i32_1 = arith.constant 0 : i32
    return %c0_i32, %c0_i32_0 : i32, i32
  }
  func.func @transform_6(%arg0: i32) -> (i32, i32) {
    %c0_i32 = arith.constant 0 : i32
    %c0_i32_0 = arith.constant 0 : i32
    %c0_i32_1 = arith.constant 0 : i32
    return %c0_i32, %c0_i32_0 : i32, i32
  }
  func.func @transform_7(%arg0: i32) -> (i32, i32) {
    %c0_i32 = arith.constant 0 : i32
    %c0_i32_0 = arith.constant 0 : i32
    %c0_i32_1 = arith.constant 0 : i32
    return %c0_i32, %c0_i32_0 : i32, i32
  }
  func.func @transform_8(%arg0: i32) -> (i32, i32) {
    %c0_i32 = arith.constant 0 : i32
    %c0_i32_0 = arith.constant 0 : i32
    %c0_i32_1 = arith.constant 0 : i32
    return %c0_i32, %c0_i32_0 : i32, i32
  }
  func.func @transform_9(%arg0: i32) -> (i32, i32) {
    %c0_i32 = arith.constant 0 : i32
    %c0_i32_0 = arith.constant 0 : i32
    %c0_i32_1 = arith.constant 0 : i32
    return %c0_i32, %c0_i32_0 : i32, i32
  }
  func.func @transform_10(%arg0: i32) -> (i32, i32) {
    %c0_i32 = arith.constant 0 : i32
    %c0_i32_0 = arith.constant 0 : i32
    %c0_i32_1 = arith.constant 0 : i32
    return %c0_i32, %c0_i32_0 : i32, i32
  }
  func.func @transform_11(%arg0: i32) -> (i32, i32) {
    %c0_i32 = arith.constant 0 : i32
    %c0_i32_0 = arith.constant 0 : i32
    return %arg0, %c0_i32 : i32, i32
  }
}

module attributes {stable_mosaic.version = 14 : i64} {
  func.func @_attn_body(%arg0: i32, %arg1: memref<64x768xf32, #tpu.memory_space<vmem>>, %arg2: memref<1024x768xi32, #tpu.memory_space<vmem>>, %arg3: memref<64x16x64xf32, #tpu.memory_space<vmem>>, %arg4: memref<64x16xf32, #tpu.memory_space<vmem>>, %arg5: memref<64x768xbf16, #tpu.memory_space<vmem>>, %arg6: memref<64x768xbf16, #tpu.memory_space<vmem>>, %arg7: memref<768x128xbf16, #tpu.memory_space<vmem>>, %arg8: memref<128x768xbf16, #tpu.memory_space<vmem>>, %arg9: memref<768x768xbf16, #tpu.memory_space<vmem>>, %arg10: memref<1x768xf32, #tpu.memory_space<vmem>>, %arg11: memref<1x128xf32, #tpu.memory_space<vmem>>, %arg12: memref<64x768xf32, #tpu.memory_space<vmem>>) attributes {dimension_semantics = [#tpu.dimension_semantics<arbitrary>], iteration_bounds = array<i64: 8>, scalar_prefetch = 0 : i64, scratch_operands = 0 : i64, tpu.core_type = #tpu.core_type<tc>, window_params = [{transform_indices = @transform_0, window_bounds = array<i64: 64, 768>}, {transform_indices = @transform_1, window_bounds = array<i64: 1024, 768>}, {transform_indices = @transform_2, window_bounds = array<i64: 64, 16, 64>}, {transform_indices = @transform_3, window_bounds = array<i64: 64, 16>}, {pipeline_mode = #tpu.pipeline_mode<synchronous>, transform_indices = @transform_4, window_bounds = array<i64: 64, 768>}, {pipeline_mode = #tpu.pipeline_mode<synchronous>, transform_indices = @transform_5, window_bounds = array<i64: 64, 768>}, {pipeline_mode = #tpu.pipeline_mode<synchronous>, transform_indices = @transform_6, window_bounds = array<i64: 768, 128>}, {pipeline_mode = #tpu.pipeline_mode<synchronous>, transform_indices = @transform_7, window_bounds = array<i64: 128, 768>}, {pipeline_mode = #tpu.pipeline_mode<synchronous>, transform_indices = @transform_8, window_bounds = array<i64: 768, 768>}, {pipeline_mode = #tpu.pipeline_mode<synchronous>, transform_indices = @transform_9, window_bounds = array<i64: 1, 768>}, {pipeline_mode = #tpu.pipeline_mode<synchronous>, transform_indices = @transform_10, window_bounds = array<i64: 1, 128>}, {transform_indices = @transform_11, window_bounds = array<i64: 64, 768>}]} {
    %get3A = arith.constant 0 : index
    %get3A_0 = arith.constant 0 : index
    %get3A_1 = vector.load %arg2[%get3A, %get3A_0] : memref<1024x768xi32, #tpu.memory_space<vmem>>, vector<1024x768xi32>
    %and3A = arith.constant -65536 : i32
    %and3A_2 = vector.broadcast %and3A : i32 to vector<1024x768xi32>
    %and3A_3 = arith.andi %get3A_1, %and3A_2 : vector<1024x768xi32>
    %bitcast_convert_type3A = tpu.bitcast %and3A_3 : vector<1024x768xi32> -> vector<1024x768xf32>
    %shift_left3A = arith.constant 16 : i32
    %shift_left3A_4 = vector.broadcast %shift_left3A : i32 to vector<1024x768xi32>
    %shift_left3A_5 = arith.shli %get3A_1, %shift_left3A_4 : vector<1024x768xi32>
    %bitcast_convert_type3A_6 = tpu.bitcast %shift_left3A_5 : vector<1024x768xi32> -> vector<1024x768xf32>
    %get3A_7 = arith.constant 0 : index
    %get3A_8 = arith.constant 0 : index
    %get3A_9 = arith.constant 0 : index
    %get3A_10 = vector.load %arg3[%get3A_7, %get3A_8, %get3A_9] : memref<64x16x64xf32, #tpu.memory_space<vmem>>, vector<64x16x64xf32>
    %convert_element_type3A = arith.truncf %get3A_10 : vector<64x16x64xf32> to vector<64x16x64xbf16>
    %reshape3A = vector.shape_cast %convert_element_type3A : vector<64x16x64xbf16> to vector<1024x64xbf16>
    %get3A_11 = arith.constant 0 : index
    %get3A_12 = arith.constant 0 : index
    %get3A_13 = vector.load %arg5[%get3A_11, %get3A_12] : memref<64x768xbf16, #tpu.memory_space<vmem>>, vector<64x768xbf16>
    %dot_general3A = arith.constant dense<0.000000e+00> : vector<1024x768xf32>
    %dot_general3A_14 = tpu.matmul %reshape3A, %get3A_13, %dot_general3A {dimension_numbers = #tpu.dot_dimension_numbers<[1], [0], [0], [1], [0, 0, 1, 1], [], []>, transpose_lhs_hint = false} : vector<1024x64xbf16>, vector<64x768xbf16>, vector<1024x768xf32> -> vector<1024x768xf32>
    %add3A = arith.addf %bitcast_convert_type3A, %dot_general3A_14 : vector<1024x768xf32>
    %get3A_15 = arith.constant 0 : index
    %get3A_16 = arith.constant 0 : index
    %get3A_17 = vector.load %arg6[%get3A_15, %get3A_16] : memref<64x768xbf16, #tpu.memory_space<vmem>>, vector<64x768xbf16>
    %dot_general3A_18 = arith.constant dense<0.000000e+00> : vector<1024x768xf32>
    %dot_general3A_19 = tpu.matmul %reshape3A, %get3A_17, %dot_general3A_18 {dimension_numbers = #tpu.dot_dimension_numbers<[1], [0], [0], [1], [0, 0, 1, 1], [], []>, transpose_lhs_hint = false} : vector<1024x64xbf16>, vector<64x768xbf16>, vector<1024x768xf32> -> vector<1024x768xf32>
    %add3A_20 = arith.addf %bitcast_convert_type3A_6, %dot_general3A_19 : vector<1024x768xf32>
    %get3A_21 = arith.constant 0 : index
    %get3A_22 = arith.constant 0 : index
    %get3A_23 = vector.load %arg1[%get3A_21, %get3A_22] : memref<64x768xf32, #tpu.memory_space<vmem>>, vector<64x768xf32>
    %reshape3A_24 = vector.shape_cast %get3A_23 : vector<64x768xf32> to vector<64x1x768xf32>
    %reshape3A_25 = vector.shape_cast %add3A : vector<1024x768xf32> to vector<64x16x768xf32>
    %mul3A = vector.broadcast %reshape3A_24 : vector<64x1x768xf32> to vector<64x16x768xf32>
    %mul3A_26 = arith.mulf %mul3A, %reshape3A_25 : vector<64x16x768xf32>
    %reshape3A_27 = vector.shape_cast %mul3A_26 : vector<64x16x768xf32> to vector<1024x768xf32>
    %convert_element_type3A_28 = arith.truncf %reshape3A_27 : vector<1024x768xf32> to vector<1024x768xbf16>
    %get3A_29 = arith.constant 0 : index
    %get3A_30 = arith.constant 0 : index
    %get3A_31 = vector.load %arg7[%get3A_29, %get3A_30] : memref<768x128xbf16, #tpu.memory_space<vmem>>, vector<768x128xbf16>
    %dot_general3A_32 = arith.constant dense<0.000000e+00> : vector<1024x128xf32>
    %dot_general3A_33 = tpu.matmul %convert_element_type3A_28, %get3A_31, %dot_general3A_32 {dimension_numbers = #tpu.dot_dimension_numbers<[1], [0], [0], [1], [0, 0, 1, 1], [], []>, transpose_lhs_hint = false} : vector<1024x768xbf16>, vector<768x128xbf16>, vector<1024x128xf32> -> vector<1024x128xf32>
    %reshape3A_34 = vector.shape_cast %dot_general3A_33 : vector<1024x128xf32> to vector<64x16x128xf32>
    %get3A_35 = arith.constant 0 : index
    %get3A_36 = arith.constant 0 : index
    %get3A_37 = vector.load %arg4[%get3A_35, %get3A_36] : memref<64x16xf32, #tpu.memory_space<vmem>>, vector<64x16xf32>
    %mul3A_38 = arith.mulf %get3A_37, %get3A_37 : vector<64x16xf32>
    %reshape3A_39 = vector.shape_cast %mul3A_38 : vector<64x16xf32> to vector<64x16x1xf32>
    %neg3A = arith.constant 0.000000e+00 : f32
    %neg3A_40 = vector.broadcast %neg3A : f32 to vector<64x16x1xf32>
    %neg3A_41 = arith.subf %neg3A_40, %reshape3A_39 : vector<64x16x1xf32>
    %get3A_42 = arith.constant 0 : index
    %get3A_43 = arith.constant 0 : index
    %get3A_44 = vector.load %arg11[%get3A_42, %get3A_43] : memref<1x128xf32, #tpu.memory_space<vmem>>, vector<1x128xf32>
    %reshape3A_45 = vector.shape_cast %get3A_44 : vector<1x128xf32> to vector<1x1x128xf32>
    %mul3A_46 = vector.broadcast %neg3A_41 : vector<64x16x1xf32> to vector<64x16x128xf32>
    %mul3A_47 = vector.broadcast %reshape3A_45 : vector<1x1x128xf32> to vector<64x16x128xf32>
    %mul3A_48 = arith.mulf %mul3A_46, %mul3A_47 : vector<64x16x128xf32>
    %add3A_49 = arith.addf %reshape3A_34, %mul3A_48 : vector<64x16x128xf32>
    %reduce_max3A = arith.constant dense<0xFF800000> : vector<64x128xf32>
    %reduce_max3A_50 = vector.multi_reduction <maximumf>, %add3A_49, %reduce_max3A [1] : vector<64x16x128xf32> to vector<64x128xf32>
    %broadcast_in_dim3A = vector.shape_cast %reduce_max3A_50 : vector<64x128xf32> to vector<64x1x128xf32>
    %sub3A = vector.broadcast %broadcast_in_dim3A : vector<64x1x128xf32> to vector<64x16x128xf32>
    %sub3A_51 = arith.subf %add3A_49, %sub3A : vector<64x16x128xf32>
    %exp3A = math.exp %sub3A_51 : vector<64x16x128xf32>
    %reduce_sum3A = arith.constant dense<0.000000e+00> : vector<64x128xf32>
    %reduce_sum3A_52 = vector.multi_reduction <add>, %exp3A, %reduce_sum3A [1] : vector<64x16x128xf32> to vector<64x128xf32>
    %broadcast_in_dim3A_53 = vector.shape_cast %reduce_sum3A_52 : vector<64x128xf32> to vector<64x1x128xf32>
    %div3A = vector.broadcast %broadcast_in_dim3A_53 : vector<64x1x128xf32> to vector<64x16x128xf32>
    %div3A_54 = arith.divf %exp3A, %div3A : vector<64x16x128xf32>
    %reshape3A_55 = vector.shape_cast %div3A_54 : vector<64x16x128xf32> to vector<1024x128xf32>
    %convert_element_type3A_56 = arith.truncf %reshape3A_55 : vector<1024x128xf32> to vector<1024x128xbf16>
    %get3A_57 = arith.constant 0 : index
    %get3A_58 = arith.constant 0 : index
    %get3A_59 = vector.load %arg8[%get3A_57, %get3A_58] : memref<128x768xbf16, #tpu.memory_space<vmem>>, vector<128x768xbf16>
    %dot_general3A_60 = arith.constant dense<0.000000e+00> : vector<1024x768xf32>
    %dot_general3A_61 = tpu.matmul %convert_element_type3A_56, %get3A_59, %dot_general3A_60 {dimension_numbers = #tpu.dot_dimension_numbers<[1], [0], [0], [1], [0, 0, 1, 1], [], []>, transpose_lhs_hint = false} : vector<1024x128xbf16>, vector<128x768xbf16>, vector<1024x768xf32> -> vector<1024x768xf32>
    %mul3A_62 = arith.mulf %dot_general3A_61, %add3A_20 : vector<1024x768xf32>
    %reshape3A_63 = vector.shape_cast %mul3A_62 : vector<1024x768xf32> to vector<64x16x768xf32>
    %reduce_sum3A_64 = arith.constant dense<0.000000e+00> : vector<64x768xf32>
    %reduce_sum3A_65 = vector.multi_reduction <add>, %reshape3A_63, %reduce_sum3A_64 [1] : vector<64x16x768xf32> to vector<64x768xf32>
    %convert_element_type3A_66 = arith.truncf %reduce_sum3A_65 : vector<64x768xf32> to vector<64x768xbf16>
    %get3A_67 = arith.constant 0 : index
    %get3A_68 = arith.constant 0 : index
    %get3A_69 = vector.load %arg9[%get3A_67, %get3A_68] : memref<768x768xbf16, #tpu.memory_space<vmem>>, vector<768x768xbf16>
    %dot_general3A_70 = arith.constant dense<0.000000e+00> : vector<64x768xf32>
    %dot_general3A_71 = tpu.matmul %convert_element_type3A_66, %get3A_69, %dot_general3A_70 {dimension_numbers = #tpu.dot_dimension_numbers<[1], [0], [0], [1], [0, 0, 1, 1], [], []>, transpose_lhs_hint = false} : vector<64x768xbf16>, vector<768x768xbf16>, vector<64x768xf32> -> vector<64x768xf32>
    %get3A_72 = arith.constant 0 : index
    %get3A_73 = arith.constant 0 : index
    %get3A_74 = vector.load %arg10[%get3A_72, %get3A_73] : memref<1x768xf32, #tpu.memory_space<vmem>>, vector<1x768xf32>
    %add3A_75 = vector.broadcast %get3A_74 : vector<1x768xf32> to vector<64x768xf32>
    %add3A_76 = arith.addf %dot_general3A_71, %add3A_75 : vector<64x768xf32>
    %swap3A = arith.constant 0 : index
    %swap3A_77 = arith.constant 0 : index
    %swap3A_78 = vector.load %arg12[%swap3A, %swap3A_77] : memref<64x768xf32, #tpu.memory_space<vmem>>, vector<64x768xf32>
    tpu.vector_store %arg12[%swap3A, %swap3A_77], %add3A_76 {strides = array<i32>} : memref<64x768xf32, #tpu.memory_space<vmem>>, vector<64x768xf32>,
    return
  }
  func.func @transform_0(%arg0: i32) -> (i32, i32) {
    %add3A = arith.constant 0 : i32
    %add3A_0 = arith.addi %arg0, %add3A : i32
    %c0_i32 = arith.constant 0 : i32
    %c0_i32_1 = arith.constant 0 : i32
    return %add3A_0, %c0_i32 : i32, i32
  }
  func.func @transform_1(%arg0: i32) -> (i32, i32) {
    %c0_i32 = arith.constant 0 : i32
    %c0_i32_0 = arith.constant 0 : i32
    return %arg0, %c0_i32 : i32, i32
  }
  func.func @transform_2(%arg0: i32) -> (i32, i32, i32) {
    %add3A = arith.constant 0 : i32
    %add3A_0 = arith.addi %arg0, %add3A : i32
    %c0_i32 = arith.constant 0 : i32
    %c0_i32_1 = arith.constant 0 : i32
    %c0_i32_2 = arith.constant 0 : i32
    return %add3A_0, %c0_i32, %c0_i32_1 : i32, i32, i32
  }
  func.func @transform_3(%arg0: i32) -> (i32, i32) {
    %add3A = arith.constant 0 : i32
    %add3A_0 = arith.addi %arg0, %add3A : i32
    %c0_i32 = arith.constant 0 : i32
    %c0_i32_1 = arith.constant 0 : i32
    return %add3A_0, %c0_i32 : i32, i32
  }
  func.func @transform_4(%arg0: i32) -> (i32, i32) {
    %c0_i32 = arith.constant 0 : i32
    %c0_i32_0 = arith.constant 0 : i32
    %c0_i32_1 = arith.constant 0 : i32
    return %c0_i32, %c0_i32_0 : i32, i32
  }
  func.func @transform_5(%arg0: i32) -> (i32, i32) {
    %c0_i32 = arith.constant 0 : i32
    %c0_i32_0 = arith.constant 0 : i32
    %c0_i32_1 = arith.constant 0 : i32
    return %c0_i32, %c0_i32_0 : i32, i32
  }
  func.func @transform_6(%arg0: i32) -> (i32, i32) {
    %c0_i32 = arith.constant 0 : i32
    %c0_i32_0 = arith.constant 0 : i32
    %c0_i32_1 = arith.constant 0 : i32
    return %c0_i32, %c0_i32_0 : i32, i32
  }
  func.func @transform_7(%arg0: i32) -> (i32, i32) {
    %c0_i32 = arith.constant 0 : i32
    %c0_i32_0 = arith.constant 0 : i32
    %c0_i32_1 = arith.constant 0 : i32
    return %c0_i32, %c0_i32_0 : i32, i32
  }
  func.func @transform_8(%arg0: i32) -> (i32, i32) {
    %c0_i32 = arith.constant 0 : i32
    %c0_i32_0 = arith.constant 0 : i32
    %c0_i32_1 = arith.constant 0 : i32
    return %c0_i32, %c0_i32_0 : i32, i32
  }
  func.func @transform_9(%arg0: i32) -> (i32, i32) {
    %c0_i32 = arith.constant 0 : i32
    %c0_i32_0 = arith.constant 0 : i32
    %c0_i32_1 = arith.constant 0 : i32
    return %c0_i32, %c0_i32_0 : i32, i32
  }
  func.func @transform_10(%arg0: i32) -> (i32, i32) {
    %c0_i32 = arith.constant 0 : i32
    %c0_i32_0 = arith.constant 0 : i32
    %c0_i32_1 = arith.constant 0 : i32
    return %c0_i32, %c0_i32_0 : i32, i32
  }
  func.func @transform_11(%arg0: i32) -> (i32, i32) {
    %c0_i32 = arith.constant 0 : i32
    %c0_i32_0 = arith.constant 0 : i32
    return %arg0, %c0_i32 : i32, i32
  }
}

</mosaic_0001>

<sc_bundles>
// kernel: kernel.11.cloned.1.call-start
scs
__scs_entry_jumppad:
0x0: {  	(pc) =	sbr.rel $0x88, $3  }
0x1: {  	(tag) =	ssettag $0x0;
	lr =	simm.s32 $0x1  }
0x2: {  	[smem:$0x3F97] =	sst lr;
	_ =	strace $0xD0000000  }
0x3: {  	_ = 	snop  }
0x4: {  	_ = 	snop  }
0x5: {  	_ = 	snop  }
0x6: {  	_ = 	snop  }
0x7: {  	_ = 	snop  }
__scs_overlays_trampoline_lowered:
0x8: {  	[smem:$0x3FA6] =	sst s0  }
0x9: {  	[smem:$0x3FA7] =	sst s1  }
0xa: {  	[smem:$0x3FA8] =	sst s2  }
0xb: {  	[smem:$0x3FA9] =	sst s3  }
0xc: {  	[smem:$0x3FAA] =	sst s4  }
0xd: {  	[smem:$0x3FAB] =	sst s5  }
0xe: {  	[smem:$0x3FAC] =	sst s6  }
0xf: {  	[smem:$0x3FAD] =	sst s7  }
0x10: {  	[smem:$0x3FAE] =	sst s8  }
0x11: {  	[smem:$0x3FAF] =	sst s9;
	s0 =	simm.s32 @!p0 $0x0  }
0x12: {  	s1 =	sld [smem:$0x3F95];
	s0 =	simm.s32 @p0 $0x1  }
0x13: {  	[smem:$0x3FB0] =	sst s0;
	s0 =	simm.s32 @!p1 $0x0  }
0x14: {  	s2 =	sld [smem:$0x3F94];
	s0 =	simm.s32 @p1 $0x1  }
0x15: {  	[smem:$0x3FB1] =	sst s0;
	s0 =	simm.s32 @!p2 $0x0  }
0x16: {  	s3 =	sld [smem:$0x3FDB];
	s0 =	simm.s32 @p2 $0x1  }
0x17: {  	s4 =	simm.s32 $0x1BF5;
	[smem:$0x3FB3] =	sst s0  }
0x18: {  	s0 =	sld [smem:$0x3F96];
	_ =	swait.ge [sflag:s4], $0x0  }
0x19: {  	s7 =	sld [smem:$0x3F97]  }
0x1a: {  	s8 =	sadd.s32 $0xFFFFE003, lr  }
0x1b: {  	s9 =	sadd.s32 $0xFFFFFEF7, lr;
	s5 =	simm.s32 $0xFFFFFFFF;
	p2 =	slt.u32 s8, $0xFFFFF086  }
0x1c: {  	p1 =	slt.u32 s9, $0xF7A;
	s5 =	simm.s32 @!p2 $0x0  }
0x1d: {  	s5 =	simm.s32 @p1 $0x1;
	p0 =	seq.s32 s7, s2  }
0x1e: {  	s7 =	smul.u32 @!p0 $0xF7A, s2;
	p2 =	seq.s32 @!p0 s5, $0x0  }
0x1f: {  	s9 =	smul.u32 $0xF7A, s1;
	s8 =	simm.s32 @!p0 $0x1BF5;
	p2 =	por !p2, p0  }
0x20: {  	[sflag:s8] =	ssyncset.s32 @!p0 $0xFFFFF086;
	s6 =	sadd.s32 @!p0 s3, s7;
	s7 =	simm.s32 @!p0 $0x108  }
0x21: {  	s3 =	sadd.s32 s3, s9;
	s6 =	sadd.s32 @!p0 $0x88, s6;
	s7 =	simm.s32 @p2 $0x1082  }
0x22: {  	[simem:s7], [sflag:s8] =	dma.local @!p0 [hbm:s6], $0xF7A  }
0x23: {  	s9 =	sor.u32 $0xD0000000, s2;
	s6 =	simm.s32 $0x108;
	_ =	swait.ge @!p0 [sflag:s8], $0x0  }
0x24: {  	s3 =	sadd.s32 $0x88, s3;
	s6 =	simm.s32 @!p1 $0x1082;
	[sflag:s4] =	ssyncset.s32 $0xFFFFF086  }
0x25: {  	[simem:s6], [sflag:s4] =	dma.local [hbm:s3], $0xF7A  }
0x26: {  	[smem:$0x3F97] =	sst s1;
	(tag) =	ssettag s2;
	_ =	strace s9  }
0x27: {  	s1 =	sld [smem:$0x3FA7]  }
0x28: {  	s2 =	sld [smem:$0x3FA8]  }
0x29: {  	s4 =	sld [smem:$0x3FAA]  }
0x2a: {  	p0 =	seq.s32 s5, $0x0;
	s5 =	sld [smem:$0x3FAB]  }
0x2b: {  	s6 =	sld [smem:$0x3FAC]  }
0x2c: {  	s7 =	sld [smem:$0x3FAD]  }
0x2d: {  	s3 =	simm.s32 $0x108;
	s8 =	sld [smem:$0x3FAE]  }
0x2e: {  	s3 =	simm.s32 @!p0 $0x1082;
	s9 =	sld [smem:$0x3FAF]  }
0x2f: {  	lr =	sadd.s32 s0, s3;
	s0 =	sld [smem:$0x3FA6]  }
0x30: {  	s3 =	sld [smem:$0x3FA9]  }
0x31: {  	[smem:$0x3FB2] =	sst s10  }
0x32: {  	s10 =	sld [smem:$0x3FB0];
	_ =	sdelay $0x3  }
0x33: {  	p0 =	seq.s32 s10, $0x1;
	s10 =	sld [smem:$0x3FB2];
	_ =	sdelay $0x3  }
0x34: {  	[smem:$0x3FB2] =	sst s10  }
0x35: {  	s10 =	sld [smem:$0x3FB1];
	_ =	sdelay $0x3  }
0x36: {  	p1 =	seq.s32 s10, $0x1;
	s10 =	sld [smem:$0x3FB2];
	_ =	sdelay $0x3  }
0x37: {  	[smem:$0x3FB2] =	sst s10  }
0x38: {  	s10 =	sld [smem:$0x3FB3]  }
0x39: {  	_ = 	snop;
	(pc) =	sbr.ind lr, $3  }
0x3a: {  	_ = 	snop  }
0x3b: {  	_ = 	snop  }
0x3c: {  	p2 =	seq.s32 s10, $0x1;
	s10 =	sld [smem:$0x3FB2]  }
0x3d: {  	_ =	shalt  }
0x3e: {  	_ =	shalt  }
0x3f: {  	_ =	shalt  }
0x40: {  	_ =	shalt  }
0x41: {  	_ =	shalt  }
0x42: {  	_ =	shalt  }
0x43: {  	_ =	shalt  }
0x44: {  	_ =	shalt  }
0x45: {  	_ =	shalt  }
0x46: {  	_ =	shalt  }
0x47: {  	_ =	shalt  }
0x48: {  	_ =	shalt  }
0x49: {  	_ =	shalt  }
0x4a: {  	_ =	shalt  }
0x4b: {  	_ =	shalt  }
0x4c: {  	_ =	shalt  }
0x4d: {  	_ =	shalt  }
0x4e: {  	_ =	shalt  }
0x4f: {  	_ =	shalt  }
0x50: {  	_ =	shalt  }
0x51: {  	_ =	shalt  }
0x52: {  	_ =	shalt  }
0x53: {  	_ =	shalt  }
0x54: {  	_ =	shalt  }
0x55: {  	_ =	shalt  }
0x56: {  	_ =	shalt  }
0x57: {  	_ =	shalt  }
0x58: {  	_ =	shalt  }
0x59: {  	_ =	shalt  }
0x5a: {  	_ =	shalt  }
0x5b: {  	_ =	shalt  }
0x5c: {  	_ =	shalt  }
0x5d: {  	_ =	shalt  }
0x5e: {  	_ =	shalt  }
0x5f: {  	_ =	shalt  }
0x60: {  	_ =	shalt  }
0x61: {  	_ =	shalt  }
0x62: {  	_ =	shalt  }
0x63: {  	_ =	shalt  }
0x64: {  	_ =	shalt  }
0x65: {  	_ =	shalt  }
0x66: {  	_ =	shalt  }
0x67: {  	_ =	shalt  }
0x68: {  	_ =	shalt  }
0x69: {  	_ =	shalt  }
0x6a: {  	_ =	shalt  }
0x6b: {  	_ =	shalt  }
0x6c: {  	_ =	shalt  }
0x6d: {  	_ =	shalt  }
0x6e: {  	_ =	shalt  }
0x6f: {  	_ =	shalt  }
0x70: {  	_ =	shalt  }
0x71: {  	_ =	shalt  }
0x72: {  	_ =	shalt  }
0x73: {  	_ =	shalt  }
0x74: {  	_ =	shalt  }
0x75: {  	_ =	shalt  }
0x76: {  	_ =	shalt  }
0x77: {  	_ =	shalt  }
0x78: {  	_ =	shalt  }
0x79: {  	_ =	shalt  }
0x7a: {  	_ =	shalt  }
0x7b: {  	_ =	shalt  }
0x7c: {  	_ =	shalt  }
0x7d: {  	_ =	shalt  }
0x7e: {  	_ =	shalt  }
0x7f: {  	_ =	shalt  }
0x80: {  	_ =	shalt  }
0x81: {  	_ =	shalt  }
0x82: {  	_ =	shalt  }
0x83: {  	_ =	shalt  }
0x84: {  	_ =	shalt  }
0x85: {  	_ =	shalt  }
0x86: {  	_ =	shalt  }
0x87: {  	_ =	shalt  }
.Lfunc_end0:
.L_simem_size_0:
called_computation_lowered:
.L_overlay_start_0:
0x88: {  	s2 =	sld [smem:$0x3FD9]  }
0x89: {  	s3 =	sld [smem:$0x3FFE];
	_ =	sdelay $0x1  }
0x8a: {  	s1 =	srdreg.scid  }
0x8b: {  	s0 =	sand.u32 $0x1, s1  }
0x8c: {  	s17 =	sshll.u32 s0, $0xA;
	s2 =	sadd.s32 s3, s2  }
0x8d: {  	s2 =	sadd.s32 s2, s17  }
0x8e: {  	[smem:$0x3FBE] =	sst s2  }
0x8f: {  	_ = 	snop  }
0x90: {  	s18 =	sld [smem:$0x3FD0];
	(tm) =	ssettm $0x1  }
0x91: {  	s19 =	sld [smem:$0x3FFB];
	_ =	sdelay $0x3  }
0x92: {  	_ =	strace s19  }
0x93: {  	s2 =	sld [smem:$0x3FFC];
	_ =	sdelay $0x3  }
0x94: {  	_ =	strace s2  }
0x95: {  	s2 =	sld [smem:$0x3FFD];
	_ =	sdelay $0x3  }
0x96: {  	_ =	strace s2  }
0x97: {  	_ =	strace $0x8FFFFFFF  }
0x98: {  	s20 =	sld [smem:$0x3FDB];
	_ =	sdelay $0x1  }
0x99: {  	s4 =	simm.s32 $_scs_section_size  }
0x9a: {  	s5 =	simm.s32 $_size__tile_overlayer_lowered;
	s6 =	simm.s32 $_tile_overlayer_lowered  }
0x9b: {  	s7 =	simm.s32 $0x1BFF;
	s21 =	sshll.u32 s6, $0x1;
	s4 =	sadd.s32 s4, s20  }
0x9c: {  	s22 =	simm.s32 $0x0;
	s5 =	sshll.u32 s5, $0x1;
	s6 =	sadd.s32 s21, s4  }
0x9d: {  	[timem:s22], [sflag:s7] =	dma.local [hbm:s6], s5  }
0x9e: {  	_ =	swait.ge [sflag:s7], s5  }
0x9f: {  	s5 =	ssub.s32 $0x0, s5;
	[sflag:s7] =	ssyncset.done $0x0  }
0xa0: {  	[sflag:s7] =	ssyncadd.s32 s5;
	_ =	sdelay $0x1  }
0xa1: {  	s23 =	simm.s32 $0x1B8B  }
0xa2: {  	_ =	swait.ge [sflag:s23], $0x1  }
0xa3: {  	[sflag:s23] =	ssyncset.done $0x0  }
0xa4: {  	[sflag:s23] =	ssyncadd.s32 $0xFFFFFFFF  }
0xa5: {  	s5 =	sld [smem:$0x0]  }
0xa6: {  	s6 =	sand.u32 $0xFFFFFFFE, s1  }
0xa7: {  	p0 =	sne.s32 s1, s6  }
0xa8: {  	s6 =	sshll.u32 @p0 s6, $0xE  }
0xa9: {  	s6 =	sadd.s32 @p0 $0x11B8D, s6;
	s7 =	sshll.u32 @p0 s5, $0x11  }
0xaa: {  	s6 =	sor.u32 @p0 s7, s6  }
0xab: {  	[sflag:s6] =	ssyncadd.remote.s32 @p0 $0x1;
	_ =	sdelay $0x1  }
0xac: {  	s6 =	simm.s32 @p0 $0x1B8D  }
0xad: {  	_ =	swait.eq @p0 [sflag:s6], $0x1  }
0xae: {  	[sflag:s6] =	ssyncadd.s32 @p0 $0xFFFFFFFF  }
0xaf: {  	s7 =	sshll.u32 @!p0 s1, $0xE  }
0xb0: {  	s7 =	sor.u32 @!p0 $0x4000, s7;
	s6 =	simm.s32 @!p0 $0x1B8D  }
0xb1: {  	s5 =	sshll.u32 @!p0 s5, $0x11;
	s7 =	sadd.s32 @!p0 $0x11B8D, s7;
	_ =	swait.eq @!p0 [sflag:s6], $0x1  }
0xb2: {  	s5 =	sor.u32 @!p0 s5, s7;
	[sflag:s6] =	ssyncadd.s32 @!p0 $0xFFFFFFFF  }
0xb3: {  	s25 =	simm.s32 $0x1B8E;
	s24 =	sld [smem:$0x3FFE];
	[sflag:s5] =	ssyncadd.remote.s32 @!p0 $0x1  }
0xb4: {  	s26 =	simm.s32 $execute0_lowered;
	[smem:$0x3FD2] =	sst s25  }
0xb5: {  	s6 =	sshll.u32 s26, $0x1;
	_ =	strace $0x8000004F;
	[dreg:$0x1] =	wrdreg $0xFFFFFFFF  }
0xb6: {  	s28 =	simm.s32 $_size_execute0_lowered;
	s4 =	sadd.s32 s4, s6;
	[dreg:$0x0] =	wrdreg $0x0  }
0xb7: {  	s6 =	sshll.u32 s28, $0x1;
	[dreg:$0x2] =	wrdreg s4  }
0xb8: {  	[dreg:$0x3] =	wrdreg s6  }
0xb9: {  	[dreg:$0x4] =	wrdreg $0xC0  }
0xba: {  	_ =	task [dreg:s22], $0x5FFFF  }
0xbb: {  	[dreg:$0x1] =	wrdreg $0xFFFFFFFF  }
0xbc: {  	[dreg:$0x0] =	wrdreg $0x60  }
0xbd: {  	[dreg:$0x2] =	wrdreg s18  }
0xbe: {  	[dreg:$0x3] =	wrdreg s24  }
0xbf: {  	[dreg:$0x4] =	wrdreg $0x9  }
0xc0: {  	_ =	task.clear_ibuf [dreg:s22], $0x5FFFF;
	_ =	strace $0x9000004F  }
0xc1: {  	s29 =	simm.s32 $0x9;
	_ =	strace $0x80000051  }
0xc2: {  	_ =	swait.ge [sflag:s29], $0x1  }
0xc3: {  	[sflag:s29] =	ssyncadd.s32 $0xFFFFFFFF  }
0xc4: {  	_ =	strace $0x90000051  }
0xc5: {  	_ =	sfence  }
0xc6: {  	s30 =	sld [smem:$0x0];
	_ =	sdelay $0x2  }
0xc7: {  	s31 =	sshll.u32 s1, $0xD;
	s1 =	sshrl.u32 s1, $0x2  }
0xc8: {  	s4 =	sand.u32 $0x4000, s31;
	s1 =	sadd.s32 s1, s30  }
0xc9: {  	s0 =	sor.u32 s4, s0;
	s1 =	sshll.u32 s1, $0x11  }
0xca: {  	s0 =	sor.u32 s1, s0  }
0xcb: {  	s0 =	sadd.s32 $0x8F2B, s0  }
0xcc: {  	[sflag:s0] =	ssyncadd.remote.s32 $0x1  }
0xcd: {  	_ =	sfence.sel $0xFFFF  }
0xce: {  	[dreg:$0x0] =	wrdreg $0xFFFFFFFF;
	(pc) =	sbr.abs _section_cstart, $3  }
0xcf: {  	[dreg:$0x1] =	wrdreg $0xFFFFFFFF  }
0xd0: {  	_ =	task.clear_ibuf [dreg:s22], $0x2FFFF;
	_ =	strace $0x9FFFFFFF  }
0xd1: {  	(tm) =	ssettm $0x7FFFFFFF  }
tec
execute0_lowered:
.L_overlay_start_1:
0x0: {  	(tag) =	ssettag $0x1  }
0x1: {  	s0 =	srdreg.scid  }
0x2: {  	s2 =	rddreg [dreg:$0x0];
	s3 =	stileid.u32  }
0x3: {  	s1 =	rddreg [dreg:$0x1];
	s15 =	simm.s32 $0x900;
	s16 =	simm.s32 $0x1100  }
0x4: {  	s17 =	simm.s32 $0x1900;
	s18 =	simm.s32 $0x2100;
	s19 =	simm.s32 $0x2900  }
0x5: {  	s20 =	simm.s32 $0x3100;
	s21 =	simm.s32 $0x3900;
	s22 =	simm.s32 $0x4100  }
0x6: {  	s28 =	simm.s32 $0x6900;
	s29 =	simm.s32 $0x7100;
	s30 =	simm.s32 $0x7900  }
0x7: {  	s31 =	simm.s32 $0x8100;
	s9 =	simm.s32 $0xA100;
	s10 =	simm.s32 $0xB100  }
0x8: {  	s11 =	simm.s32 $0xB900;
	s12 =	simm.s32 $0xC100;
	s0 =	sand.u32 $0x1, s0  }
0x9: {  	s4 =	sshll.u32 s3, $0x6;
	s3 =	simm.s32 $0x0;
	s5 =	sshll.u32 s0, $0x5  }
0xa: {  	s13 =	simm.s32 $0x1;
	[smem:$0x7FF] =	sst s3;
	s4 =	sor.u32 s5, s4  }
0xb: {  	s0 =	ssub.s32 $0x2, s0;
	_ =	strace $0x80000050;
	s5 =	smul.u32 $0x300, s4  }
0xc: {  	s25 =	sshrl.u32 s0, $0x1;
	s6 =	smul.u32 $0x1800, s4;
	s4 =	sadd.s32 s4, s1  }
0xd: {  	s1 =	sadd.s32 $0x244200, s1;
	s0 =	ssub.s32 s0, s25;
	s25 =	simm.s32 $0x5900  }
0xe: {  	s4 =	sadd.s32 $0x3200, s4;
	s8 =	smax.u32 s0, $0x1;
	s7 =	sadd.s32 s1, s5  }
0xf: {  	s23 =	sshrl.u32 s6, $0x3;
	[dreg:$0x3] =	wrdreg s4;
	s5 =	sadd.s32 $0x100, s2  }
0x10: {  	[dreg:$0x7] =	wrdreg s7;
	s24 =	sadd.s32 $0x1800, s7;
	s1 =	sadd.s32 s1, s23  }
0x11: {  	v2 =	vlaneseq.u32;
	s6 =	sadd.s32 $0x200, s2;
	[dreg:$0x4] =	wrdreg s24;
	s26 =	sadd.s32 $0x3000, s1  }
0x12: {  	vm0 =	vmmov $0xffff;
	v1 =	vshrl.u32 v2, $0x3;
	s23 =	simm.s32 $0x4900;
	s1 =	sadd.s32 $0x4800, s1;
	[dreg:$0x5] =	wrdreg s26  }
0x13: {  	v0 =	vand.u32 $0x7, v2;
	v2 =	vor.u32 $0x8, v2;
	v1 =	vmul.u32 $0x8, v1;
	s24 =	simm.s32 $0x5100;
	[dreg:$0x6] =	wrdreg s1;
	s26 =	simm.s32 $0x6100  }
.LBB2_1:
0x14: {  	s14 =	rddreg [dreg:$0x3];
	s0 =	simm.s32 $0x5  }
0x15: {  	[tilespmem:s3], [sflag:$0x5] =	stream.linear.gather [hbm4b:s14+s3], $0x100, $0x38;
	[tilespmem:$0x18100] =	vst v63  }
0x16: {  	_ =	swait.ge [sflag:s0], $0x100  }
0x17: {  	[sflag:s0] =	ssyncset.done $0x0  }
0x18: {  	[sflag:s0] =	ssyncadd.s32 $0xFFFFFF00  }
0x19: {  	v3 =	vld [tilespmem:$0x0];
	_ =	sdelay $0x4  }
0x1a: {  	v4 =	vshrl.u32 v3, $0x3  }
0x1b: {  	v4 =	vmul.u32 $0x30, v4  }
0x1c: {  	v3 =	vand.u32 $0x7, v3  }
0x1d: {  	v3 =	vor.u32 v3, v4  }
0x1e: {  	v4 =	vperm.xlane v3, v0;
	_ =	sdelay $0x1  }
0x1f: {  	v4 =	vadd.s32 v1, v4;
	_ =	sdelay $0x3  }
0x20: {  	s1 =	simm.s32 $0x100;
	v3 =	vperm.xlane v3, v2  }
0x21: {  	[tilespmem:s1], [sflag:$0x1] =	stream.indirect_vreg.gather [hbm4b:s2+s3], $0x80, v4, vm0, $0xb8;
	[tilespmem:$0x18100] =	vst v63  }
0x22: {  	v3 =	vadd.s32 v1, v3  }
0x23: {  	[tilespmem:s15], [sflag:$0x1] =	stream.indirect_vreg.gather [hbm4b:s5+s3], $0x80, v4, vm0, $0xb8;
	[tilespmem:$0x18100] =	vst v63  }
0x24: {  	_ = 	snop  }
0x25: {  	[tilespmem:s16], [sflag:$0x1] =	stream.indirect_vreg.gather [hbm4b:s6+s3], $0x80, v4, vm0, $0xb8;
	[tilespmem:$0x18100] =	vst v63  }
0x26: {  	_ = 	snop  }
0x27: {  	[tilespmem:s17], [sflag:$0x1] =	stream.indirect_vreg.gather [hbm4b:s2+s3], $0x80, v3, vm0, $0xb8;
	[tilespmem:$0x18100] =	vst v63  }
0x28: {  	_ = 	snop  }
0x29: {  	[tilespmem:s18], [sflag:$0x1] =	stream.indirect_vreg.gather [hbm4b:s5+s3], $0x80, v3, vm0, $0xb8;
	[tilespmem:$0x18100] =	vst v63  }
0x2a: {  	_ = 	snop  }
0x2b: {  	[tilespmem:s19], [sflag:$0x1] =	stream.indirect_vreg.gather [hbm4b:s6+s3], $0x80, v3, vm0, $0xb8;
	[tilespmem:$0x18100] =	vst v63  }
0x2c: {  	v3 =	vld [tilespmem:$0x10];
	_ =	sdelay $0x4  }
0x2d: {  	v49 =	vshrl.u32 v3, $0x3  }
0x2e: {  	v4 =	vmul.u32 $0x30, v49  }
0x2f: {  	v3 =	vand.u32 $0x7, v3  }
0x30: {  	v3 =	vor.u32 v3, v4  }
0x31: {  	v4 =	vperm.xlane v3, v0;
	_ =	sdelay $0x1  }
0x32: {  	v4 =	vadd.s32 v1, v4;
	_ =	sdelay $0x3  }
0x33: {  	v3 =	vperm.xlane v3, v2  }
0x34: {  	[tilespmem:s20], [sflag:$0x1] =	stream.indirect_vreg.gather [hbm4b:s2+s3], $0x80, v4, vm0, $0xb8;
	[tilespmem:$0x18100] =	vst v63  }
0x35: {  	v3 =	vadd.s32 v1, v3  }
0x36: {  	[tilespmem:s21], [sflag:$0x1] =	stream.indirect_vreg.gather [hbm4b:s5+s3], $0x80, v4, vm0, $0xb8;
	[tilespmem:$0x18100] =	vst v63  }
0x37: {  	_ = 	snop  }
0x38: {  	[tilespmem:s22], [sflag:$0x1] =	stream.indirect_vreg.gather [hbm4b:s6+s3], $0x80, v4, vm0, $0xb8;
	[tilespmem:$0x18100] =	vst v63  }
0x39: {  	_ = 	snop  }
0x3a: {  	[tilespmem:s23], [sflag:$0x1] =	stream.indirect_vreg.gather [hbm4b:s2+s3], $0x80, v3, vm0, $0xb8;
	[tilespmem:$0x18100] =	vst v63  }
0x3b: {  	_ = 	snop  }
0x3c: {  	[tilespmem:s24], [sflag:$0x1] =	stream.indirect_vreg.gather [hbm4b:s5+s3], $0x80, v3, vm0, $0xb8;
	[tilespmem:$0x18100] =	vst v63  }
0x3d: {  	_ = 	snop  }
0x3e: {  	[tilespmem:s25], [sflag:$0x1] =	stream.indirect_vreg.gather [hbm4b:s6+s3], $0x80, v3, vm0, $0xb8;
	[tilespmem:$0x18100] =	vst v63  }
0x3f: {  	v3 =	vld [tilespmem:$0x20];
	_ =	sdelay $0x4  }
0x40: {  	v50 =	vshrl.u32 v3, $0x3  }
0x41: {  	v4 =	vmul.u32 $0x30, v50  }
0x42: {  	v3 =	vand.u32 $0x7, v3  }
0x43: {  	v3 =	vor.u32 v3, v4  }
0x44: {  	v4 =	vperm.xlane v3, v0;
	_ =	sdelay $0x1  }
0x45: {  	v4 =	vadd.s32 v1, v4;
	_ =	sdelay $0x3  }
0x46: {  	v3 =	vperm.xlane v3, v2  }
0x47: {  	[tilespmem:s26], [sflag:$0x1] =	stream.indirect_vreg.gather [hbm4b:s2+s3], $0x80, v4, vm0, $0xb8;
	[tilespmem:$0x18100] =	vst v63  }
0x48: {  	v3 =	vadd.s32 v1, v3  }
0x49: {  	[tilespmem:s28], [sflag:$0x1] =	stream.indirect_vreg.gather [hbm4b:s5+s3], $0x80, v4, vm0, $0xb8;
	[tilespmem:$0x18100] =	vst v63  }
0x4a: {  	_ = 	snop  }
0x4b: {  	[tilespmem:s29], [sflag:$0x1] =	stream.indirect_vreg.gather [hbm4b:s6+s3], $0x80, v4, vm0, $0xb8;
	[tilespmem:$0x18100] =	vst v63  }
0x4c: {  	_ = 	snop  }
0x4d: {  	[tilespmem:s30], [sflag:$0x1] =	stream.indirect_vreg.gather [hbm4b:s2+s3], $0x80, v3, vm0, $0xb8;
	[tilespmem:$0x18100] =	vst v63  }
0x4e: {  	_ = 	snop  }
0x4f: {  	[tilespmem:s31], [sflag:$0x1] =	stream.indirect_vreg.gather [hbm4b:s5+s3], $0x80, v3, vm0, $0xb8;
	[tilespmem:$0x18100] =	vst v63  }
0x50: {  	s1 =	simm.s32 $0x8900  }
0x51: {  	[tilespmem:s1], [sflag:$0x1] =	stream.indirect_vreg.gather [hbm4b:s6+s3], $0x80, v3, vm0, $0xb8;
	[tilespmem:$0x18100] =	vst v63  }
0x52: {  	v3 =	vld [tilespmem:$0x30];
	_ =	sdelay $0x4  }
0x53: {  	v51 =	vshrl.u32 v3, $0x3  }
0x54: {  	v4 =	vmul.u32 $0x30, v51  }
0x55: {  	v3 =	vand.u32 $0x7, v3  }
0x56: {  	v3 =	vor.u32 v3, v4  }
0x57: {  	v4 =	vperm.xlane v3, v0;
	_ =	sdelay $0x1  }
0x58: {  	v4 =	vadd.s32 v1, v4;
	_ =	sdelay $0x3  }
0x59: {  	s4 =	simm.s32 $0x9100;
	v3 =	vperm.xlane v3, v2  }
0x5a: {  	[tilespmem:s4], [sflag:$0x1] =	stream.indirect_vreg.gather [hbm4b:s2+s3], $0x80, v4, vm0, $0xb8;
	[tilespmem:$0x18100] =	vst v63  }
0x5b: {  	s7 =	simm.s32 $0x9900;
	v3 =	vadd.s32 v1, v3  }
0x5c: {  	[tilespmem:s7], [sflag:$0x1] =	stream.indirect_vreg.gather [hbm4b:s5+s3], $0x80, v4, vm0, $0xb8;
	[tilespmem:$0x18100] =	vst v63  }
0x5d: {  	_ = 	snop  }
0x5e: {  	[tilespmem:s9], [sflag:$0x1] =	stream.indirect_vreg.gather [hbm4b:s6+s3], $0x80, v4, vm0, $0xb8;
	[tilespmem:$0x18100] =	vst v63  }
0x5f: {  	s4 =	simm.s32 $0xA900  }
0x60: {  	[tilespmem:s4], [sflag:$0x1] =	stream.indirect_vreg.gather [hbm4b:s2+s3], $0x80, v3, vm0, $0xb8;
	[tilespmem:$0x18100] =	vst v63  }
0x61: {  	_ = 	snop  }
0x62: {  	[tilespmem:s10], [sflag:$0x1] =	stream.indirect_vreg.gather [hbm4b:s5+s3], $0x80, v3, vm0, $0xb8;
	[tilespmem:$0x18100] =	vst v63  }
0x63: {  	_ = 	snop  }
0x64: {  	[tilespmem:s11], [sflag:$0x1] =	stream.indirect_vreg.gather [hbm4b:s6+s3], $0x80, v3, vm0, $0xb8;
	[tilespmem:$0x18100] =	vst v63  }
0x65: {  	v3 =	vld [tilespmem:$0x40];
	_ =	sdelay $0x4  }
0x66: {  	v52 =	vshrl.u32 v3, $0x3  }
0x67: {  	v4 =	vmul.u32 $0x30, v52  }
0x68: {  	v3 =	vand.u32 $0x7, v3  }
0x69: {  	v3 =	vor.u32 v3, v4  }
0x6a: {  	v4 =	vperm.xlane v3, v0;
	_ =	sdelay $0x1  }
0x6b: {  	v4 =	vadd.s32 v1, v4;
	_ =	sdelay $0x3  }
0x6c: {  	v3 =	vperm.xlane v3, v2  }
0x6d: {  	[tilespmem:s12], [sflag:$0x2] =	stream.indirect_vreg.gather [hbm4b:s2+s3], $0x80, v4, vm0, $0xb8;
	[tilespmem:$0x18100] =	vst v63  }
0x6e: {  	s14 =	simm.s32 $0xC900;
	v3 =	vadd.s32 v1, v3  }
0x6f: {  	[tilespmem:s14], [sflag:$0x2] =	stream.indirect_vreg.gather [hbm4b:s5+s3], $0x80, v4, vm0, $0xb8;
	[tilespmem:$0x18100] =	vst v63  }
0x70: {  	s7 =	simm.s32 $0xD100  }
0x71: {  	[tilespmem:s7], [sflag:$0x2] =	stream.indirect_vreg.gather [hbm4b:s6+s3], $0x80, v4, vm0, $0xb8;
	[tilespmem:$0x18100] =	vst v63  }
0x72: {  	s14 =	simm.s32 $0xD900  }
0x73: {  	[tilespmem:s14], [sflag:$0x2] =	stream.indirect_vreg.gather [hbm4b:s2+s3], $0x80, v3, vm0, $0xb8;
	[tilespmem:$0x18100] =	vst v63  }
0x74: {  	s7 =	simm.s32 $0xE100  }
0x75: {  	[tilespmem:s7], [sflag:$0x2] =	stream.indirect_vreg.gather [hbm4b:s5+s3], $0x80, v3, vm0, $0xb8;
	[tilespmem:$0x18100] =	vst v63  }
0x76: {  	s14 =	simm.s32 $0xE900  }
0x77: {  	[tilespmem:s14], [sflag:$0x2] =	stream.indirect_vreg.gather [hbm4b:s6+s3], $0x80, v3, vm0, $0xb8;
	[tilespmem:$0x18100] =	vst v63  }
0x78: {  	v3 =	vld [tilespmem:$0x50];
	_ =	sdelay $0x4  }
0x79: {  	v53 =	vshrl.u32 v3, $0x3  }
0x7a: {  	v4 =	vmul.u32 $0x30, v53  }
0x7b: {  	v3 =	vand.u32 $0x7, v3  }
0x7c: {  	v3 =	vor.u32 v3, v4  }
0x7d: {  	v4 =	vperm.xlane v3, v0;
	_ =	sdelay $0x1  }
0x7e: {  	v4 =	vadd.s32 v1, v4;
	_ =	sdelay $0x3  }
0x7f: {  	s7 =	simm.s32 $0xF100;
	v3 =	vperm.xlane v3, v2  }
0x80: {  	[tilespmem:s7], [sflag:$0x2] =	stream.indirect_vreg.gather [hbm4b:s2+s3], $0x80, v4, vm0, $0xb8;
	[tilespmem:$0x18100] =	vst v63  }
0x81: {  	s14 =	simm.s32 $0xF900;
	v3 =	vadd.s32 v1, v3  }
0x82: {  	[tilespmem:s14], [sflag:$0x2] =	stream.indirect_vreg.gather [hbm4b:s5+s3], $0x80, v4, vm0, $0xb8;
	[tilespmem:$0x18100] =	vst v63  }
0x83: {  	s7 =	simm.s32 $0x10100  }
0x84: {  	[tilespmem:s7], [sflag:$0x2] =	stream.indirect_vreg.gather [hbm4b:s6+s3], $0x80, v4, vm0, $0xb8;
	[tilespmem:$0x18100] =	vst v63  }
0x85: {  	s14 =	simm.s32 $0x10900  }
0x86: {  	[tilespmem:s14], [sflag:$0x2] =	stream.indirect_vreg.gather [hbm4b:s2+s3], $0x80, v3, vm0, $0xb8;
	[tilespmem:$0x18100] =	vst v63  }
0x87: {  	s7 =	simm.s32 $0x11100  }
0x88: {  	[tilespmem:s7], [sflag:$0x2] =	stream.indirect_vreg.gather [hbm4b:s5+s3], $0x80, v3, vm0, $0xb8;
	[tilespmem:$0x18100] =	vst v63  }
0x89: {  	s14 =	simm.s32 $0x11900  }
0x8a: {  	[tilespmem:s14], [sflag:$0x2] =	stream.indirect_vreg.gather [hbm4b:s6+s3], $0x80, v3, vm0, $0xb8;
	[tilespmem:$0x18100] =	vst v63  }
0x8b: {  	v3 =	vld [tilespmem:$0x60];
	_ =	sdelay $0x4  }
0x8c: {  	v54 =	vshrl.u32 v3, $0x3  }
0x8d: {  	v4 =	vmul.u32 $0x30, v54  }
0x8e: {  	v3 =	vand.u32 $0x7, v3  }
0x8f: {  	v3 =	vor.u32 v3, v4  }
0x90: {  	v4 =	vperm.xlane v3, v0;
	_ =	sdelay $0x1  }
0x91: {  	v4 =	vadd.s32 v1, v4;
	_ =	sdelay $0x3  }
0x92: {  	s7 =	simm.s32 $0x12100;
	v3 =	vperm.xlane v3, v2  }
0x93: {  	[tilespmem:s7], [sflag:$0x2] =	stream.indirect_vreg.gather [hbm4b:s2+s3], $0x80, v4, vm0, $0xb8;
	[tilespmem:$0x18100] =	vst v63  }
0x94: {  	s14 =	simm.s32 $0x12900;
	v3 =	vadd.s32 v1, v3  }
0x95: {  	[tilespmem:s14], [sflag:$0x2] =	stream.indirect_vreg.gather [hbm4b:s5+s3], $0x80, v4, vm0, $0xb8;
	[tilespmem:$0x18100] =	vst v63  }
0x96: {  	s7 =	simm.s32 $0x13100  }
0x97: {  	[tilespmem:s7], [sflag:$0x2] =	stream.indirect_vreg.gather [hbm4b:s6+s3], $0x80, v4, vm0, $0xb8;
	[tilespmem:$0x18100] =	vst v63  }
0x98: {  	s14 =	simm.s32 $0x13900  }
0x99: {  	[tilespmem:s14], [sflag:$0x2] =	stream.indirect_vreg.gather [hbm4b:s2+s3], $0x80, v3, vm0, $0xb8;
	[tilespmem:$0x18100] =	vst v63  }
0x9a: {  	s7 =	simm.s32 $0x14100  }
0x9b: {  	[tilespmem:s7], [sflag:$0x2] =	stream.indirect_vreg.gather [hbm4b:s5+s3], $0x80, v3, vm0, $0xb8;
	[tilespmem:$0x18100] =	vst v63  }
0x9c: {  	s14 =	simm.s32 $0x14900  }
0x9d: {  	[tilespmem:s14], [sflag:$0x2] =	stream.indirect_vreg.gather [hbm4b:s6+s3], $0x80, v3, vm0, $0xb8;
	[tilespmem:$0x18100] =	vst v63  }
0x9e: {  	v3 =	vld [tilespmem:$0x70];
	_ =	sdelay $0x4  }
0x9f: {  	v55 =	vshrl.u32 v3, $0x3  }
0xa0: {  	v4 =	vmul.u32 $0x30, v55  }
0xa1: {  	v3 =	vand.u32 $0x7, v3  }
0xa2: {  	v3 =	vor.u32 v3, v4  }
0xa3: {  	v4 =	vperm.xlane v3, v0;
	_ =	sdelay $0x1  }
0xa4: {  	v4 =	vadd.s32 v1, v4;
	_ =	sdelay $0x3  }
0xa5: {  	s7 =	simm.s32 $0x15100;
	v3 =	vperm.xlane v3, v2  }
0xa6: {  	[tilespmem:s7], [sflag:$0x2] =	stream.indirect_vreg.gather [hbm4b:s2+s3], $0x80, v4, vm0, $0xb8;
	[tilespmem:$0x18100] =	vst v63  }
0xa7: {  	s14 =	simm.s32 $0x15900;
	v3 =	vadd.s32 v1, v3  }
0xa8: {  	[tilespmem:s14], [sflag:$0x2] =	stream.indirect_vreg.gather [hbm4b:s5+s3], $0x80, v4, vm0, $0xb8;
	[tilespmem:$0x18100] =	vst v63  }
0xa9: {  	s7 =	simm.s32 $0x16100  }
0xaa: {  	[tilespmem:s7], [sflag:$0x2] =	stream.indirect_vreg.gather [hbm4b:s6+s3], $0x80, v4, vm0, $0xb8;
	[tilespmem:$0x18100] =	vst v63  }
0xab: {  	s14 =	simm.s32 $0x16900  }
0xac: {  	[tilespmem:s14], [sflag:$0x2] =	stream.indirect_vreg.gather [hbm4b:s2+s3], $0x80, v3, vm0, $0xb8;
	[tilespmem:$0x18100] =	vst v63  }
0xad: {  	s7 =	simm.s32 $0x17100  }
0xae: {  	[tilespmem:s7], [sflag:$0x2] =	stream.indirect_vreg.gather [hbm4b:s5+s3], $0x80, v3, vm0, $0xb8;
	[tilespmem:$0x18100] =	vst v63  }
0xaf: {  	s14 =	simm.s32 $0x17900  }
0xb0: {  	[tilespmem:s14], [sflag:$0x2] =	stream.indirect_vreg.gather [hbm4b:s6+s3], $0x80, v3, vm0, $0xb8;
	[tilespmem:$0x18100] =	vst v63  }
0xb1: {  	_ =	swait.ge [sflag:s13], $0xC000  }
0xb2: {  	[sflag:s13] =	ssyncset.done $0x0  }
0xb3: {  	s7 =	simm.s32 $0x100;
	s0 =	rddreg [dreg:$0x7];
	[sflag:s13] =	ssyncadd.s32 $0xFFFF4000  }
0xb4: {  	[hbm4b:s0+s3] =	stream.linear.scatter [tilespmem:s7], [sflag:$0x3], $0xC000, $0x38;
	[tilespmem:$0x18100] =	vst v63  }
0xb5: {  	s0 =	simm.s32 $0x3  }
0xb6: {  	_ =	swait.ge [sflag:s0], $0xC000  }
0xb7: {  	[sflag:s0] =	ssyncset.done $0x0  }
0xb8: {  	[sflag:s0] =	ssyncadd.s32 $0xFFFF4000  }
0xb9: {  	v3 =	vld [tilespmem:$0x80];
	_ =	sdelay $0x4  }
0xba: {  	v56 =	vshrl.u32 v3, $0x3  }
0xbb: {  	v4 =	vmul.u32 $0x30, v56  }
0xbc: {  	v3 =	vand.u32 $0x7, v3  }
0xbd: {  	v3 =	vor.u32 v3, v4  }
0xbe: {  	v4 =	vperm.xlane v3, v0;
	_ =	sdelay $0x1  }
0xbf: {  	v4 =	vadd.s32 v1, v4;
	_ =	sdelay $0x3  }
0xc0: {  	v3 =	vperm.xlane v3, v2  }
0xc1: {  	[tilespmem:s7], [sflag:$0x1] =	stream.indirect_vreg.gather [hbm4b:s2+s3], $0x80, v4, vm0, $0xb8;
	[tilespmem:$0x18100] =	vst v63  }
0xc2: {  	v3 =	vadd.s32 v1, v3  }
0xc3: {  	[tilespmem:s15], [sflag:$0x1] =	stream.indirect_vreg.gather [hbm4b:s5+s3], $0x80, v4, vm0, $0xb8;
	[tilespmem:$0x18100] =	vst v63  }
0xc4: {  	_ = 	snop  }
0xc5: {  	[tilespmem:s16], [sflag:$0x1] =	stream.indirect_vreg.gather [hbm4b:s6+s3], $0x80, v4, vm0, $0xb8;
	[tilespmem:$0x18100] =	vst v63  }
0xc6: {  	_ = 	snop  }
0xc7: {  	[tilespmem:s17], [sflag:$0x1] =	stream.indirect_vreg.gather [hbm4b:s2+s3], $0x80, v3, vm0, $0xb8;
	[tilespmem:$0x18100] =	vst v63  }
0xc8: {  	_ = 	snop  }
0xc9: {  	[tilespmem:s18], [sflag:$0x1] =	stream.indirect_vreg.gather [hbm4b:s5+s3], $0x80, v3, vm0, $0xb8;
	[tilespmem:$0x18100] =	vst v63  }
0xca: {  	_ = 	snop  }
0xcb: {  	[tilespmem:s19], [sflag:$0x1] =	stream.indirect_vreg.gather [hbm4b:s6+s3], $0x80, v3, vm0, $0xb8;
	[tilespmem:$0x18100] =	vst v63  }
0xcc: {  	v3 =	vld [tilespmem:$0x90];
	_ =	sdelay $0x4  }
0xcd: {  	v57 =	vshrl.u32 v3, $0x3  }
0xce: {  	v4 =	vmul.u32 $0x30, v57  }
0xcf: {  	v3 =	vand.u32 $0x7, v3  }
0xd0: {  	v3 =	vor.u32 v3, v4  }
0xd1: {  	v4 =	vperm.xlane v3, v0;
	_ =	sdelay $0x1  }
0xd2: {  	v4 =	vadd.s32 v1, v4;
	_ =	sdelay $0x3  }
0xd3: {  	v3 =	vperm.xlane v3, v2  }
0xd4: {  	[tilespmem:s20], [sflag:$0x1] =	stream.indirect_vreg.gather [hbm4b:s2+s3], $0x80, v4, vm0, $0xb8;
	[tilespmem:$0x18100] =	vst v63  }
0xd5: {  	v3 =	vadd.s32 v1, v3  }
0xd6: {  	[tilespmem:s21], [sflag:$0x1] =	stream.indirect_vreg.gather [hbm4b:s5+s3], $0x80, v4, vm0, $0xb8;
	[tilespmem:$0x18100] =	vst v63  }
0xd7: {  	_ = 	snop  }
0xd8: {  	[tilespmem:s22], [sflag:$0x1] =	stream.indirect_vreg.gather [hbm4b:s6+s3], $0x80, v4, vm0, $0xb8;
	[tilespmem:$0x18100] =	vst v63  }
0xd9: {  	_ = 	snop  }
0xda: {  	[tilespmem:s23], [sflag:$0x1] =	stream.indirect_vreg.gather [hbm4b:s2+s3], $0x80, v3, vm0, $0xb8;
	[tilespmem:$0x18100] =	vst v63  }
0xdb: {  	_ = 	snop  }
0xdc: {  	[tilespmem:s24], [sflag:$0x1] =	stream.indirect_vreg.gather [hbm4b:s5+s3], $0x80, v3, vm0, $0xb8;
	[tilespmem:$0x18100] =	vst v63  }
0xdd: {  	_ = 	snop  }
0xde: {  	[tilespmem:s25], [sflag:$0x1] =	stream.indirect_vreg.gather [hbm4b:s6+s3], $0x80, v3, vm0, $0xb8;
	[tilespmem:$0x18100] =	vst v63  }
0xdf: {  	v3 =	vld [tilespmem:$0xA0];
	_ =	sdelay $0x4  }
0xe0: {  	v58 =	vshrl.u32 v3, $0x3  }
0xe1: {  	v4 =	vmul.u32 $0x30, v58  }
0xe2: {  	v3 =	vand.u32 $0x7, v3  }
0xe3: {  	v3 =	vor.u32 v3, v4  }
0xe4: {  	v4 =	vperm.xlane v3, v0;
	_ =	sdelay $0x1  }
0xe5: {  	v4 =	vadd.s32 v1, v4;
	_ =	sdelay $0x3  }
0xe6: {  	v3 =	vperm.xlane v3, v2  }
0xe7: {  	[tilespmem:s26], [sflag:$0x1] =	stream.indirect_vreg.gather [hbm4b:s2+s3], $0x80, v4, vm0, $0xb8;
	[tilespmem:$0x18100] =	vst v63  }
0xe8: {  	v3 =	vadd.s32 v1, v3  }
0xe9: {  	[tilespmem:s28], [sflag:$0x1] =	stream.indirect_vreg.gather [hbm4b:s5+s3], $0x80, v4, vm0, $0xb8;
	[tilespmem:$0x18100] =	vst v63  }
0xea: {  	_ = 	snop  }
0xeb: {  	[tilespmem:s29], [sflag:$0x1] =	stream.indirect_vreg.gather [hbm4b:s6+s3], $0x80, v4, vm0, $0xb8;
	[tilespmem:$0x18100] =	vst v63  }
0xec: {  	_ = 	snop  }
0xed: {  	[tilespmem:s30], [sflag:$0x1] =	stream.indirect_vreg.gather [hbm4b:s2+s3], $0x80, v3, vm0, $0xb8;
	[tilespmem:$0x18100] =	vst v63  }
0xee: {  	_ = 	snop  }
0xef: {  	[tilespmem:s31], [sflag:$0x1] =	stream.indirect_vreg.gather [hbm4b:s5+s3], $0x80, v3, vm0, $0xb8;
	[tilespmem:$0x18100] =	vst v63  }
0xf0: {  	_ = 	snop  }
0xf1: {  	[tilespmem:s1], [sflag:$0x1] =	stream.indirect_vreg.gather [hbm4b:s6+s3], $0x80, v3, vm0, $0xb8;
	[tilespmem:$0x18100] =	vst v63  }
0xf2: {  	v3 =	vld [tilespmem:$0xB0];
	_ =	sdelay $0x4  }
0xf3: {  	v59 =	vshrl.u32 v3, $0x3  }
0xf4: {  	v4 =	vmul.u32 $0x30, v59  }
0xf5: {  	v3 =	vand.u32 $0x7, v3  }
0xf6: {  	v3 =	vor.u32 v3, v4  }
0xf7: {  	v4 =	vperm.xlane v3, v0;
	_ =	sdelay $0x1  }
0xf8: {  	v4 =	vadd.s32 v1, v4;
	_ =	sdelay $0x3  }
0xf9: {  	s7 =	simm.s32 $0x9100;
	v3 =	vperm.xlane v3, v2  }
0xfa: {  	[tilespmem:s7], [sflag:$0x1] =	stream.indirect_vreg.gather [hbm4b:s2+s3], $0x80, v4, vm0, $0xb8;
	[tilespmem:$0x18100] =	vst v63  }
0xfb: {  	s14 =	simm.s32 $0x9900;
	v3 =	vadd.s32 v1, v3  }
0xfc: {  	[tilespmem:s14], [sflag:$0x1] =	stream.indirect_vreg.gather [hbm4b:s5+s3], $0x80, v4, vm0, $0xb8;
	[tilespmem:$0x18100] =	vst v63  }
0xfd: {  	_ = 	snop  }
0xfe: {  	[tilespmem:s9], [sflag:$0x1] =	stream.indirect_vreg.gather [hbm4b:s6+s3], $0x80, v4, vm0, $0xb8;
	[tilespmem:$0x18100] =	vst v63  }
0xff: {  	_ = 	snop  }
0x100: {  	[tilespmem:s4], [sflag:$0x1] =	stream.indirect_vreg.gather [hbm4b:s2+s3], $0x80, v3, vm0, $0xb8;
	[tilespmem:$0x18100] =	vst v63  }
0x101: {  	_ = 	snop  }
0x102: {  	[tilespmem:s10], [sflag:$0x1] =	stream.indirect_vreg.gather [hbm4b:s5+s3], $0x80, v3, vm0, $0xb8;
	[tilespmem:$0x18100] =	vst v63  }
0x103: {  	s1 =	simm.s32 $0x2  }
0x104: {  	[tilespmem:s11], [sflag:$0x1] =	stream.indirect_vreg.gather [hbm4b:s6+s3], $0x80, v3, vm0, $0xb8;
	[tilespmem:$0x18100] =	vst v63  }
0x105: {  	_ =	swait.ge [sflag:s1], $0xC000  }
0x106: {  	[sflag:s1] =	ssyncset.done $0x0  }
0x107: {  	s4 =	simm.s32 $0x4;
	s7 =	rddreg [dreg:$0x4];
	[sflag:s1] =	ssyncadd.s32 $0xFFFF4000  }
0x108: {  	[hbm4b:s7+s3] =	stream.linear.scatter [tilespmem:s12], [sflag:$0x4], $0xC000, $0x38;
	[tilespmem:$0x18100] =	vst v63  }
0x109: {  	_ =	swait.ge [sflag:s4], $0xC000  }
0x10a: {  	[sflag:s4] =	ssyncset.done $0x0  }
0x10b: {  	[sflag:s4] =	ssyncadd.s32 $0xFFFF4000  }
0x10c: {  	v3 =	vld [tilespmem:$0xC0];
	_ =	sdelay $0x4  }
0x10d: {  	v60 =	vshrl.u32 v3, $0x3  }
0x10e: {  	v4 =	vmul.u32 $0x30, v60  }
0x10f: {  	v3 =	vand.u32 $0x7, v3  }
0x110: {  	v3 =	vor.u32 v3, v4  }
0x111: {  	v4 =	vperm.xlane v3, v0;
	_ =	sdelay $0x1  }
0x112: {  	v4 =	vadd.s32 v1, v4;
	_ =	sdelay $0x3  }
0x113: {  	v3 =	vperm.xlane v3, v2  }
0x114: {  	[tilespmem:s12], [sflag:$0x2] =	stream.indirect_vreg.gather [hbm4b:s2+s3], $0x80, v4, vm0, $0xb8;
	[tilespmem:$0x18100] =	vst v63  }
0x115: {  	s14 =	simm.s32 $0xC900;
	v3 =	vadd.s32 v1, v3  }
0x116: {  	[tilespmem:s14], [sflag:$0x2] =	stream.indirect_vreg.gather [hbm4b:s5+s3], $0x80, v4, vm0, $0xb8;
	[tilespmem:$0x18100] =	vst v63  }
0x117: {  	s14 =	simm.s32 $0xD100  }
0x118: {  	[tilespmem:s14], [sflag:$0x2] =	stream.indirect_vreg.gather [hbm4b:s6+s3], $0x80, v4, vm0, $0xb8;
	[tilespmem:$0x18100] =	vst v63  }
0x119: {  	s14 =	simm.s32 $0xD900  }
0x11a: {  	[tilespmem:s14], [sflag:$0x2] =	stream.indirect_vreg.gather [hbm4b:s2+s3], $0x80, v3, vm0, $0xb8;
	[tilespmem:$0x18100] =	vst v63  }
0x11b: {  	s14 =	simm.s32 $0xE100  }
0x11c: {  	[tilespmem:s14], [sflag:$0x2] =	stream.indirect_vreg.gather [hbm4b:s5+s3], $0x80, v3, vm0, $0xb8;
	[tilespmem:$0x18100] =	vst v63  }
0x11d: {  	s14 =	simm.s32 $0xE900  }
0x11e: {  	[tilespmem:s14], [sflag:$0x2] =	stream.indirect_vreg.gather [hbm4b:s6+s3], $0x80, v3, vm0, $0xb8;
	[tilespmem:$0x18100] =	vst v63  }
0x11f: {  	v3 =	vld [tilespmem:$0xD0];
	_ =	sdelay $0x4  }
0x120: {  	v61 =	vshrl.u32 v3, $0x3  }
0x121: {  	v4 =	vmul.u32 $0x30, v61  }
0x122: {  	v3 =	vand.u32 $0x7, v3  }
0x123: {  	v3 =	vor.u32 v3, v4  }
0x124: {  	v4 =	vperm.xlane v3, v0;
	_ =	sdelay $0x1  }
0x125: {  	v4 =	vadd.s32 v1, v4;
	_ =	sdelay $0x3  }
0x126: {  	s14 =	simm.s32 $0xF100;
	v3 =	vperm.xlane v3, v2  }
0x127: {  	[tilespmem:s14], [sflag:$0x2] =	stream.indirect_vreg.gather [hbm4b:s2+s3], $0x80, v4, vm0, $0xb8;
	[tilespmem:$0x18100] =	vst v63  }
0x128: {  	v3 =	vadd.s32 v1, v3;
	s14 =	simm.s32 $0xF900  }
0x129: {  	[tilespmem:s14], [sflag:$0x2] =	stream.indirect_vreg.gather [hbm4b:s5+s3], $0x80, v4, vm0, $0xb8;
	[tilespmem:$0x18100] =	vst v63  }
0x12a: {  	s14 =	simm.s32 $0x10100  }
0x12b: {  	[tilespmem:s14], [sflag:$0x2] =	stream.indirect_vreg.gather [hbm4b:s6+s3], $0x80, v4, vm0, $0xb8;
	[tilespmem:$0x18100] =	vst v63  }
0x12c: {  	s14 =	simm.s32 $0x10900  }
0x12d: {  	[tilespmem:s14], [sflag:$0x2] =	stream.indirect_vreg.gather [hbm4b:s2+s3], $0x80, v3, vm0, $0xb8;
	[tilespmem:$0x18100] =	vst v63  }
0x12e: {  	s14 =	simm.s32 $0x11100  }
0x12f: {  	[tilespmem:s14], [sflag:$0x2] =	stream.indirect_vreg.gather [hbm4b:s5+s3], $0x80, v3, vm0, $0xb8;
	[tilespmem:$0x18100] =	vst v63  }
0x130: {  	s14 =	simm.s32 $0x11900  }
0x131: {  	[tilespmem:s14], [sflag:$0x2] =	stream.indirect_vreg.gather [hbm4b:s6+s3], $0x80, v3, vm0, $0xb8;
	[tilespmem:$0x18100] =	vst v63  }
0x132: {  	v3 =	vld [tilespmem:$0xE0];
	_ =	sdelay $0x4  }
0x133: {  	v62 =	vshrl.u32 v3, $0x3  }
0x134: {  	v4 =	vmul.u32 $0x30, v62  }
0x135: {  	v3 =	vand.u32 $0x7, v3  }
0x136: {  	v3 =	vor.u32 v3, v4  }
0x137: {  	v4 =	vperm.xlane v3, v0;
	_ =	sdelay $0x1  }
0x138: {  	v4 =	vadd.s32 v1, v4;
	_ =	sdelay $0x3  }
0x139: {  	s14 =	simm.s32 $0x12100;
	v3 =	vperm.xlane v3, v2  }
0x13a: {  	[tilespmem:s14], [sflag:$0x2] =	stream.indirect_vreg.gather [hbm4b:s2+s3], $0x80, v4, vm0, $0xb8;
	[tilespmem:$0x18100] =	vst v63  }
0x13b: {  	v3 =	vadd.s32 v1, v3;
	s14 =	simm.s32 $0x12900  }
0x13c: {  	[tilespmem:s14], [sflag:$0x2] =	stream.indirect_vreg.gather [hbm4b:s5+s3], $0x80, v4, vm0, $0xb8;
	[tilespmem:$0x18100] =	vst v63  }
0x13d: {  	s14 =	simm.s32 $0x13100  }
0x13e: {  	[tilespmem:s14], [sflag:$0x2] =	stream.indirect_vreg.gather [hbm4b:s6+s3], $0x80, v4, vm0, $0xb8;
	[tilespmem:$0x18100] =	vst v63  }
0x13f: {  	s14 =	simm.s32 $0x13900  }
0x140: {  	[tilespmem:s14], [sflag:$0x2] =	stream.indirect_vreg.gather [hbm4b:s2+s3], $0x80, v3, vm0, $0xb8;
	[tilespmem:$0x18100] =	vst v63  }
0x141: {  	s14 =	simm.s32 $0x14100  }
0x142: {  	[tilespmem:s14], [sflag:$0x2] =	stream.indirect_vreg.gather [hbm4b:s5+s3], $0x80, v3, vm0, $0xb8;
	[tilespmem:$0x18100] =	vst v63  }
0x143: {  	s14 =	simm.s32 $0x14900  }
0x144: {  	[tilespmem:s14], [sflag:$0x2] =	stream.indirect_vreg.gather [hbm4b:s6+s3], $0x80, v3, vm0, $0xb8;
	[tilespmem:$0x18100] =	vst v63  }
0x145: {  	v3 =	vld [tilespmem:$0xF0];
	_ =	sdelay $0x4  }
0x146: {  	v63 =	vshrl.u32 v3, $0x3  }
0x147: {  	v4 =	vmul.u32 $0x30, v63  }
0x148: {  	v3 =	vand.u32 $0x7, v3  }
0x149: {  	v3 =	vor.u32 v3, v4  }
0x14a: {  	v4 =	vperm.xlane v3, v0;
	_ =	sdelay $0x1  }
0x14b: {  	v4 =	vadd.s32 v1, v4;
	_ =	sdelay $0x3  }
0x14c: {  	s14 =	simm.s32 $0x15100;
	v3 =	vperm.xlane v3, v2  }
0x14d: {  	[tilespmem:s14], [sflag:$0x2] =	stream.indirect_vreg.gather [hbm4b:s2+s3], $0x80, v4, vm0, $0xb8;
	[tilespmem:$0x18100] =	vst v63  }
0x14e: {  	v3 =	vadd.s32 v1, v3;
	s14 =	simm.s32 $0x15900  }
0x14f: {  	[tilespmem:s14], [sflag:$0x2] =	stream.indirect_vreg.gather [hbm4b:s5+s3], $0x80, v4, vm0, $0xb8;
	[tilespmem:$0x18100] =	vst v63  }
0x150: {  	s14 =	simm.s32 $0x16100  }
0x151: {  	[tilespmem:s14], [sflag:$0x2] =	stream.indirect_vreg.gather [hbm4b:s6+s3], $0x80, v4, vm0, $0xb8;
	[tilespmem:$0x18100] =	vst v63  }
0x152: {  	s14 =	simm.s32 $0x16900  }
0x153: {  	[tilespmem:s14], [sflag:$0x2] =	stream.indirect_vreg.gather [hbm4b:s2+s3], $0x80, v3, vm0, $0xb8;
	[tilespmem:$0x18100] =	vst v63  }
0x154: {  	s14 =	simm.s32 $0x17100  }
0x155: {  	[tilespmem:s14], [sflag:$0x2] =	stream.indirect_vreg.gather [hbm4b:s5+s3], $0x80, v3, vm0, $0xb8;
	[tilespmem:$0x18100] =	vst v63  }
0x156: {  	s14 =	simm.s32 $0x17900  }
0x157: {  	[tilespmem:s14], [sflag:$0x2] =	stream.indirect_vreg.gather [hbm4b:s6+s3], $0x80, v3, vm0, $0xb8;
	[tilespmem:$0x18100] =	vst v63  }
0x158: {  	_ =	swait.ge [sflag:s13], $0xC000  }
0x159: {  	[sflag:s13] =	ssyncset.done $0x0  }
0x15a: {  	s7 =	simm.s32 $0x100;
	s14 =	rddreg [dreg:$0x5];
	[sflag:s13] =	ssyncadd.s32 $0xFFFF4000  }
0x15b: {  	[hbm4b:s14+s3] =	stream.linear.scatter [tilespmem:s7], [sflag:$0x3], $0xC000, $0x38;
	[tilespmem:$0x18100] =	vst v63  }
0x15c: {  	_ =	swait.ge [sflag:s1], $0xC000  }
0x15d: {  	[sflag:s1] =	ssyncset.done $0x0  }
0x15e: {  	s7 =	rddreg [dreg:$0x6];
	[sflag:s1] =	ssyncadd.s32 $0xFFFF4000  }
0x15f: {  	[hbm4b:s7+s3] =	stream.linear.scatter [tilespmem:s12], [sflag:$0x4], $0xC000, $0x38;
	[tilespmem:$0x18100] =	vst v63  }
0x160: {  	p0 =	sne.s32 s8, $0x1;
	_ =	swait.ge [sflag:s0], $0xC000  }
.Ltmp0:
0x161: {  	[sflag:s0] =	ssyncset.done $0x0;
	(pc) =	sbr.rel @p0 .LBB2_1-.Ltmp0, $4  }
0x162: {  	[sflag:s0] =	ssyncadd.s32 $0xFFFF4000  }
0x163: {  	_ =	swait.ge [sflag:s4], $0xC000  }
0x164: {  	[sflag:s4] =	ssyncset.done $0x0  }
0x165: {  	s8 =	sadd.s32 $0xFFFFFFFF, s8;
	[sflag:s4] =	ssyncadd.s32 $0xFFFF4000  }
0x166: {  	_ =	sfence.sel $0x180000  }
0x167: {  	[bflag:$0x0] =	sbarrier.arrive $0xFFFF  }
0x168: {  	_ =	strace $0x90000050  }
0x169: {  	s0 =	stileid.u32;
	[bflag:$0x2] =	sbarrier.arrive $0xFFFF  }
0x16a: {  	p0 =	sne.s32 s0, $0x0;
	s0 =	rddreg [dreg:$0x2]  }
0x16b: {  	s0 =	sadd.s32 @!p0 $0x100000, s0  }
0x16c: {  	[sflag:s0] =	ssyncadd.tile.s32 @!p0 $0x1;
	_ =	shalt  }
.Lfunc_end2:
_tile_overlayer_lowered:
.L_overlay_start_2:
0x16d: {  	(tag) =	ssettag $0x2  }
0x16e: {  	s0 =	rddreg [dreg:$0x0];
	s2 =	stileid.u32  }
0x16f: {  	s1 =	rddreg [dreg:$0x1];
	p0 =	sne.s32 s2, $0x0  }
0x170: {  	s3 =	rddreg [dreg:$0x2];
	[bflag:$0x3] =	sbarrier.arrive $0xFFFF;
	s2 =	simm.s32 @!p0 $0x1C05  }
0x171: {  	[timem:s3], [sflag:s2] =	dma.local @!p0 [hbm:s0], s1  }
0x172: {  	s0 =	simm.s32 @!p0 $0x5  }
0x173: {  	_ =	swait.ge @!p0 [sflag:s0], s1  }
0x174: {  	s1 =	ssub.s32 @!p0 $0x0, s1;
	[sflag:s0] =	ssyncset.done @!p0 $0x0  }
0x175: {  	[sflag:s0] =	ssyncadd.s32 @!p0 s1  }
0x176: {  	[bflag:$0x3] =	sbarrier.arrive $0xFFFF  }
0x177: {  	_ =	shalt  }

// kernel: kernel.14.cloned.1.call-start
scs
__scs_entry_jumppad:
0x0: {  	(pc) =	sbr.rel $0x88, $3  }
0x1: {  	(tag) =	ssettag $0x0;
	lr =	simm.s32 $0x1  }
0x2: {  	[smem:$0x3F97] =	sst lr;
	_ =	strace $0xD0000000  }
0x3: {  	_ = 	snop  }
0x4: {  	_ = 	snop  }
0x5: {  	_ = 	snop  }
0x6: {  	_ = 	snop  }
0x7: {  	_ = 	snop  }
__scs_overlays_trampoline_lowered:
0x8: {  	[smem:$0x3FA6] =	sst s0  }
0x9: {  	[smem:$0x3FA7] =	sst s1  }
0xa: {  	[smem:$0x3FA8] =	sst s2  }
0xb: {  	[smem:$0x3FA9] =	sst s3  }
0xc: {  	[smem:$0x3FAA] =	sst s4  }
0xd: {  	[smem:$0x3FAB] =	sst s5  }
0xe: {  	[smem:$0x3FAC] =	sst s6  }
0xf: {  	[smem:$0x3FAD] =	sst s7  }
0x10: {  	[smem:$0x3FAE] =	sst s8  }
0x11: {  	[smem:$0x3FAF] =	sst s9;
	s0 =	simm.s32 @!p0 $0x0  }
0x12: {  	s1 =	sld [smem:$0x3F95];
	s0 =	simm.s32 @p0 $0x1  }
0x13: {  	[smem:$0x3FB0] =	sst s0;
	s0 =	simm.s32 @!p1 $0x0  }
0x14: {  	s2 =	sld [smem:$0x3F94];
	s0 =	simm.s32 @p1 $0x1  }
0x15: {  	[smem:$0x3FB1] =	sst s0;
	s0 =	simm.s32 @!p2 $0x0  }
0x16: {  	s3 =	sld [smem:$0x3FDB];
	s0 =	simm.s32 @p2 $0x1  }
0x17: {  	s4 =	simm.s32 $0x1BF5;
	[smem:$0x3FB3] =	sst s0  }
0x18: {  	s0 =	sld [smem:$0x3F96];
	_ =	swait.ge [sflag:s4], $0x0  }
0x19: {  	s7 =	sld [smem:$0x3F97]  }
0x1a: {  	s8 =	sadd.s32 $0xFFFFE003, lr  }
0x1b: {  	s9 =	sadd.s32 $0xFFFFFEF7, lr;
	s5 =	simm.s32 $0xFFFFFFFF;
	p2 =	slt.u32 s8, $0xFFFFF086  }
0x1c: {  	p1 =	slt.u32 s9, $0xF7A;
	s5 =	simm.s32 @!p2 $0x0  }
0x1d: {  	s5 =	simm.s32 @p1 $0x1;
	p0 =	seq.s32 s7, s2  }
0x1e: {  	s7 =	smul.u32 @!p0 $0xF7A, s2;
	p2 =	seq.s32 @!p0 s5, $0x0  }
0x1f: {  	s9 =	smul.u32 $0xF7A, s1;
	s8 =	simm.s32 @!p0 $0x1BF5;
	p2 =	por !p2, p0  }
0x20: {  	[sflag:s8] =	ssyncset.s32 @!p0 $0xFFFFF086;
	s6 =	sadd.s32 @!p0 s3, s7;
	s7 =	simm.s32 @!p0 $0x108  }
0x21: {  	s3 =	sadd.s32 s3, s9;
	s6 =	sadd.s32 @!p0 $0x88, s6;
	s7 =	simm.s32 @p2 $0x1082  }
0x22: {  	[simem:s7], [sflag:s8] =	dma.local @!p0 [hbm:s6], $0xF7A  }
0x23: {  	s9 =	sor.u32 $0xD0000000, s2;
	s6 =	simm.s32 $0x108;
	_ =	swait.ge @!p0 [sflag:s8], $0x0  }
0x24: {  	s3 =	sadd.s32 $0x88, s3;
	s6 =	simm.s32 @!p1 $0x1082;
	[sflag:s4] =	ssyncset.s32 $0xFFFFF086  }
0x25: {  	[simem:s6], [sflag:s4] =	dma.local [hbm:s3], $0xF7A  }
0x26: {  	[smem:$0x3F97] =	sst s1;
	(tag) =	ssettag s2;
	_ =	strace s9  }
0x27: {  	s1 =	sld [smem:$0x3FA7]  }
0x28: {  	s2 =	sld [smem:$0x3FA8]  }
0x29: {  	s4 =	sld [smem:$0x3FAA]  }
0x2a: {  	p0 =	seq.s32 s5, $0x0;
	s5 =	sld [smem:$0x3FAB]  }
0x2b: {  	s6 =	sld [smem:$0x3FAC]  }
0x2c: {  	s7 =	sld [smem:$0x3FAD]  }
0x2d: {  	s3 =	simm.s32 $0x108;
	s8 =	sld [smem:$0x3FAE]  }
0x2e: {  	s3 =	simm.s32 @!p0 $0x1082;
	s9 =	sld [smem:$0x3FAF]  }
0x2f: {  	lr =	sadd.s32 s0, s3;
	s0 =	sld [smem:$0x3FA6]  }
0x30: {  	s3 =	sld [smem:$0x3FA9]  }
0x31: {  	[smem:$0x3FB2] =	sst s10  }
0x32: {  	s10 =	sld [smem:$0x3FB0];
	_ =	sdelay $0x3  }
0x33: {  	p0 =	seq.s32 s10, $0x1;
	s10 =	sld [smem:$0x3FB2];
	_ =	sdelay $0x3  }
0x34: {  	[smem:$0x3FB2] =	sst s10  }
0x35: {  	s10 =	sld [smem:$0x3FB1];
	_ =	sdelay $0x3  }
0x36: {  	p1 =	seq.s32 s10, $0x1;
	s10 =	sld [smem:$0x3FB2];
	_ =	sdelay $0x3  }
0x37: {  	[smem:$0x3FB2] =	sst s10  }
0x38: {  	s10 =	sld [smem:$0x3FB3]  }
0x39: {  	_ = 	snop;
	(pc) =	sbr.ind lr, $3  }
0x3a: {  	_ = 	snop  }
0x3b: {  	_ = 	snop  }
0x3c: {  	p2 =	seq.s32 s10, $0x1;
	s10 =	sld [smem:$0x3FB2]  }
0x3d: {  	_ =	shalt  }
0x3e: {  	_ =	shalt  }
0x3f: {  	_ =	shalt  }
0x40: {  	_ =	shalt  }
0x41: {  	_ =	shalt  }
0x42: {  	_ =	shalt  }
0x43: {  	_ =	shalt  }
0x44: {  	_ =	shalt  }
0x45: {  	_ =	shalt  }
0x46: {  	_ =	shalt  }
0x47: {  	_ =	shalt  }
0x48: {  	_ =	shalt  }
0x49: {  	_ =	shalt  }
0x4a: {  	_ =	shalt  }
0x4b: {  	_ =	shalt  }
0x4c: {  	_ =	shalt  }
0x4d: {  	_ =	shalt  }
0x4e: {  	_ =	shalt  }
0x4f: {  	_ =	shalt  }
0x50: {  	_ =	shalt  }
0x51: {  	_ =	shalt  }
0x52: {  	_ =	shalt  }
0x53: {  	_ =	shalt  }
0x54: {  	_ =	shalt  }
0x55: {  	_ =	shalt  }
0x56: {  	_ =	shalt  }
0x57: {  	_ =	shalt  }
0x58: {  	_ =	shalt  }
0x59: {  	_ =	shalt  }
0x5a: {  	_ =	shalt  }
0x5b: {  	_ =	shalt  }
0x5c: {  	_ =	shalt  }
0x5d: {  	_ =	shalt  }
0x5e: {  	_ =	shalt  }
0x5f: {  	_ =	shalt  }
0x60: {  	_ =	shalt  }
0x61: {  	_ =	shalt  }
0x62: {  	_ =	shalt  }
0x63: {  	_ =	shalt  }
0x64: {  	_ =	shalt  }
0x65: {  	_ =	shalt  }
0x66: {  	_ =	shalt  }
0x67: {  	_ =	shalt  }
0x68: {  	_ =	shalt  }
0x69: {  	_ =	shalt  }
0x6a: {  	_ =	shalt  }
0x6b: {  	_ =	shalt  }
0x6c: {  	_ =	shalt  }
0x6d: {  	_ =	shalt  }
0x6e: {  	_ =	shalt  }
0x6f: {  	_ =	shalt  }
0x70: {  	_ =	shalt  }
0x71: {  	_ =	shalt  }
0x72: {  	_ =	shalt  }
0x73: {  	_ =	shalt  }
0x74: {  	_ =	shalt  }
0x75: {  	_ =	shalt  }
0x76: {  	_ =	shalt  }
0x77: {  	_ =	shalt  }
0x78: {  	_ =	shalt  }
0x79: {  	_ =	shalt  }
0x7a: {  	_ =	shalt  }
0x7b: {  	_ =	shalt  }
0x7c: {  	_ =	shalt  }
0x7d: {  	_ =	shalt  }
0x7e: {  	_ =	shalt  }
0x7f: {  	_ =	shalt  }
0x80: {  	_ =	shalt  }
0x81: {  	_ =	shalt  }
0x82: {  	_ =	shalt  }
0x83: {  	_ =	shalt  }
0x84: {  	_ =	shalt  }
0x85: {  	_ =	shalt  }
0x86: {  	_ =	shalt  }
0x87: {  	_ =	shalt  }
.Lfunc_end0:
.L_simem_size_0:
called_computation.1_lowered:
.L_overlay_start_0:
0x88: {  	s2 =	sld [smem:$0x3FD9]  }
0x89: {  	s3 =	sld [smem:$0x3FFE];
	_ =	sdelay $0x1  }
0x8a: {  	s1 =	srdreg.scid  }
0x8b: {  	s0 =	sand.u32 $0x1, s1  }
0x8c: {  	s17 =	sshll.u32 s0, $0xA;
	s2 =	sadd.s32 s3, s2  }
0x8d: {  	s2 =	sadd.s32 s2, s17  }
0x8e: {  	[smem:$0x3FBE] =	sst s2  }
0x8f: {  	_ = 	snop  }
0x90: {  	s18 =	sld [smem:$0x3FD0];
	(tm) =	ssettm $0x1  }
0x91: {  	s19 =	sld [smem:$0x3FFB];
	_ =	sdelay $0x3  }
0x92: {  	_ =	strace s19  }
0x93: {  	s2 =	sld [smem:$0x3FFC];
	_ =	sdelay $0x3  }
0x94: {  	_ =	strace s2  }
0x95: {  	s2 =	sld [smem:$0x3FFD];
	_ =	sdelay $0x3  }
0x96: {  	_ =	strace s2  }
0x97: {  	_ =	strace $0x8FFFFFFF  }
0x98: {  	s20 =	sld [smem:$0x3FDB];
	_ =	sdelay $0x1  }
0x99: {  	s4 =	simm.s32 $_scs_section_size  }
0x9a: {  	s5 =	simm.s32 $_size__tile_overlayer_lowered;
	s6 =	simm.s32 $_tile_overlayer_lowered  }
0x9b: {  	s7 =	simm.s32 $0x1BFF;
	s21 =	sshll.u32 s6, $0x1;
	s4 =	sadd.s32 s4, s20  }
0x9c: {  	s22 =	simm.s32 $0x0;
	s5 =	sshll.u32 s5, $0x1;
	s6 =	sadd.s32 s21, s4  }
0x9d: {  	[timem:s22], [sflag:s7] =	dma.local [hbm:s6], s5  }
0x9e: {  	_ =	swait.ge [sflag:s7], s5  }
0x9f: {  	s5 =	ssub.s32 $0x0, s5;
	[sflag:s7] =	ssyncset.done $0x0  }
0xa0: {  	[sflag:s7] =	ssyncadd.s32 s5;
	_ =	sdelay $0x1  }
0xa1: {  	s23 =	simm.s32 $0x1B8B  }
0xa2: {  	_ =	swait.ge [sflag:s23], $0x1  }
0xa3: {  	[sflag:s23] =	ssyncset.done $0x0  }
0xa4: {  	[sflag:s23] =	ssyncadd.s32 $0xFFFFFFFF  }
0xa5: {  	s5 =	sld [smem:$0x0]  }
0xa6: {  	s6 =	sand.u32 $0xFFFFFFFE, s1  }
0xa7: {  	p0 =	sne.s32 s1, s6  }
0xa8: {  	s6 =	sshll.u32 @p0 s6, $0xE  }
0xa9: {  	s6 =	sadd.s32 @p0 $0x11B8D, s6;
	s7 =	sshll.u32 @p0 s5, $0x11  }
0xaa: {  	s6 =	sor.u32 @p0 s7, s6  }
0xab: {  	[sflag:s6] =	ssyncadd.remote.s32 @p0 $0x1;
	_ =	sdelay $0x1  }
0xac: {  	s6 =	simm.s32 @p0 $0x1B8D  }
0xad: {  	_ =	swait.eq @p0 [sflag:s6], $0x1  }
0xae: {  	[sflag:s6] =	ssyncadd.s32 @p0 $0xFFFFFFFF  }
0xaf: {  	s7 =	sshll.u32 @!p0 s1, $0xE  }
0xb0: {  	s7 =	sor.u32 @!p0 $0x4000, s7;
	s6 =	simm.s32 @!p0 $0x1B8D  }
0xb1: {  	s5 =	sshll.u32 @!p0 s5, $0x11;
	s7 =	sadd.s32 @!p0 $0x11B8D, s7;
	_ =	swait.eq @!p0 [sflag:s6], $0x1  }
0xb2: {  	s5 =	sor.u32 @!p0 s5, s7;
	[sflag:s6] =	ssyncadd.s32 @!p0 $0xFFFFFFFF  }
0xb3: {  	s25 =	simm.s32 $0x1B8E;
	s24 =	sld [smem:$0x3FFE];
	[sflag:s5] =	ssyncadd.remote.s32 @!p0 $0x1  }
0xb4: {  	s26 =	simm.s32 $execute0_lowered;
	[smem:$0x3FD2] =	sst s25  }
0xb5: {  	s6 =	sshll.u32 s26, $0x1;
	_ =	strace $0x8000004C;
	[dreg:$0x1] =	wrdreg $0xFFFFFFFF  }
0xb6: {  	s28 =	simm.s32 $_size_execute0_lowered;
	s4 =	sadd.s32 s4, s6;
	[dreg:$0x0] =	wrdreg $0x0  }
0xb7: {  	s6 =	sshll.u32 s28, $0x1;
	[dreg:$0x2] =	wrdreg s4  }
0xb8: {  	[dreg:$0x3] =	wrdreg s6  }
0xb9: {  	[dreg:$0x4] =	wrdreg $0xC0  }
0xba: {  	_ =	task [dreg:s22], $0x5FFFF  }
0xbb: {  	[dreg:$0x1] =	wrdreg $0xFFFFFFFF  }
0xbc: {  	[dreg:$0x0] =	wrdreg $0x60  }
0xbd: {  	[dreg:$0x2] =	wrdreg s18  }
0xbe: {  	[dreg:$0x3] =	wrdreg s24  }
0xbf: {  	[dreg:$0x4] =	wrdreg $0xA  }
0xc0: {  	_ =	task.clear_ibuf [dreg:s22], $0x5FFFF;
	_ =	strace $0x9000004C  }
0xc1: {  	s29 =	simm.s32 $0xA;
	_ =	strace $0x8000004E  }
0xc2: {  	_ =	swait.ge [sflag:s29], $0x1  }
0xc3: {  	[sflag:s29] =	ssyncadd.s32 $0xFFFFFFFF  }
0xc4: {  	_ =	strace $0x9000004E  }
0xc5: {  	_ =	sfence  }
0xc6: {  	s30 =	sld [smem:$0x0];
	_ =	sdelay $0x2  }
0xc7: {  	s31 =	sshll.u32 s1, $0xD;
	s1 =	sshrl.u32 s1, $0x2  }
0xc8: {  	s4 =	sand.u32 $0x4000, s31;
	s1 =	sadd.s32 s1, s30  }
0xc9: {  	s0 =	sor.u32 s4, s0;
	s1 =	sshll.u32 s1, $0x11  }
0xca: {  	s0 =	sor.u32 s1, s0  }
0xcb: {  	s0 =	sadd.s32 $0x8F2B, s0  }
0xcc: {  	[sflag:s0] =	ssyncadd.remote.s32 $0x1  }
0xcd: {  	_ =	sfence.sel $0xFFFF  }
0xce: {  	[dreg:$0x0] =	wrdreg $0xFFFFFFFF;
	(pc) =	sbr.abs _section_cstart, $3  }
0xcf: {  	[dreg:$0x1] =	wrdreg $0xFFFFFFFF  }
0xd0: {  	_ =	task.clear_ibuf [dreg:s22], $0x2FFFF;
	_ =	strace $0x9FFFFFFF  }
0xd1: {  	(tm) =	ssettm $0x7FFFFFFF  }
tec
execute0_lowered:
.L_overlay_start_1:
0x0: {  	(tag) =	ssettag $0x1  }
0x1: {  	s0 =	srdreg.scid  }
0x2: {  	s2 =	rddreg [dreg:$0x0];
	s3 =	stileid.u32  }
0x3: {  	s1 =	rddreg [dreg:$0x1];
	s15 =	simm.s32 $0x900;
	s16 =	simm.s32 $0x1100  }
0x4: {  	s17 =	simm.s32 $0x1900;
	s18 =	simm.s32 $0x2100;
	s19 =	simm.s32 $0x2900  }
0x5: {  	s20 =	simm.s32 $0x3100;
	s21 =	simm.s32 $0x3900;
	s22 =	simm.s32 $0x4100  }
0x6: {  	s28 =	simm.s32 $0x6900;
	s29 =	simm.s32 $0x7100;
	s30 =	simm.s32 $0x7900  }
0x7: {  	s31 =	simm.s32 $0x8100;
	s9 =	simm.s32 $0xA100;
	s10 =	simm.s32 $0xB100  }
0x8: {  	s11 =	simm.s32 $0xB900;
	s12 =	simm.s32 $0xC100;
	s0 =	sand.u32 $0x1, s0  }
0x9: {  	s4 =	sshll.u32 s3, $0x6;
	s3 =	simm.s32 $0x0;
	s5 =	sshll.u32 s0, $0x5  }
0xa: {  	s13 =	simm.s32 $0x1;
	[smem:$0x7FF] =	sst s3;
	s4 =	sor.u32 s5, s4  }
0xb: {  	s0 =	ssub.s32 $0x2, s0;
	_ =	strace $0x8000004D;
	s5 =	smul.u32 $0x300, s4  }
0xc: {  	s25 =	sshrl.u32 s0, $0x1;
	s6 =	smul.u32 $0x1800, s4;
	s4 =	sadd.s32 s4, s1  }
0xd: {  	s1 =	sadd.s32 $0x184200, s1;
	s0 =	ssub.s32 s0, s25;
	s25 =	simm.s32 $0x5900  }
0xe: {  	s4 =	sadd.s32 $0x3600, s4;
	s8 =	smax.u32 s0, $0x1;
	s7 =	sadd.s32 s1, s5  }
0xf: {  	s23 =	sshrl.u32 s6, $0x3;
	[dreg:$0x3] =	wrdreg s4;
	s5 =	sadd.s32 $0x100, s2  }
0x10: {  	[dreg:$0x7] =	wrdreg s7;
	s24 =	sadd.s32 $0x1800, s7;
	s1 =	sadd.s32 s1, s23  }
0x11: {  	v2 =	vlaneseq.u32;
	s6 =	sadd.s32 $0x200, s2;
	[dreg:$0x4] =	wrdreg s24;
	s26 =	sadd.s32 $0x3000, s1  }
0x12: {  	vm0 =	vmmov $0xffff;
	v1 =	vshrl.u32 v2, $0x3;
	s23 =	simm.s32 $0x4900;
	s1 =	sadd.s32 $0x4800, s1;
	[dreg:$0x5] =	wrdreg s26  }
0x13: {  	v0 =	vand.u32 $0x7, v2;
	v2 =	vor.u32 $0x8, v2;
	v1 =	vmul.u32 $0x8, v1;
	s24 =	simm.s32 $0x5100;
	[dreg:$0x6] =	wrdreg s1;
	s26 =	simm.s32 $0x6100  }
.LBB2_1:
0x14: {  	s14 =	rddreg [dreg:$0x3];
	s0 =	simm.s32 $0x5  }
0x15: {  	[tilespmem:s3], [sflag:$0x5] =	stream.linear.gather [hbm4b:s14+s3], $0x100, $0x38;
	[tilespmem:$0x18100] =	vst v63  }
0x16: {  	_ =	swait.ge [sflag:s0], $0x100  }
0x17: {  	[sflag:s0] =	ssyncset.done $0x0  }
0x18: {  	[sflag:s0] =	ssyncadd.s32 $0xFFFFFF00  }
0x19: {  	v3 =	vld [tilespmem:$0x0];
	_ =	sdelay $0x4  }
0x1a: {  	v4 =	vshrl.u32 v3, $0x3  }
0x1b: {  	v4 =	vmul.u32 $0x30, v4  }
0x1c: {  	v3 =	vand.u32 $0x7, v3  }
0x1d: {  	v3 =	vor.u32 v3, v4  }
0x1e: {  	v4 =	vperm.xlane v3, v0;
	_ =	sdelay $0x1  }
0x1f: {  	v4 =	vadd.s32 v1, v4;
	_ =	sdelay $0x3  }
0x20: {  	s1 =	simm.s32 $0x100;
	v3 =	vperm.xlane v3, v2  }
0x21: {  	[tilespmem:s1], [sflag:$0x1] =	stream.indirect_vreg.gather [hbm4b:s2+s3], $0x80, v4, vm0, $0xb8;
	[tilespmem:$0x18100] =	vst v63  }
0x22: {  	v3 =	vadd.s32 v1, v3  }
0x23: {  	[tilespmem:s15], [sflag:$0x1] =	stream.indirect_vreg.gather [hbm4b:s5+s3], $0x80, v4, vm0, $0xb8;
	[tilespmem:$0x18100] =	vst v63  }
0x24: {  	_ = 	snop  }
0x25: {  	[tilespmem:s16], [sflag:$0x1] =	stream.indirect_vreg.gather [hbm4b:s6+s3], $0x80, v4, vm0, $0xb8;
	[tilespmem:$0x18100] =	vst v63  }
0x26: {  	_ = 	snop  }
0x27: {  	[tilespmem:s17], [sflag:$0x1] =	stream.indirect_vreg.gather [hbm4b:s2+s3], $0x80, v3, vm0, $0xb8;
	[tilespmem:$0x18100] =	vst v63  }
0x28: {  	_ = 	snop  }
0x29: {  	[tilespmem:s18], [sflag:$0x1] =	stream.indirect_vreg.gather [hbm4b:s5+s3], $0x80, v3, vm0, $0xb8;
	[tilespmem:$0x18100] =	vst v63  }
0x2a: {  	_ = 	snop  }
0x2b: {  	[tilespmem:s19], [sflag:$0x1] =	stream.indirect_vreg.gather [hbm4b:s6+s3], $0x80, v3, vm0, $0xb8;
	[tilespmem:$0x18100] =	vst v63  }
0x2c: {  	v3 =	vld [tilespmem:$0x10];
	_ =	sdelay $0x4  }
0x2d: {  	v49 =	vshrl.u32 v3, $0x3  }
0x2e: {  	v4 =	vmul.u32 $0x30, v49  }
0x2f: {  	v3 =	vand.u32 $0x7, v3  }
0x30: {  	v3 =	vor.u32 v3, v4  }
0x31: {  	v4 =	vperm.xlane v3, v0;
	_ =	sdelay $0x1  }
0x32: {  	v4 =	vadd.s32 v1, v4;
	_ =	sdelay $0x3  }
0x33: {  	v3 =	vperm.xlane v3, v2  }
0x34: {  	[tilespmem:s20], [sflag:$0x1] =	stream.indirect_vreg.gather [hbm4b:s2+s3], $0x80, v4, vm0, $0xb8;
	[tilespmem:$0x18100] =	vst v63  }
0x35: {  	v3 =	vadd.s32 v1, v3  }
0x36: {  	[tilespmem:s21], [sflag:$0x1] =	stream.indirect_vreg.gather [hbm4b:s5+s3], $0x80, v4, vm0, $0xb8;
	[tilespmem:$0x18100] =	vst v63  }
0x37: {  	_ = 	snop  }
0x38: {  	[tilespmem:s22], [sflag:$0x1] =	stream.indirect_vreg.gather [hbm4b:s6+s3], $0x80, v4, vm0, $0xb8;
	[tilespmem:$0x18100] =	vst v63  }
0x39: {  	_ = 	snop  }
0x3a: {  	[tilespmem:s23], [sflag:$0x1] =	stream.indirect_vreg.gather [hbm4b:s2+s3], $0x80, v3, vm0, $0xb8;
	[tilespmem:$0x18100] =	vst v63  }
0x3b: {  	_ = 	snop  }
0x3c: {  	[tilespmem:s24], [sflag:$0x1] =	stream.indirect_vreg.gather [hbm4b:s5+s3], $0x80, v3, vm0, $0xb8;
	[tilespmem:$0x18100] =	vst v63  }
0x3d: {  	_ = 	snop  }
0x3e: {  	[tilespmem:s25], [sflag:$0x1] =	stream.indirect_vreg.gather [hbm4b:s6+s3], $0x80, v3, vm0, $0xb8;
	[tilespmem:$0x18100] =	vst v63  }
0x3f: {  	v3 =	vld [tilespmem:$0x20];
	_ =	sdelay $0x4  }
0x40: {  	v50 =	vshrl.u32 v3, $0x3  }
0x41: {  	v4 =	vmul.u32 $0x30, v50  }
0x42: {  	v3 =	vand.u32 $0x7, v3  }
0x43: {  	v3 =	vor.u32 v3, v4  }
0x44: {  	v4 =	vperm.xlane v3, v0;
	_ =	sdelay $0x1  }
0x45: {  	v4 =	vadd.s32 v1, v4;
	_ =	sdelay $0x3  }
0x46: {  	v3 =	vperm.xlane v3, v2  }
0x47: {  	[tilespmem:s26], [sflag:$0x1] =	stream.indirect_vreg.gather [hbm4b:s2+s3], $0x80, v4, vm0, $0xb8;
	[tilespmem:$0x18100] =	vst v63  }
0x48: {  	v3 =	vadd.s32 v1, v3  }
0x49: {  	[tilespmem:s28], [sflag:$0x1] =	stream.indirect_vreg.gather [hbm4b:s5+s3], $0x80, v4, vm0, $0xb8;
	[tilespmem:$0x18100] =	vst v63  }
0x4a: {  	_ = 	snop  }
0x4b: {  	[tilespmem:s29], [sflag:$0x1] =	stream.indirect_vreg.gather [hbm4b:s6+s3], $0x80, v4, vm0, $0xb8;
	[tilespmem:$0x18100] =	vst v63  }
0x4c: {  	_ = 	snop  }
0x4d: {  	[tilespmem:s30], [sflag:$0x1] =	stream.indirect_vreg.gather [hbm4b:s2+s3], $0x80, v3, vm0, $0xb8;
	[tilespmem:$0x18100] =	vst v63  }
0x4e: {  	_ = 	snop  }
0x4f: {  	[tilespmem:s31], [sflag:$0x1] =	stream.indirect_vreg.gather [hbm4b:s5+s3], $0x80, v3, vm0, $0xb8;
	[tilespmem:$0x18100] =	vst v63  }
0x50: {  	s1 =	simm.s32 $0x8900  }
0x51: {  	[tilespmem:s1], [sflag:$0x1] =	stream.indirect_vreg.gather [hbm4b:s6+s3], $0x80, v3, vm0, $0xb8;
	[tilespmem:$0x18100] =	vst v63  }
0x52: {  	v3 =	vld [tilespmem:$0x30];
	_ =	sdelay $0x4  }
0x53: {  	v51 =	vshrl.u32 v3, $0x3  }
0x54: {  	v4 =	vmul.u32 $0x30, v51  }
0x55: {  	v3 =	vand.u32 $0x7, v3  }
0x56: {  	v3 =	vor.u32 v3, v4  }
0x57: {  	v4 =	vperm.xlane v3, v0;
	_ =	sdelay $0x1  }
0x58: {  	v4 =	vadd.s32 v1, v4;
	_ =	sdelay $0x3  }
0x59: {  	s4 =	simm.s32 $0x9100;
	v3 =	vperm.xlane v3, v2  }
0x5a: {  	[tilespmem:s4], [sflag:$0x1] =	stream.indirect_vreg.gather [hbm4b:s2+s3], $0x80, v4, vm0, $0xb8;
	[tilespmem:$0x18100] =	vst v63  }
0x5b: {  	s7 =	simm.s32 $0x9900;
	v3 =	vadd.s32 v1, v3  }
0x5c: {  	[tilespmem:s7], [sflag:$0x1] =	stream.indirect_vreg.gather [hbm4b:s5+s3], $0x80, v4, vm0, $0xb8;
	[tilespmem:$0x18100] =	vst v63  }
0x5d: {  	_ = 	snop  }
0x5e: {  	[tilespmem:s9], [sflag:$0x1] =	stream.indirect_vreg.gather [hbm4b:s6+s3], $0x80, v4, vm0, $0xb8;
	[tilespmem:$0x18100] =	vst v63  }
0x5f: {  	s4 =	simm.s32 $0xA900  }
0x60: {  	[tilespmem:s4], [sflag:$0x1] =	stream.indirect_vreg.gather [hbm4b:s2+s3], $0x80, v3, vm0, $0xb8;
	[tilespmem:$0x18100] =	vst v63  }
0x61: {  	_ = 	snop  }
0x62: {  	[tilespmem:s10], [sflag:$0x1] =	stream.indirect_vreg.gather [hbm4b:s5+s3], $0x80, v3, vm0, $0xb8;
	[tilespmem:$0x18100] =	vst v63  }
0x63: {  	_ = 	snop  }
0x64: {  	[tilespmem:s11], [sflag:$0x1] =	stream.indirect_vreg.gather [hbm4b:s6+s3], $0x80, v3, vm0, $0xb8;
	[tilespmem:$0x18100] =	vst v63  }
0x65: {  	v3 =	vld [tilespmem:$0x40];
	_ =	sdelay $0x4  }
0x66: {  	v52 =	vshrl.u32 v3, $0x3  }
0x67: {  	v4 =	vmul.u32 $0x30, v52  }
0x68: {  	v3 =	vand.u32 $0x7, v3  }
0x69: {  	v3 =	vor.u32 v3, v4  }
0x6a: {  	v4 =	vperm.xlane v3, v0;
	_ =	sdelay $0x1  }
0x6b: {  	v4 =	vadd.s32 v1, v4;
	_ =	sdelay $0x3  }
0x6c: {  	v3 =	vperm.xlane v3, v2  }
0x6d: {  	[tilespmem:s12], [sflag:$0x2] =	stream.indirect_vreg.gather [hbm4b:s2+s3], $0x80, v4, vm0, $0xb8;
	[tilespmem:$0x18100] =	vst v63  }
0x6e: {  	s14 =	simm.s32 $0xC900;
	v3 =	vadd.s32 v1, v3  }
0x6f: {  	[tilespmem:s14], [sflag:$0x2] =	stream.indirect_vreg.gather [hbm4b:s5+s3], $0x80, v4, vm0, $0xb8;
	[tilespmem:$0x18100] =	vst v63  }
0x70: {  	s7 =	simm.s32 $0xD100  }
0x71: {  	[tilespmem:s7], [sflag:$0x2] =	stream.indirect_vreg.gather [hbm4b:s6+s3], $0x80, v4, vm0, $0xb8;
	[tilespmem:$0x18100] =	vst v63  }
0x72: {  	s14 =	simm.s32 $0xD900  }
0x73: {  	[tilespmem:s14], [sflag:$0x2] =	stream.indirect_vreg.gather [hbm4b:s2+s3], $0x80, v3, vm0, $0xb8;
	[tilespmem:$0x18100] =	vst v63  }
0x74: {  	s7 =	simm.s32 $0xE100  }
0x75: {  	[tilespmem:s7], [sflag:$0x2] =	stream.indirect_vreg.gather [hbm4b:s5+s3], $0x80, v3, vm0, $0xb8;
	[tilespmem:$0x18100] =	vst v63  }
0x76: {  	s14 =	simm.s32 $0xE900  }
0x77: {  	[tilespmem:s14], [sflag:$0x2] =	stream.indirect_vreg.gather [hbm4b:s6+s3], $0x80, v3, vm0, $0xb8;
	[tilespmem:$0x18100] =	vst v63  }
0x78: {  	v3 =	vld [tilespmem:$0x50];
	_ =	sdelay $0x4  }
0x79: {  	v53 =	vshrl.u32 v3, $0x3  }
0x7a: {  	v4 =	vmul.u32 $0x30, v53  }
0x7b: {  	v3 =	vand.u32 $0x7, v3  }
0x7c: {  	v3 =	vor.u32 v3, v4  }
0x7d: {  	v4 =	vperm.xlane v3, v0;
	_ =	sdelay $0x1  }
0x7e: {  	v4 =	vadd.s32 v1, v4;
	_ =	sdelay $0x3  }
0x7f: {  	s7 =	simm.s32 $0xF100;
	v3 =	vperm.xlane v3, v2  }
0x80: {  	[tilespmem:s7], [sflag:$0x2] =	stream.indirect_vreg.gather [hbm4b:s2+s3], $0x80, v4, vm0, $0xb8;
	[tilespmem:$0x18100] =	vst v63  }
0x81: {  	s14 =	simm.s32 $0xF900;
	v3 =	vadd.s32 v1, v3  }
0x82: {  	[tilespmem:s14], [sflag:$0x2] =	stream.indirect_vreg.gather [hbm4b:s5+s3], $0x80, v4, vm0, $0xb8;
	[tilespmem:$0x18100] =	vst v63  }
0x83: {  	s7 =	simm.s32 $0x10100  }
0x84: {  	[tilespmem:s7], [sflag:$0x2] =	stream.indirect_vreg.gather [hbm4b:s6+s3], $0x80, v4, vm0, $0xb8;
	[tilespmem:$0x18100] =	vst v63  }
0x85: {  	s14 =	simm.s32 $0x10900  }
0x86: {  	[tilespmem:s14], [sflag:$0x2] =	stream.indirect_vreg.gather [hbm4b:s2+s3], $0x80, v3, vm0, $0xb8;
	[tilespmem:$0x18100] =	vst v63  }
0x87: {  	s7 =	simm.s32 $0x11100  }
0x88: {  	[tilespmem:s7], [sflag:$0x2] =	stream.indirect_vreg.gather [hbm4b:s5+s3], $0x80, v3, vm0, $0xb8;
	[tilespmem:$0x18100] =	vst v63  }
0x89: {  	s14 =	simm.s32 $0x11900  }
0x8a: {  	[tilespmem:s14], [sflag:$0x2] =	stream.indirect_vreg.gather [hbm4b:s6+s3], $0x80, v3, vm0, $0xb8;
	[tilespmem:$0x18100] =	vst v63  }
0x8b: {  	v3 =	vld [tilespmem:$0x60];
	_ =	sdelay $0x4  }
0x8c: {  	v54 =	vshrl.u32 v3, $0x3  }
0x8d: {  	v4 =	vmul.u32 $0x30, v54  }
0x8e: {  	v3 =	vand.u32 $0x7, v3  }
0x8f: {  	v3 =	vor.u32 v3, v4  }
0x90: {  	v4 =	vperm.xlane v3, v0;
	_ =	sdelay $0x1  }
0x91: {  	v4 =	vadd.s32 v1, v4;
	_ =	sdelay $0x3  }
0x92: {  	s7 =	simm.s32 $0x12100;
	v3 =	vperm.xlane v3, v2  }
0x93: {  	[tilespmem:s7], [sflag:$0x2] =	stream.indirect_vreg.gather [hbm4b:s2+s3], $0x80, v4, vm0, $0xb8;
	[tilespmem:$0x18100] =	vst v63  }
0x94: {  	s14 =	simm.s32 $0x12900;
	v3 =	vadd.s32 v1, v3  }
0x95: {  	[tilespmem:s14], [sflag:$0x2] =	stream.indirect_vreg.gather [hbm4b:s5+s3], $0x80, v4, vm0, $0xb8;
	[tilespmem:$0x18100] =	vst v63  }
0x96: {  	s7 =	simm.s32 $0x13100  }
0x97: {  	[tilespmem:s7], [sflag:$0x2] =	stream.indirect_vreg.gather [hbm4b:s6+s3], $0x80, v4, vm0, $0xb8;
	[tilespmem:$0x18100] =	vst v63  }
0x98: {  	s14 =	simm.s32 $0x13900  }
0x99: {  	[tilespmem:s14], [sflag:$0x2] =	stream.indirect_vreg.gather [hbm4b:s2+s3], $0x80, v3, vm0, $0xb8;
	[tilespmem:$0x18100] =	vst v63  }
0x9a: {  	s7 =	simm.s32 $0x14100  }
0x9b: {  	[tilespmem:s7], [sflag:$0x2] =	stream.indirect_vreg.gather [hbm4b:s5+s3], $0x80, v3, vm0, $0xb8;
	[tilespmem:$0x18100] =	vst v63  }
0x9c: {  	s14 =	simm.s32 $0x14900  }
0x9d: {  	[tilespmem:s14], [sflag:$0x2] =	stream.indirect_vreg.gather [hbm4b:s6+s3], $0x80, v3, vm0, $0xb8;
	[tilespmem:$0x18100] =	vst v63  }
0x9e: {  	v3 =	vld [tilespmem:$0x70];
	_ =	sdelay $0x4  }
0x9f: {  	v55 =	vshrl.u32 v3, $0x3  }
0xa0: {  	v4 =	vmul.u32 $0x30, v55  }
0xa1: {  	v3 =	vand.u32 $0x7, v3  }
0xa2: {  	v3 =	vor.u32 v3, v4  }
0xa3: {  	v4 =	vperm.xlane v3, v0;
	_ =	sdelay $0x1  }
0xa4: {  	v4 =	vadd.s32 v1, v4;
	_ =	sdelay $0x3  }
0xa5: {  	s7 =	simm.s32 $0x15100;
	v3 =	vperm.xlane v3, v2  }
0xa6: {  	[tilespmem:s7], [sflag:$0x2] =	stream.indirect_vreg.gather [hbm4b:s2+s3], $0x80, v4, vm0, $0xb8;
	[tilespmem:$0x18100] =	vst v63  }
0xa7: {  	s14 =	simm.s32 $0x15900;
	v3 =	vadd.s32 v1, v3  }
0xa8: {  	[tilespmem:s14], [sflag:$0x2] =	stream.indirect_vreg.gather [hbm4b:s5+s3], $0x80, v4, vm0, $0xb8;
	[tilespmem:$0x18100] =	vst v63  }
0xa9: {  	s7 =	simm.s32 $0x16100  }
0xaa: {  	[tilespmem:s7], [sflag:$0x2] =	stream.indirect_vreg.gather [hbm4b:s6+s3], $0x80, v4, vm0, $0xb8;
	[tilespmem:$0x18100] =	vst v63  }
0xab: {  	s14 =	simm.s32 $0x16900  }
0xac: {  	[tilespmem:s14], [sflag:$0x2] =	stream.indirect_vreg.gather [hbm4b:s2+s3], $0x80, v3, vm0, $0xb8;
	[tilespmem:$0x18100] =	vst v63  }
0xad: {  	s7 =	simm.s32 $0x17100  }
0xae: {  	[tilespmem:s7], [sflag:$0x2] =	stream.indirect_vreg.gather [hbm4b:s5+s3], $0x80, v3, vm0, $0xb8;
	[tilespmem:$0x18100] =	vst v63  }
0xaf: {  	s14 =	simm.s32 $0x17900  }
0xb0: {  	[tilespmem:s14], [sflag:$0x2] =	stream.indirect_vreg.gather [hbm4b:s6+s3], $0x80, v3, vm0, $0xb8;
	[tilespmem:$0x18100] =	vst v63  }
0xb1: {  	_ =	swait.ge [sflag:s13], $0xC000  }
0xb2: {  	[sflag:s13] =	ssyncset.done $0x0  }
0xb3: {  	s7 =	simm.s32 $0x100;
	s0 =	rddreg [dreg:$0x7];
	[sflag:s13] =	ssyncadd.s32 $0xFFFF4000  }
0xb4: {  	[hbm4b:s0+s3] =	stream.linear.scatter [tilespmem:s7], [sflag:$0x3], $0xC000, $0x38;
	[tilespmem:$0x18100] =	vst v63  }
0xb5: {  	s0 =	simm.s32 $0x3  }
0xb6: {  	_ =	swait.ge [sflag:s0], $0xC000  }
0xb7: {  	[sflag:s0] =	ssyncset.done $0x0  }
0xb8: {  	[sflag:s0] =	ssyncadd.s32 $0xFFFF4000  }
0xb9: {  	v3 =	vld [tilespmem:$0x80];
	_ =	sdelay $0x4  }
0xba: {  	v56 =	vshrl.u32 v3, $0x3  }
0xbb: {  	v4 =	vmul.u32 $0x30, v56  }
0xbc: {  	v3 =	vand.u32 $0x7, v3  }
0xbd: {  	v3 =	vor.u32 v3, v4  }
0xbe: {  	v4 =	vperm.xlane v3, v0;
	_ =	sdelay $0x1  }
0xbf: {  	v4 =	vadd.s32 v1, v4;
	_ =	sdelay $0x3  }
0xc0: {  	v3 =	vperm.xlane v3, v2  }
0xc1: {  	[tilespmem:s7], [sflag:$0x1] =	stream.indirect_vreg.gather [hbm4b:s2+s3], $0x80, v4, vm0, $0xb8;
	[tilespmem:$0x18100] =	vst v63  }
0xc2: {  	v3 =	vadd.s32 v1, v3  }
0xc3: {  	[tilespmem:s15], [sflag:$0x1] =	stream.indirect_vreg.gather [hbm4b:s5+s3], $0x80, v4, vm0, $0xb8;
	[tilespmem:$0x18100] =	vst v63  }
0xc4: {  	_ = 	snop  }
0xc5: {  	[tilespmem:s16], [sflag:$0x1] =	stream.indirect_vreg.gather [hbm4b:s6+s3], $0x80, v4, vm0, $0xb8;
	[tilespmem:$0x18100] =	vst v63  }
0xc6: {  	_ = 	snop  }
0xc7: {  	[tilespmem:s17], [sflag:$0x1] =	stream.indirect_vreg.gather [hbm4b:s2+s3], $0x80, v3, vm0, $0xb8;
	[tilespmem:$0x18100] =	vst v63  }
0xc8: {  	_ = 	snop  }
0xc9: {  	[tilespmem:s18], [sflag:$0x1] =	stream.indirect_vreg.gather [hbm4b:s5+s3], $0x80, v3, vm0, $0xb8;
	[tilespmem:$0x18100] =	vst v63  }
0xca: {  	_ = 	snop  }
0xcb: {  	[tilespmem:s19], [sflag:$0x1] =	stream.indirect_vreg.gather [hbm4b:s6+s3], $0x80, v3, vm0, $0xb8;
	[tilespmem:$0x18100] =	vst v63  }
0xcc: {  	v3 =	vld [tilespmem:$0x90];
	_ =	sdelay $0x4  }
0xcd: {  	v57 =	vshrl.u32 v3, $0x3  }
0xce: {  	v4 =	vmul.u32 $0x30, v57  }
0xcf: {  	v3 =	vand.u32 $0x7, v3  }
0xd0: {  	v3 =	vor.u32 v3, v4  }
0xd1: {  	v4 =	vperm.xlane v3, v0;
	_ =	sdelay $0x1  }
0xd2: {  	v4 =	vadd.s32 v1, v4;
	_ =	sdelay $0x3  }
0xd3: {  	v3 =	vperm.xlane v3, v2  }
0xd4: {  	[tilespmem:s20], [sflag:$0x1] =	stream.indirect_vreg.gather [hbm4b:s2+s3], $0x80, v4, vm0, $0xb8;
	[tilespmem:$0x18100] =	vst v63  }
0xd5: {  	v3 =	vadd.s32 v1, v3  }
0xd6: {  	[tilespmem:s21], [sflag:$0x1] =	stream.indirect_vreg.gather [hbm4b:s5+s3], $0x80, v4, vm0, $0xb8;
	[tilespmem:$0x18100] =	vst v63  }
0xd7: {  	_ = 	snop  }
0xd8: {  	[tilespmem:s22], [sflag:$0x1] =	stream.indirect_vreg.gather [hbm4b:s6+s3], $0x80, v4, vm0, $0xb8;
	[tilespmem:$0x18100] =	vst v63  }
0xd9: {  	_ = 	snop  }
0xda: {  	[tilespmem:s23], [sflag:$0x1] =	stream.indirect_vreg.gather [hbm4b:s2+s3], $0x80, v3, vm0, $0xb8;
	[tilespmem:$0x18100] =	vst v63  }
0xdb: {  	_ = 	snop  }
0xdc: {  	[tilespmem:s24], [sflag:$0x1] =	stream.indirect_vreg.gather [hbm4b:s5+s3], $0x80, v3, vm0, $0xb8;
	[tilespmem:$0x18100] =	vst v63  }
0xdd: {  	_ = 	snop  }
0xde: {  	[tilespmem:s25], [sflag:$0x1] =	stream.indirect_vreg.gather [hbm4b:s6+s3], $0x80, v3, vm0, $0xb8;
	[tilespmem:$0x18100] =	vst v63  }
0xdf: {  	v3 =	vld [tilespmem:$0xA0];
	_ =	sdelay $0x4  }
0xe0: {  	v58 =	vshrl.u32 v3, $0x3  }
0xe1: {  	v4 =	vmul.u32 $0x30, v58  }
0xe2: {  	v3 =	vand.u32 $0x7, v3  }
0xe3: {  	v3 =	vor.u32 v3, v4  }
0xe4: {  	v4 =	vperm.xlane v3, v0;
	_ =	sdelay $0x1  }
0xe5: {  	v4 =	vadd.s32 v1, v4;
	_ =	sdelay $0x3  }
0xe6: {  	v3 =	vperm.xlane v3, v2  }
0xe7: {  	[tilespmem:s26], [sflag:$0x1] =	stream.indirect_vreg.gather [hbm4b:s2+s3], $0x80, v4, vm0, $0xb8;
	[tilespmem:$0x18100] =	vst v63  }
0xe8: {  	v3 =	vadd.s32 v1, v3  }
0xe9: {  	[tilespmem:s28], [sflag:$0x1] =	stream.indirect_vreg.gather [hbm4b:s5+s3], $0x80, v4, vm0, $0xb8;
	[tilespmem:$0x18100] =	vst v63  }
0xea: {  	_ = 	snop  }
0xeb: {  	[tilespmem:s29], [sflag:$0x1] =	stream.indirect_vreg.gather [hbm4b:s6+s3], $0x80, v4, vm0, $0xb8;
	[tilespmem:$0x18100] =	vst v63  }
0xec: {  	_ = 	snop  }
0xed: {  	[tilespmem:s30], [sflag:$0x1] =	stream.indirect_vreg.gather [hbm4b:s2+s3], $0x80, v3, vm0, $0xb8;
	[tilespmem:$0x18100] =	vst v63  }
0xee: {  	_ = 	snop  }
0xef: {  	[tilespmem:s31], [sflag:$0x1] =	stream.indirect_vreg.gather [hbm4b:s5+s3], $0x80, v3, vm0, $0xb8;
	[tilespmem:$0x18100] =	vst v63  }
0xf0: {  	_ = 	snop  }
0xf1: {  	[tilespmem:s1], [sflag:$0x1] =	stream.indirect_vreg.gather [hbm4b:s6+s3], $0x80, v3, vm0, $0xb8;
	[tilespmem:$0x18100] =	vst v63  }
0xf2: {  	v3 =	vld [tilespmem:$0xB0];
	_ =	sdelay $0x4  }
0xf3: {  	v59 =	vshrl.u32 v3, $0x3  }
0xf4: {  	v4 =	vmul.u32 $0x30, v59  }
0xf5: {  	v3 =	vand.u32 $0x7, v3  }
0xf6: {  	v3 =	vor.u32 v3, v4  }
0xf7: {  	v4 =	vperm.xlane v3, v0;
	_ =	sdelay $0x1  }
0xf8: {  	v4 =	vadd.s32 v1, v4;
	_ =	sdelay $0x3  }
0xf9: {  	s7 =	simm.s32 $0x9100;
	v3 =	vperm.xlane v3, v2  }
0xfa: {  	[tilespmem:s7], [sflag:$0x1] =	stream.indirect_vreg.gather [hbm4b:s2+s3], $0x80, v4, vm0, $0xb8;
	[tilespmem:$0x18100] =	vst v63  }
0xfb: {  	s14 =	simm.s32 $0x9900;
	v3 =	vadd.s32 v1, v3  }
0xfc: {  	[tilespmem:s14], [sflag:$0x1] =	stream.indirect_vreg.gather [hbm4b:s5+s3], $0x80, v4, vm0, $0xb8;
	[tilespmem:$0x18100] =	vst v63  }
0xfd: {  	_ = 	snop  }
0xfe: {  	[tilespmem:s9], [sflag:$0x1] =	stream.indirect_vreg.gather [hbm4b:s6+s3], $0x80, v4, vm0, $0xb8;
	[tilespmem:$0x18100] =	vst v63  }
0xff: {  	_ = 	snop  }
0x100: {  	[tilespmem:s4], [sflag:$0x1] =	stream.indirect_vreg.gather [hbm4b:s2+s3], $0x80, v3, vm0, $0xb8;
	[tilespmem:$0x18100] =	vst v63  }
0x101: {  	_ = 	snop  }
0x102: {  	[tilespmem:s10], [sflag:$0x1] =	stream.indirect_vreg.gather [hbm4b:s5+s3], $0x80, v3, vm0, $0xb8;
	[tilespmem:$0x18100] =	vst v63  }
0x103: {  	s1 =	simm.s32 $0x2  }
0x104: {  	[tilespmem:s11], [sflag:$0x1] =	stream.indirect_vreg.gather [hbm4b:s6+s3], $0x80, v3, vm0, $0xb8;
	[tilespmem:$0x18100] =	vst v63  }
0x105: {  	_ =	swait.ge [sflag:s1], $0xC000  }
0x106: {  	[sflag:s1] =	ssyncset.done $0x0  }
0x107: {  	s4 =	simm.s32 $0x4;
	s7 =	rddreg [dreg:$0x4];
	[sflag:s1] =	ssyncadd.s32 $0xFFFF4000  }
0x108: {  	[hbm4b:s7+s3] =	stream.linear.scatter [tilespmem:s12], [sflag:$0x4], $0xC000, $0x38;
	[tilespmem:$0x18100] =	vst v63  }
0x109: {  	_ =	swait.ge [sflag:s4], $0xC000  }
0x10a: {  	[sflag:s4] =	ssyncset.done $0x0  }
0x10b: {  	[sflag:s4] =	ssyncadd.s32 $0xFFFF4000  }
0x10c: {  	v3 =	vld [tilespmem:$0xC0];
	_ =	sdelay $0x4  }
0x10d: {  	v60 =	vshrl.u32 v3, $0x3  }
0x10e: {  	v4 =	vmul.u32 $0x30, v60  }
0x10f: {  	v3 =	vand.u32 $0x7, v3  }
0x110: {  	v3 =	vor.u32 v3, v4  }
0x111: {  	v4 =	vperm.xlane v3, v0;
	_ =	sdelay $0x1  }
0x112: {  	v4 =	vadd.s32 v1, v4;
	_ =	sdelay $0x3  }
0x113: {  	v3 =	vperm.xlane v3, v2  }
0x114: {  	[tilespmem:s12], [sflag:$0x2] =	stream.indirect_vreg.gather [hbm4b:s2+s3], $0x80, v4, vm0, $0xb8;
	[tilespmem:$0x18100] =	vst v63  }
0x115: {  	s14 =	simm.s32 $0xC900;
	v3 =	vadd.s32 v1, v3  }
0x116: {  	[tilespmem:s14], [sflag:$0x2] =	stream.indirect_vreg.gather [hbm4b:s5+s3], $0x80, v4, vm0, $0xb8;
	[tilespmem:$0x18100] =	vst v63  }
0x117: {  	s14 =	simm.s32 $0xD100  }
0x118: {  	[tilespmem:s14], [sflag:$0x2] =	stream.indirect_vreg.gather [hbm4b:s6+s3], $0x80, v4, vm0, $0xb8;
	[tilespmem:$0x18100] =	vst v63  }
0x119: {  	s14 =	simm.s32 $0xD900  }
0x11a: {  	[tilespmem:s14], [sflag:$0x2] =	stream.indirect_vreg.gather [hbm4b:s2+s3], $0x80, v3, vm0, $0xb8;
	[tilespmem:$0x18100] =	vst v63  }
0x11b: {  	s14 =	simm.s32 $0xE100  }
0x11c: {  	[tilespmem:s14], [sflag:$0x2] =	stream.indirect_vreg.gather [hbm4b:s5+s3], $0x80, v3, vm0, $0xb8;
	[tilespmem:$0x18100] =	vst v63  }
0x11d: {  	s14 =	simm.s32 $0xE900  }
0x11e: {  	[tilespmem:s14], [sflag:$0x2] =	stream.indirect_vreg.gather [hbm4b:s6+s3], $0x80, v3, vm0, $0xb8;
	[tilespmem:$0x18100] =	vst v63  }
0x11f: {  	v3 =	vld [tilespmem:$0xD0];
	_ =	sdelay $0x4  }
0x120: {  	v61 =	vshrl.u32 v3, $0x3  }
0x121: {  	v4 =	vmul.u32 $0x30, v61  }
0x122: {  	v3 =	vand.u32 $0x7, v3  }
0x123: {  	v3 =	vor.u32 v3, v4  }
0x124: {  	v4 =	vperm.xlane v3, v0;
	_ =	sdelay $0x1  }
0x125: {  	v4 =	vadd.s32 v1, v4;
	_ =	sdelay $0x3  }
0x126: {  	s14 =	simm.s32 $0xF100;
	v3 =	vperm.xlane v3, v2  }
0x127: {  	[tilespmem:s14], [sflag:$0x2] =	stream.indirect_vreg.gather [hbm4b:s2+s3], $0x80, v4, vm0, $0xb8;
	[tilespmem:$0x18100] =	vst v63  }
0x128: {  	v3 =	vadd.s32 v1, v3;
	s14 =	simm.s32 $0xF900  }
0x129: {  	[tilespmem:s14], [sflag:$0x2] =	stream.indirect_vreg.gather [hbm4b:s5+s3], $0x80, v4, vm0, $0xb8;
	[tilespmem:$0x18100] =	vst v63  }
0x12a: {  	s14 =	simm.s32 $0x10100  }
0x12b: {  	[tilespmem:s14], [sflag:$0x2] =	stream.indirect_vreg.gather [hbm4b:s6+s3], $0x80, v4, vm0, $0xb8;
	[tilespmem:$0x18100] =	vst v63  }
0x12c: {  	s14 =	simm.s32 $0x10900  }
0x12d: {  	[tilespmem:s14], [sflag:$0x2] =	stream.indirect_vreg.gather [hbm4b:s2+s3], $0x80, v3, vm0, $0xb8;
	[tilespmem:$0x18100] =	vst v63  }
0x12e: {  	s14 =	simm.s32 $0x11100  }
0x12f: {  	[tilespmem:s14], [sflag:$0x2] =	stream.indirect_vreg.gather [hbm4b:s5+s3], $0x80, v3, vm0, $0xb8;
	[tilespmem:$0x18100] =	vst v63  }
0x130: {  	s14 =	simm.s32 $0x11900  }
0x131: {  	[tilespmem:s14], [sflag:$0x2] =	stream.indirect_vreg.gather [hbm4b:s6+s3], $0x80, v3, vm0, $0xb8;
	[tilespmem:$0x18100] =	vst v63  }
0x132: {  	v3 =	vld [tilespmem:$0xE0];
	_ =	sdelay $0x4  }
0x133: {  	v62 =	vshrl.u32 v3, $0x3  }
0x134: {  	v4 =	vmul.u32 $0x30, v62  }
0x135: {  	v3 =	vand.u32 $0x7, v3  }
0x136: {  	v3 =	vor.u32 v3, v4  }
0x137: {  	v4 =	vperm.xlane v3, v0;
	_ =	sdelay $0x1  }
0x138: {  	v4 =	vadd.s32 v1, v4;
	_ =	sdelay $0x3  }
0x139: {  	s14 =	simm.s32 $0x12100;
	v3 =	vperm.xlane v3, v2  }
0x13a: {  	[tilespmem:s14], [sflag:$0x2] =	stream.indirect_vreg.gather [hbm4b:s2+s3], $0x80, v4, vm0, $0xb8;
	[tilespmem:$0x18100] =	vst v63  }
0x13b: {  	v3 =	vadd.s32 v1, v3;
	s14 =	simm.s32 $0x12900  }
0x13c: {  	[tilespmem:s14], [sflag:$0x2] =	stream.indirect_vreg.gather [hbm4b:s5+s3], $0x80, v4, vm0, $0xb8;
	[tilespmem:$0x18100] =	vst v63  }
0x13d: {  	s14 =	simm.s32 $0x13100  }
0x13e: {  	[tilespmem:s14], [sflag:$0x2] =	stream.indirect_vreg.gather [hbm4b:s6+s3], $0x80, v4, vm0, $0xb8;
	[tilespmem:$0x18100] =	vst v63  }
0x13f: {  	s14 =	simm.s32 $0x13900  }
0x140: {  	[tilespmem:s14], [sflag:$0x2] =	stream.indirect_vreg.gather [hbm4b:s2+s3], $0x80, v3, vm0, $0xb8;
	[tilespmem:$0x18100] =	vst v63  }
0x141: {  	s14 =	simm.s32 $0x14100  }
0x142: {  	[tilespmem:s14], [sflag:$0x2] =	stream.indirect_vreg.gather [hbm4b:s5+s3], $0x80, v3, vm0, $0xb8;
	[tilespmem:$0x18100] =	vst v63  }
0x143: {  	s14 =	simm.s32 $0x14900  }
0x144: {  	[tilespmem:s14], [sflag:$0x2] =	stream.indirect_vreg.gather [hbm4b:s6+s3], $0x80, v3, vm0, $0xb8;
	[tilespmem:$0x18100] =	vst v63  }
0x145: {  	v3 =	vld [tilespmem:$0xF0];
	_ =	sdelay $0x4  }
0x146: {  	v63 =	vshrl.u32 v3, $0x3  }
0x147: {  	v4 =	vmul.u32 $0x30, v63  }
0x148: {  	v3 =	vand.u32 $0x7, v3  }
0x149: {  	v3 =	vor.u32 v3, v4  }
0x14a: {  	v4 =	vperm.xlane v3, v0;
	_ =	sdelay $0x1  }
0x14b: {  	v4 =	vadd.s32 v1, v4;
	_ =	sdelay $0x3  }
0x14c: {  	s14 =	simm.s32 $0x15100;
	v3 =	vperm.xlane v3, v2  }
0x14d: {  	[tilespmem:s14], [sflag:$0x2] =	stream.indirect_vreg.gather [hbm4b:s2+s3], $0x80, v4, vm0, $0xb8;
	[tilespmem:$0x18100] =	vst v63  }
0x14e: {  	v3 =	vadd.s32 v1, v3;
	s14 =	simm.s32 $0x15900  }
0x14f: {  	[tilespmem:s14], [sflag:$0x2] =	stream.indirect_vreg.gather [hbm4b:s5+s3], $0x80, v4, vm0, $0xb8;
	[tilespmem:$0x18100] =	vst v63  }
0x150: {  	s14 =	simm.s32 $0x16100  }
0x151: {  	[tilespmem:s14], [sflag:$0x2] =	stream.indirect_vreg.gather [hbm4b:s6+s3], $0x80, v4, vm0, $0xb8;
	[tilespmem:$0x18100] =	vst v63  }
0x152: {  	s14 =	simm.s32 $0x16900  }
0x153: {  	[tilespmem:s14], [sflag:$0x2] =	stream.indirect_vreg.gather [hbm4b:s2+s3], $0x80, v3, vm0, $0xb8;
	[tilespmem:$0x18100] =	vst v63  }
0x154: {  	s14 =	simm.s32 $0x17100  }
0x155: {  	[tilespmem:s14], [sflag:$0x2] =	stream.indirect_vreg.gather [hbm4b:s5+s3], $0x80, v3, vm0, $0xb8;
	[tilespmem:$0x18100] =	vst v63  }
0x156: {  	s14 =	simm.s32 $0x17900  }
0x157: {  	[tilespmem:s14], [sflag:$0x2] =	stream.indirect_vreg.gather [hbm4b:s6+s3], $0x80, v3, vm0, $0xb8;
	[tilespmem:$0x18100] =	vst v63  }
0x158: {  	_ =	swait.ge [sflag:s13], $0xC000  }
0x159: {  	[sflag:s13] =	ssyncset.done $0x0  }
0x15a: {  	s7 =	simm.s32 $0x100;
	s14 =	rddreg [dreg:$0x5];
	[sflag:s13] =	ssyncadd.s32 $0xFFFF4000  }
0x15b: {  	[hbm4b:s14+s3] =	stream.linear.scatter [tilespmem:s7], [sflag:$0x3], $0xC000, $0x38;
	[tilespmem:$0x18100] =	vst v63  }
0x15c: {  	_ =	swait.ge [sflag:s1], $0xC000  }
0x15d: {  	[sflag:s1] =	ssyncset.done $0x0  }
0x15e: {  	s7 =	rddreg [dreg:$0x6];
	[sflag:s1] =	ssyncadd.s32 $0xFFFF4000  }
0x15f: {  	[hbm4b:s7+s3] =	stream.linear.scatter [tilespmem:s12], [sflag:$0x4], $0xC000, $0x38;
	[tilespmem:$0x18100] =	vst v63  }
0x160: {  	p0 =	sne.s32 s8, $0x1;
	_ =	swait.ge [sflag:s0], $0xC000  }
.Ltmp0:
0x161: {  	[sflag:s0] =	ssyncset.done $0x0;
	(pc) =	sbr.rel @p0 .LBB2_1-.Ltmp0, $4  }
0x162: {  	[sflag:s0] =	ssyncadd.s32 $0xFFFF4000  }
0x163: {  	_ =	swait.ge [sflag:s4], $0xC000  }
0x164: {  	[sflag:s4] =	ssyncset.done $0x0  }
0x165: {  	s8 =	sadd.s32 $0xFFFFFFFF, s8;
	[sflag:s4] =	ssyncadd.s32 $0xFFFF4000  }
0x166: {  	_ =	sfence.sel $0x180000  }
0x167: {  	[bflag:$0x0] =	sbarrier.arrive $0xFFFF  }
0x168: {  	_ =	strace $0x9000004D  }
0x169: {  	s0 =	stileid.u32;
	[bflag:$0x2] =	sbarrier.arrive $0xFFFF  }
0x16a: {  	p0 =	sne.s32 s0, $0x0;
	s0 =	rddreg [dreg:$0x2]  }
0x16b: {  	s0 =	sadd.s32 @!p0 $0x100000, s0  }
0x16c: {  	[sflag:s0] =	ssyncadd.tile.s32 @!p0 $0x1;
	_ =	shalt  }
.Lfunc_end2:
_tile_overlayer_lowered:
.L_overlay_start_2:
0x16d: {  	(tag) =	ssettag $0x2  }
0x16e: {  	s0 =	rddreg [dreg:$0x0];
	s2 =	stileid.u32  }
0x16f: {  	s1 =	rddreg [dreg:$0x1];
	p0 =	sne.s32 s2, $0x0  }
0x170: {  	s3 =	rddreg [dreg:$0x2];
	[bflag:$0x3] =	sbarrier.arrive $0xFFFF;
	s2 =	simm.s32 @!p0 $0x1C05  }
0x171: {  	[timem:s3], [sflag:s2] =	dma.local @!p0 [hbm:s0], s1  }
0x172: {  	s0 =	simm.s32 @!p0 $0x5  }
0x173: {  	_ =	swait.ge @!p0 [sflag:s0], s1  }
0x174: {  	s1 =	ssub.s32 @!p0 $0x0, s1;
	[sflag:s0] =	ssyncset.done @!p0 $0x0  }
0x175: {  	[sflag:s0] =	ssyncadd.s32 @!p0 s1  }
0x176: {  	[bflag:$0x3] =	sbarrier.arrive $0xFFFF  }
0x177: {  	_ =	shalt  }

// kernel: kernel.17.cloned.1.call-start
scs
__scs_entry_jumppad:
0x0: {  	(pc) =	sbr.rel $0x88, $3  }
0x1: {  	(tag) =	ssettag $0x0;
	lr =	simm.s32 $0x1  }
0x2: {  	[smem:$0x3F97] =	sst lr;
	_ =	strace $0xD0000000  }
0x3: {  	_ = 	snop  }
0x4: {  	_ = 	snop  }
0x5: {  	_ = 	snop  }
0x6: {  	_ = 	snop  }
0x7: {  	_ = 	snop  }
__scs_overlays_trampoline_lowered:
0x8: {  	[smem:$0x3FA6] =	sst s0  }
0x9: {  	[smem:$0x3FA7] =	sst s1  }
0xa: {  	[smem:$0x3FA8] =	sst s2  }
0xb: {  	[smem:$0x3FA9] =	sst s3  }
0xc: {  	[smem:$0x3FAA] =	sst s4  }
0xd: {  	[smem:$0x3FAB] =	sst s5  }
0xe: {  	[smem:$0x3FAC] =	sst s6  }
0xf: {  	[smem:$0x3FAD] =	sst s7  }
0x10: {  	[smem:$0x3FAE] =	sst s8  }
0x11: {  	[smem:$0x3FAF] =	sst s9;
	s0 =	simm.s32 @!p0 $0x0  }
0x12: {  	s1 =	sld [smem:$0x3F95];
	s0 =	simm.s32 @p0 $0x1  }
0x13: {  	[smem:$0x3FB0] =	sst s0;
	s0 =	simm.s32 @!p1 $0x0  }
0x14: {  	s2 =	sld [smem:$0x3F94];
	s0 =	simm.s32 @p1 $0x1  }
0x15: {  	[smem:$0x3FB1] =	sst s0;
	s0 =	simm.s32 @!p2 $0x0  }
0x16: {  	s3 =	sld [smem:$0x3FDB];
	s0 =	simm.s32 @p2 $0x1  }
0x17: {  	s4 =	simm.s32 $0x1BF5;
	[smem:$0x3FB3] =	sst s0  }
0x18: {  	s0 =	sld [smem:$0x3F96];
	_ =	swait.ge [sflag:s4], $0x0  }
0x19: {  	s7 =	sld [smem:$0x3F97]  }
0x1a: {  	s8 =	sadd.s32 $0xFFFFE003, lr  }
0x1b: {  	s9 =	sadd.s32 $0xFFFFFEF7, lr;
	s5 =	simm.s32 $0xFFFFFFFF;
	p2 =	slt.u32 s8, $0xFFFFF086  }
0x1c: {  	p1 =	slt.u32 s9, $0xF7A;
	s5 =	simm.s32 @!p2 $0x0  }
0x1d: {  	s5 =	simm.s32 @p1 $0x1;
	p0 =	seq.s32 s7, s2  }
0x1e: {  	s7 =	smul.u32 @!p0 $0xF7A, s2;
	p2 =	seq.s32 @!p0 s5, $0x0  }
0x1f: {  	s9 =	smul.u32 $0xF7A, s1;
	s8 =	simm.s32 @!p0 $0x1BF5;
	p2 =	por !p2, p0  }
0x20: {  	[sflag:s8] =	ssyncset.s32 @!p0 $0xFFFFF086;
	s6 =	sadd.s32 @!p0 s3, s7;
	s7 =	simm.s32 @!p0 $0x108  }
0x21: {  	s3 =	sadd.s32 s3, s9;
	s6 =	sadd.s32 @!p0 $0x88, s6;
	s7 =	simm.s32 @p2 $0x1082  }
0x22: {  	[simem:s7], [sflag:s8] =	dma.local @!p0 [hbm:s6], $0xF7A  }
0x23: {  	s9 =	sor.u32 $0xD0000000, s2;
	s6 =	simm.s32 $0x108;
	_ =	swait.ge @!p0 [sflag:s8], $0x0  }
0x24: {  	s3 =	sadd.s32 $0x88, s3;
	s6 =	simm.s32 @!p1 $0x1082;
	[sflag:s4] =	ssyncset.s32 $0xFFFFF086  }
0x25: {  	[simem:s6], [sflag:s4] =	dma.local [hbm:s3], $0xF7A  }
0x26: {  	[smem:$0x3F97] =	sst s1;
	(tag) =	ssettag s2;
	_ =	strace s9  }
0x27: {  	s1 =	sld [smem:$0x3FA7]  }
0x28: {  	s2 =	sld [smem:$0x3FA8]  }
0x29: {  	s4 =	sld [smem:$0x3FAA]  }
0x2a: {  	p0 =	seq.s32 s5, $0x0;
	s5 =	sld [smem:$0x3FAB]  }
0x2b: {  	s6 =	sld [smem:$0x3FAC]  }
0x2c: {  	s7 =	sld [smem:$0x3FAD]  }
0x2d: {  	s3 =	simm.s32 $0x108;
	s8 =	sld [smem:$0x3FAE]  }
0x2e: {  	s3 =	simm.s32 @!p0 $0x1082;
	s9 =	sld [smem:$0x3FAF]  }
0x2f: {  	lr =	sadd.s32 s0, s3;
	s0 =	sld [smem:$0x3FA6]  }
0x30: {  	s3 =	sld [smem:$0x3FA9]  }
0x31: {  	[smem:$0x3FB2] =	sst s10  }
0x32: {  	s10 =	sld [smem:$0x3FB0];
	_ =	sdelay $0x3  }
0x33: {  	p0 =	seq.s32 s10, $0x1;
	s10 =	sld [smem:$0x3FB2];
	_ =	sdelay $0x3  }
0x34: {  	[smem:$0x3FB2] =	sst s10  }
0x35: {  	s10 =	sld [smem:$0x3FB1];
	_ =	sdelay $0x3  }
0x36: {  	p1 =	seq.s32 s10, $0x1;
	s10 =	sld [smem:$0x3FB2];
	_ =	sdelay $0x3  }
0x37: {  	[smem:$0x3FB2] =	sst s10  }
0x38: {  	s10 =	sld [smem:$0x3FB3]  }
0x39: {  	_ = 	snop;
	(pc) =	sbr.ind lr, $3  }
0x3a: {  	_ = 	snop  }
0x3b: {  	_ = 	snop  }
0x3c: {  	p2 =	seq.s32 s10, $0x1;
	s10 =	sld [smem:$0x3FB2]  }
0x3d: {  	_ =	shalt  }
0x3e: {  	_ =	shalt  }
0x3f: {  	_ =	shalt  }
0x40: {  	_ =	shalt  }
0x41: {  	_ =	shalt  }
0x42: {  	_ =	shalt  }
0x43: {  	_ =	shalt  }
0x44: {  	_ =	shalt  }
0x45: {  	_ =	shalt  }
0x46: {  	_ =	shalt  }
0x47: {  	_ =	shalt  }
0x48: {  	_ =	shalt  }
0x49: {  	_ =	shalt  }
0x4a: {  	_ =	shalt  }
0x4b: {  	_ =	shalt  }
0x4c: {  	_ =	shalt  }
0x4d: {  	_ =	shalt  }
0x4e: {  	_ =	shalt  }
0x4f: {  	_ =	shalt  }
0x50: {  	_ =	shalt  }
0x51: {  	_ =	shalt  }
0x52: {  	_ =	shalt  }
0x53: {  	_ =	shalt  }
0x54: {  	_ =	shalt  }
0x55: {  	_ =	shalt  }
0x56: {  	_ =	shalt  }
0x57: {  	_ =	shalt  }
0x58: {  	_ =	shalt  }
0x59: {  	_ =	shalt  }
0x5a: {  	_ =	shalt  }
0x5b: {  	_ =	shalt  }
0x5c: {  	_ =	shalt  }
0x5d: {  	_ =	shalt  }
0x5e: {  	_ =	shalt  }
0x5f: {  	_ =	shalt  }
0x60: {  	_ =	shalt  }
0x61: {  	_ =	shalt  }
0x62: {  	_ =	shalt  }
0x63: {  	_ =	shalt  }
0x64: {  	_ =	shalt  }
0x65: {  	_ =	shalt  }
0x66: {  	_ =	shalt  }
0x67: {  	_ =	shalt  }
0x68: {  	_ =	shalt  }
0x69: {  	_ =	shalt  }
0x6a: {  	_ =	shalt  }
0x6b: {  	_ =	shalt  }
0x6c: {  	_ =	shalt  }
0x6d: {  	_ =	shalt  }
0x6e: {  	_ =	shalt  }
0x6f: {  	_ =	shalt  }
0x70: {  	_ =	shalt  }
0x71: {  	_ =	shalt  }
0x72: {  	_ =	shalt  }
0x73: {  	_ =	shalt  }
0x74: {  	_ =	shalt  }
0x75: {  	_ =	shalt  }
0x76: {  	_ =	shalt  }
0x77: {  	_ =	shalt  }
0x78: {  	_ =	shalt  }
0x79: {  	_ =	shalt  }
0x7a: {  	_ =	shalt  }
0x7b: {  	_ =	shalt  }
0x7c: {  	_ =	shalt  }
0x7d: {  	_ =	shalt  }
0x7e: {  	_ =	shalt  }
0x7f: {  	_ =	shalt  }
0x80: {  	_ =	shalt  }
0x81: {  	_ =	shalt  }
0x82: {  	_ =	shalt  }
0x83: {  	_ =	shalt  }
0x84: {  	_ =	shalt  }
0x85: {  	_ =	shalt  }
0x86: {  	_ =	shalt  }
0x87: {  	_ =	shalt  }
.Lfunc_end0:
.L_simem_size_0:
called_computation.2_lowered:
.L_overlay_start_0:
0x88: {  	s2 =	sld [smem:$0x3FD9]  }
0x89: {  	s3 =	sld [smem:$0x3FFE];
	_ =	sdelay $0x1  }
0x8a: {  	s1 =	srdreg.scid  }
0x8b: {  	s0 =	sand.u32 $0x1, s1  }
0x8c: {  	s17 =	sshll.u32 s0, $0xA;
	s2 =	sadd.s32 s3, s2  }
0x8d: {  	s2 =	sadd.s32 s2, s17  }
0x8e: {  	[smem:$0x3FBE] =	sst s2  }
0x8f: {  	_ = 	snop  }
0x90: {  	s18 =	sld [smem:$0x3FD0];
	(tm) =	ssettm $0x1  }
0x91: {  	s19 =	sld [smem:$0x3FFB];
	_ =	sdelay $0x3  }
0x92: {  	_ =	strace s19  }
0x93: {  	s2 =	sld [smem:$0x3FFC];
	_ =	sdelay $0x3  }
0x94: {  	_ =	strace s2  }
0x95: {  	s2 =	sld [smem:$0x3FFD];
	_ =	sdelay $0x3  }
0x96: {  	_ =	strace s2  }
0x97: {  	_ =	strace $0x8FFFFFFF  }
0x98: {  	s20 =	sld [smem:$0x3FDB];
	_ =	sdelay $0x1  }
0x99: {  	s4 =	simm.s32 $_scs_section_size  }
0x9a: {  	s5 =	simm.s32 $_size__tile_overlayer_lowered;
	s6 =	simm.s32 $_tile_overlayer_lowered  }
0x9b: {  	s7 =	simm.s32 $0x1BFF;
	s21 =	sshll.u32 s6, $0x1;
	s4 =	sadd.s32 s4, s20  }
0x9c: {  	s22 =	simm.s32 $0x0;
	s5 =	sshll.u32 s5, $0x1;
	s6 =	sadd.s32 s21, s4  }
0x9d: {  	[timem:s22], [sflag:s7] =	dma.local [hbm:s6], s5  }
0x9e: {  	_ =	swait.ge [sflag:s7], s5  }
0x9f: {  	s5 =	ssub.s32 $0x0, s5;
	[sflag:s7] =	ssyncset.done $0x0  }
0xa0: {  	[sflag:s7] =	ssyncadd.s32 s5;
	_ =	sdelay $0x1  }
0xa1: {  	s23 =	simm.s32 $0x1B8B  }
0xa2: {  	_ =	swait.ge [sflag:s23], $0x1  }
0xa3: {  	[sflag:s23] =	ssyncset.done $0x0  }
0xa4: {  	[sflag:s23] =	ssyncadd.s32 $0xFFFFFFFF  }
0xa5: {  	s5 =	sld [smem:$0x0]  }
0xa6: {  	s6 =	sand.u32 $0xFFFFFFFE, s1  }
0xa7: {  	p0 =	sne.s32 s1, s6  }
0xa8: {  	s6 =	sshll.u32 @p0 s6, $0xE  }
0xa9: {  	s6 =	sadd.s32 @p0 $0x11B8D, s6;
	s7 =	sshll.u32 @p0 s5, $0x11  }
0xaa: {  	s6 =	sor.u32 @p0 s7, s6  }
0xab: {  	[sflag:s6] =	ssyncadd.remote.s32 @p0 $0x1;
	_ =	sdelay $0x1  }
0xac: {  	s6 =	simm.s32 @p0 $0x1B8D  }
0xad: {  	_ =	swait.eq @p0 [sflag:s6], $0x1  }
0xae: {  	[sflag:s6] =	ssyncadd.s32 @p0 $0xFFFFFFFF  }
0xaf: {  	s7 =	sshll.u32 @!p0 s1, $0xE  }
0xb0: {  	s7 =	sor.u32 @!p0 $0x4000, s7;
	s6 =	simm.s32 @!p0 $0x1B8D  }
0xb1: {  	s5 =	sshll.u32 @!p0 s5, $0x11;
	s7 =	sadd.s32 @!p0 $0x11B8D, s7;
	_ =	swait.eq @!p0 [sflag:s6], $0x1  }
0xb2: {  	s5 =	sor.u32 @!p0 s5, s7;
	[sflag:s6] =	ssyncadd.s32 @!p0 $0xFFFFFFFF  }
0xb3: {  	s25 =	simm.s32 $0x1B8E;
	s24 =	sld [smem:$0x3FFE];
	[sflag:s5] =	ssyncadd.remote.s32 @!p0 $0x1  }
0xb4: {  	s26 =	simm.s32 $execute0_lowered;
	[smem:$0x3FD2] =	sst s25  }
0xb5: {  	s6 =	sshll.u32 s26, $0x1;
	_ =	strace $0x80000049;
	[dreg:$0x1] =	wrdreg $0xFFFFFFFF  }
0xb6: {  	s28 =	simm.s32 $_size_execute0_lowered;
	s4 =	sadd.s32 s4, s6;
	[dreg:$0x0] =	wrdreg $0x0  }
0xb7: {  	s6 =	sshll.u32 s28, $0x1;
	[dreg:$0x2] =	wrdreg s4  }
0xb8: {  	[dreg:$0x3] =	wrdreg s6  }
0xb9: {  	[dreg:$0x4] =	wrdreg $0xC0  }
0xba: {  	_ =	task [dreg:s22], $0x5FFFF  }
0xbb: {  	[dreg:$0x1] =	wrdreg $0xFFFFFFFF  }
0xbc: {  	[dreg:$0x0] =	wrdreg $0x60  }
0xbd: {  	[dreg:$0x2] =	wrdreg s18  }
0xbe: {  	[dreg:$0x3] =	wrdreg s24  }
0xbf: {  	[dreg:$0x4] =	wrdreg $0xB  }
0xc0: {  	_ =	task.clear_ibuf [dreg:s22], $0x5FFFF;
	_ =	strace $0x90000049  }
0xc1: {  	s29 =	simm.s32 $0xB;
	_ =	strace $0x8000004B  }
0xc2: {  	_ =	swait.ge [sflag:s29], $0x1  }
0xc3: {  	[sflag:s29] =	ssyncadd.s32 $0xFFFFFFFF  }
0xc4: {  	_ =	strace $0x9000004B  }
0xc5: {  	_ =	sfence  }
0xc6: {  	s30 =	sld [smem:$0x0];
	_ =	sdelay $0x2  }
0xc7: {  	s31 =	sshll.u32 s1, $0xD;
	s1 =	sshrl.u32 s1, $0x2  }
0xc8: {  	s4 =	sand.u32 $0x4000, s31;
	s1 =	sadd.s32 s1, s30  }
0xc9: {  	s0 =	sor.u32 s4, s0;
	s1 =	sshll.u32 s1, $0x11  }
0xca: {  	s0 =	sor.u32 s1, s0  }
0xcb: {  	s0 =	sadd.s32 $0x8F2B, s0  }
0xcc: {  	[sflag:s0] =	ssyncadd.remote.s32 $0x1  }
0xcd: {  	_ =	sfence.sel $0xFFFF  }
0xce: {  	[dreg:$0x0] =	wrdreg $0xFFFFFFFF;
	(pc) =	sbr.abs _section_cstart, $3  }
0xcf: {  	[dreg:$0x1] =	wrdreg $0xFFFFFFFF  }
0xd0: {  	_ =	task.clear_ibuf [dreg:s22], $0x2FFFF;
	_ =	strace $0x9FFFFFFF  }
0xd1: {  	(tm) =	ssettm $0x7FFFFFFF  }
tec
execute0_lowered:
.L_overlay_start_1:
0x0: {  	(tag) =	ssettag $0x1  }
0x1: {  	s0 =	srdreg.scid  }
0x2: {  	s2 =	rddreg [dreg:$0x0];
	s3 =	stileid.u32  }
0x3: {  	s1 =	rddreg [dreg:$0x1];
	s15 =	simm.s32 $0x900;
	s16 =	simm.s32 $0x1100  }
0x4: {  	s17 =	simm.s32 $0x1900;
	s18 =	simm.s32 $0x2100;
	s19 =	simm.s32 $0x2900  }
0x5: {  	s20 =	simm.s32 $0x3100;
	s21 =	simm.s32 $0x3900;
	s22 =	simm.s32 $0x4100  }
0x6: {  	s28 =	simm.s32 $0x6900;
	s29 =	simm.s32 $0x7100;
	s30 =	simm.s32 $0x7900  }
0x7: {  	s31 =	simm.s32 $0x8100;
	s9 =	simm.s32 $0xA100;
	s10 =	simm.s32 $0xB100  }
0x8: {  	s11 =	simm.s32 $0xB900;
	s12 =	simm.s32 $0xC100;
	s0 =	sand.u32 $0x1, s0  }
0x9: {  	s4 =	sshll.u32 s3, $0x6;
	s3 =	simm.s32 $0x0;
	s5 =	sshll.u32 s0, $0x5  }
0xa: {  	s13 =	simm.s32 $0x1;
	[smem:$0x7FF] =	sst s3;
	s4 =	sor.u32 s5, s4  }
0xb: {  	s0 =	ssub.s32 $0x2, s0;
	_ =	strace $0x8000004A;
	s5 =	smul.u32 $0x300, s4  }
0xc: {  	s25 =	sshrl.u32 s0, $0x1;
	s6 =	smul.u32 $0x1800, s4;
	s4 =	sadd.s32 s4, s1  }
0xd: {  	s1 =	sadd.s32 $0xC4200, s1;
	s0 =	ssub.s32 s0, s25;
	s25 =	simm.s32 $0x5900  }
0xe: {  	s4 =	sadd.s32 $0x3A00, s4;
	s8 =	smax.u32 s0, $0x1;
	s7 =	sadd.s32 s1, s5  }
0xf: {  	s23 =	sshrl.u32 s6, $0x3;
	[dreg:$0x3] =	wrdreg s4;
	s5 =	sadd.s32 $0x100, s2  }
0x10: {  	[dreg:$0x7] =	wrdreg s7;
	s24 =	sadd.s32 $0x1800, s7;
	s1 =	sadd.s32 s1, s23  }
0x11: {  	v2 =	vlaneseq.u32;
	s6 =	sadd.s32 $0x200, s2;
	[dreg:$0x4] =	wrdreg s24;
	s26 =	sadd.s32 $0x3000, s1  }
0x12: {  	vm0 =	vmmov $0xffff;
	v1 =	vshrl.u32 v2, $0x3;
	s23 =	simm.s32 $0x4900;
	s1 =	sadd.s32 $0x4800, s1;
	[dreg:$0x5] =	wrdreg s26  }
0x13: {  	v0 =	vand.u32 $0x7, v2;
	v2 =	vor.u32 $0x8, v2;
	v1 =	vmul.u32 $0x8, v1;
	s24 =	simm.s32 $0x5100;
	[dreg:$0x6] =	wrdreg s1;
	s26 =	simm.s32 $0x6100  }
.LBB2_1:
0x14: {  	s14 =	rddreg [dreg:$0x3];
	s0 =	simm.s32 $0x5  }
0x15: {  	[tilespmem:s3], [sflag:$0x5] =	stream.linear.gather [hbm4b:s14+s3], $0x100, $0x38;
	[tilespmem:$0x18100] =	vst v63  }
0x16: {  	_ =	swait.ge [sflag:s0], $0x100  }
0x17: {  	[sflag:s0] =	ssyncset.done $0x0  }
0x18: {  	[sflag:s0] =	ssyncadd.s32 $0xFFFFFF00  }
0x19: {  	v3 =	vld [tilespmem:$0x0];
	_ =	sdelay $0x4  }
0x1a: {  	v4 =	vshrl.u32 v3, $0x3  }
0x1b: {  	v4 =	vmul.u32 $0x30, v4  }
0x1c: {  	v3 =	vand.u32 $0x7, v3  }
0x1d: {  	v3 =	vor.u32 v3, v4  }
0x1e: {  	v4 =	vperm.xlane v3, v0;
	_ =	sdelay $0x1  }
0x1f: {  	v4 =	vadd.s32 v1, v4;
	_ =	sdelay $0x3  }
0x20: {  	s1 =	simm.s32 $0x100;
	v3 =	vperm.xlane v3, v2  }
0x21: {  	[tilespmem:s1], [sflag:$0x1] =	stream.indirect_vreg.gather [hbm4b:s2+s3], $0x80, v4, vm0, $0xb8;
	[tilespmem:$0x18100] =	vst v63  }
0x22: {  	v3 =	vadd.s32 v1, v3  }
0x23: {  	[tilespmem:s15], [sflag:$0x1] =	stream.indirect_vreg.gather [hbm4b:s5+s3], $0x80, v4, vm0, $0xb8;
	[tilespmem:$0x18100] =	vst v63  }
0x24: {  	_ = 	snop  }
0x25: {  	[tilespmem:s16], [sflag:$0x1] =	stream.indirect_vreg.gather [hbm4b:s6+s3], $0x80, v4, vm0, $0xb8;
	[tilespmem:$0x18100] =	vst v63  }
0x26: {  	_ = 	snop  }
0x27: {  	[tilespmem:s17], [sflag:$0x1] =	stream.indirect_vreg.gather [hbm4b:s2+s3], $0x80, v3, vm0, $0xb8;
	[tilespmem:$0x18100] =	vst v63  }
0x28: {  	_ = 	snop  }
0x29: {  	[tilespmem:s18], [sflag:$0x1] =	stream.indirect_vreg.gather [hbm4b:s5+s3], $0x80, v3, vm0, $0xb8;
	[tilespmem:$0x18100] =	vst v63  }
0x2a: {  	_ = 	snop  }
0x2b: {  	[tilespmem:s19], [sflag:$0x1] =	stream.indirect_vreg.gather [hbm4b:s6+s3], $0x80, v3, vm0, $0xb8;
	[tilespmem:$0x18100] =	vst v63  }
0x2c: {  	v3 =	vld [tilespmem:$0x10];
	_ =	sdelay $0x4  }
0x2d: {  	v49 =	vshrl.u32 v3, $0x3  }
0x2e: {  	v4 =	vmul.u32 $0x30, v49  }
0x2f: {  	v3 =	vand.u32 $0x7, v3  }
0x30: {  	v3 =	vor.u32 v3, v4  }
0x31: {  	v4 =	vperm.xlane v3, v0;
	_ =	sdelay $0x1  }
0x32: {  	v4 =	vadd.s32 v1, v4;
	_ =	sdelay $0x3  }
0x33: {  	v3 =	vperm.xlane v3, v2  }
0x34: {  	[tilespmem:s20], [sflag:$0x1] =	stream.indirect_vreg.gather [hbm4b:s2+s3], $0x80, v4, vm0, $0xb8;
	[tilespmem:$0x18100] =	vst v63  }
0x35: {  	v3 =	vadd.s32 v1, v3  }
0x36: {  	[tilespmem:s21], [sflag:$0x1] =	stream.indirect_vreg.gather [hbm4b:s5+s3], $0x80, v4, vm0, $0xb8;
	[tilespmem:$0x18100] =	vst v63  }
0x37: {  	_ = 	snop  }
0x38: {  	[tilespmem:s22], [sflag:$0x1] =	stream.indirect_vreg.gather [hbm4b:s6+s3], $0x80, v4, vm0, $0xb8;
	[tilespmem:$0x18100] =	vst v63  }
0x39: {  	_ = 	snop  }
0x3a: {  	[tilespmem:s23], [sflag:$0x1] =	stream.indirect_vreg.gather [hbm4b:s2+s3], $0x80, v3, vm0, $0xb8;
	[tilespmem:$0x18100] =	vst v63  }
0x3b: {  	_ = 	snop  }
0x3c: {  	[tilespmem:s24], [sflag:$0x1] =	stream.indirect_vreg.gather [hbm4b:s5+s3], $0x80, v3, vm0, $0xb8;
	[tilespmem:$0x18100] =	vst v63  }
0x3d: {  	_ = 	snop  }
0x3e: {  	[tilespmem:s25], [sflag:$0x1] =	stream.indirect_vreg.gather [hbm4b:s6+s3], $0x80, v3, vm0, $0xb8;
	[tilespmem:$0x18100] =	vst v63  }
0x3f: {  	v3 =	vld [tilespmem:$0x20];
	_ =	sdelay $0x4  }
0x40: {  	v50 =	vshrl.u32 v3, $0x3  }
0x41: {  	v4 =	vmul.u32 $0x30, v50  }
0x42: {  	v3 =	vand.u32 $0x7, v3  }
0x43: {  	v3 =	vor.u32 v3, v4  }
0x44: {  	v4 =	vperm.xlane v3, v0;
	_ =	sdelay $0x1  }
0x45: {  	v4 =	vadd.s32 v1, v4;
	_ =	sdelay $0x3  }
0x46: {  	v3 =	vperm.xlane v3, v2  }
0x47: {  	[tilespmem:s26], [sflag:$0x1] =	stream.indirect_vreg.gather [hbm4b:s2+s3], $0x80, v4, vm0, $0xb8;
	[tilespmem:$0x18100] =	vst v63  }
0x48: {  	v3 =	vadd.s32 v1, v3  }
0x49: {  	[tilespmem:s28], [sflag:$0x1] =	stream.indirect_vreg.gather [hbm4b:s5+s3], $0x80, v4, vm0, $0xb8;
	[tilespmem:$0x18100] =	vst v63  }
0x4a: {  	_ = 	snop  }
0x4b: {  	[tilespmem:s29], [sflag:$0x1] =	stream.indirect_vreg.gather [hbm4b:s6+s3], $0x80, v4, vm0, $0xb8;
	[tilespmem:$0x18100] =	vst v63  }
0x4c: {  	_ = 	snop  }
0x4d: {  	[tilespmem:s30], [sflag:$0x1] =	stream.indirect_vreg.gather [hbm4b:s2+s3], $0x80, v3, vm0, $0xb8;
	[tilespmem:$0x18100] =	vst v63  }
0x4e: {  	_ = 	snop  }
0x4f: {  	[tilespmem:s31], [sflag:$0x1] =	stream.indirect_vreg.gather [hbm4b:s5+s3], $0x80, v3, vm0, $0xb8;
	[tilespmem:$0x18100] =	vst v63  }
0x50: {  	s1 =	simm.s32 $0x8900  }
0x51: {  	[tilespmem:s1], [sflag:$0x1] =	stream.indirect_vreg.gather [hbm4b:s6+s3], $0x80, v3, vm0, $0xb8;
	[tilespmem:$0x18100] =	vst v63  }
0x52: {  	v3 =	vld [tilespmem:$0x30];
	_ =	sdelay $0x4  }
0x53: {  	v51 =	vshrl.u32 v3, $0x3  }
0x54: {  	v4 =	vmul.u32 $0x30, v51  }
0x55: {  	v3 =	vand.u32 $0x7, v3  }
0x56: {  	v3 =	vor.u32 v3, v4  }
0x57: {  	v4 =	vperm.xlane v3, v0;
	_ =	sdelay $0x1  }
0x58: {  	v4 =	vadd.s32 v1, v4;
	_ =	sdelay $0x3  }
0x59: {  	s4 =	simm.s32 $0x9100;
	v3 =	vperm.xlane v3, v2  }
0x5a: {  	[tilespmem:s4], [sflag:$0x1] =	stream.indirect_vreg.gather [hbm4b:s2+s3], $0x80, v4, vm0, $0xb8;
	[tilespmem:$0x18100] =	vst v63  }
0x5b: {  	s7 =	simm.s32 $0x9900;
	v3 =	vadd.s32 v1, v3  }
0x5c: {  	[tilespmem:s7], [sflag:$0x1] =	stream.indirect_vreg.gather [hbm4b:s5+s3], $0x80, v4, vm0, $0xb8;
	[tilespmem:$0x18100] =	vst v63  }
0x5d: {  	_ = 	snop  }
0x5e: {  	[tilespmem:s9], [sflag:$0x1] =	stream.indirect_vreg.gather [hbm4b:s6+s3], $0x80, v4, vm0, $0xb8;
	[tilespmem:$0x18100] =	vst v63  }
0x5f: {  	s4 =	simm.s32 $0xA900  }
0x60: {  	[tilespmem:s4], [sflag:$0x1] =	stream.indirect_vreg.gather [hbm4b:s2+s3], $0x80, v3, vm0, $0xb8;
	[tilespmem:$0x18100] =	vst v63  }
0x61: {  	_ = 	snop  }
0x62: {  	[tilespmem:s10], [sflag:$0x1] =	stream.indirect_vreg.gather [hbm4b:s5+s3], $0x80, v3, vm0, $0xb8;
	[tilespmem:$0x18100] =	vst v63  }
0x63: {  	_ = 	snop  }
0x64: {  	[tilespmem:s11], [sflag:$0x1] =	stream.indirect_vreg.gather [hbm4b:s6+s3], $0x80, v3, vm0, $0xb8;
	[tilespmem:$0x18100] =	vst v63  }
0x65: {  	v3 =	vld [tilespmem:$0x40];
	_ =	sdelay $0x4  }
0x66: {  	v52 =	vshrl.u32 v3, $0x3  }
0x67: {  	v4 =	vmul.u32 $0x30, v52  }
0x68: {  	v3 =	vand.u32 $0x7, v3  }
0x69: {  	v3 =	vor.u32 v3, v4  }
0x6a: {  	v4 =	vperm.xlane v3, v0;
	_ =	sdelay $0x1  }
0x6b: {  	v4 =	vadd.s32 v1, v4;
	_ =	sdelay $0x3  }
0x6c: {  	v3 =	vperm.xlane v3, v2  }
0x6d: {  	[tilespmem:s12], [sflag:$0x2] =	stream.indirect_vreg.gather [hbm4b:s2+s3], $0x80, v4, vm0, $0xb8;
	[tilespmem:$0x18100] =	vst v63  }
0x6e: {  	s14 =	simm.s32 $0xC900;
	v3 =	vadd.s32 v1, v3  }
0x6f: {  	[tilespmem:s14], [sflag:$0x2] =	stream.indirect_vreg.gather [hbm4b:s5+s3], $0x80, v4, vm0, $0xb8;
	[tilespmem:$0x18100] =	vst v63  }
0x70: {  	s7 =	simm.s32 $0xD100  }
0x71: {  	[tilespmem:s7], [sflag:$0x2] =	stream.indirect_vreg.gather [hbm4b:s6+s3], $0x80, v4, vm0, $0xb8;
	[tilespmem:$0x18100] =	vst v63  }
0x72: {  	s14 =	simm.s32 $0xD900  }
0x73: {  	[tilespmem:s14], [sflag:$0x2] =	stream.indirect_vreg.gather [hbm4b:s2+s3], $0x80, v3, vm0, $0xb8;
	[tilespmem:$0x18100] =	vst v63  }
0x74: {  	s7 =	simm.s32 $0xE100  }
0x75: {  	[tilespmem:s7], [sflag:$0x2] =	stream.indirect_vreg.gather [hbm4b:s5+s3], $0x80, v3, vm0, $0xb8;
	[tilespmem:$0x18100] =	vst v63  }
0x76: {  	s14 =	simm.s32 $0xE900  }
0x77: {  	[tilespmem:s14], [sflag:$0x2] =	stream.indirect_vreg.gather [hbm4b:s6+s3], $0x80, v3, vm0, $0xb8;
	[tilespmem:$0x18100] =	vst v63  }
0x78: {  	v3 =	vld [tilespmem:$0x50];
	_ =	sdelay $0x4  }
0x79: {  	v53 =	vshrl.u32 v3, $0x3  }
0x7a: {  	v4 =	vmul.u32 $0x30, v53  }
0x7b: {  	v3 =	vand.u32 $0x7, v3  }
0x7c: {  	v3 =	vor.u32 v3, v4  }
0x7d: {  	v4 =	vperm.xlane v3, v0;
	_ =	sdelay $0x1  }
0x7e: {  	v4 =	vadd.s32 v1, v4;
	_ =	sdelay $0x3  }
0x7f: {  	s7 =	simm.s32 $0xF100;
	v3 =	vperm.xlane v3, v2  }
0x80: {  	[tilespmem:s7], [sflag:$0x2] =	stream.indirect_vreg.gather [hbm4b:s2+s3], $0x80, v4, vm0, $0xb8;
	[tilespmem:$0x18100] =	vst v63  }
0x81: {  	s14 =	simm.s32 $0xF900;
	v3 =	vadd.s32 v1, v3  }
0x82: {  	[tilespmem:s14], [sflag:$0x2] =	stream.indirect_vreg.gather [hbm4b:s5+s3], $0x80, v4, vm0, $0xb8;
	[tilespmem:$0x18100] =	vst v63  }
0x83: {  	s7 =	simm.s32 $0x10100  }
0x84: {  	[tilespmem:s7], [sflag:$0x2] =	stream.indirect_vreg.gather [hbm4b:s6+s3], $0x80, v4, vm0, $0xb8;
	[tilespmem:$0x18100] =	vst v63  }
0x85: {  	s14 =	simm.s32 $0x10900  }
0x86: {  	[tilespmem:s14], [sflag:$0x2] =	stream.indirect_vreg.gather [hbm4b:s2+s3], $0x80, v3, vm0, $0xb8;
	[tilespmem:$0x18100] =	vst v63  }
0x87: {  	s7 =	simm.s32 $0x11100  }
0x88: {  	[tilespmem:s7], [sflag:$0x2] =	stream.indirect_vreg.gather [hbm4b:s5+s3], $0x80, v3, vm0, $0xb8;
	[tilespmem:$0x18100] =	vst v63  }
0x89: {  	s14 =	simm.s32 $0x11900  }
0x8a: {  	[tilespmem:s14], [sflag:$0x2] =	stream.indirect_vreg.gather [hbm4b:s6+s3], $0x80, v3, vm0, $0xb8;
	[tilespmem:$0x18100] =	vst v63  }
0x8b: {  	v3 =	vld [tilespmem:$0x60];
	_ =	sdelay $0x4  }
0x8c: {  	v54 =	vshrl.u32 v3, $0x3  }
0x8d: {  	v4 =	vmul.u32 $0x30, v54  }
0x8e: {  	v3 =	vand.u32 $0x7, v3  }
0x8f: {  	v3 =	vor.u32 v3, v4  }
0x90: {  	v4 =	vperm.xlane v3, v0;
	_ =	sdelay $0x1  }
0x91: {  	v4 =	vadd.s32 v1, v4;
	_ =	sdelay $0x3  }
0x92: {  	s7 =	simm.s32 $0x12100;
	v3 =	vperm.xlane v3, v2  }
0x93: {  	[tilespmem:s7], [sflag:$0x2] =	stream.indirect_vreg.gather [hbm4b:s2+s3], $0x80, v4, vm0, $0xb8;
	[tilespmem:$0x18100] =	vst v63  }
0x94: {  	s14 =	simm.s32 $0x12900;
	v3 =	vadd.s32 v1, v3  }
0x95: {  	[tilespmem:s14], [sflag:$0x2] =	stream.indirect_vreg.gather [hbm4b:s5+s3], $0x80, v4, vm0, $0xb8;
	[tilespmem:$0x18100] =	vst v63  }
0x96: {  	s7 =	simm.s32 $0x13100  }
0x97: {  	[tilespmem:s7], [sflag:$0x2] =	stream.indirect_vreg.gather [hbm4b:s6+s3], $0x80, v4, vm0, $0xb8;
	[tilespmem:$0x18100] =	vst v63  }
0x98: {  	s14 =	simm.s32 $0x13900  }
0x99: {  	[tilespmem:s14], [sflag:$0x2] =	stream.indirect_vreg.gather [hbm4b:s2+s3], $0x80, v3, vm0, $0xb8;
	[tilespmem:$0x18100] =	vst v63  }
0x9a: {  	s7 =	simm.s32 $0x14100  }
0x9b: {  	[tilespmem:s7], [sflag:$0x2] =	stream.indirect_vreg.gather [hbm4b:s5+s3], $0x80, v3, vm0, $0xb8;
	[tilespmem:$0x18100] =	vst v63  }
0x9c: {  	s14 =	simm.s32 $0x14900  }
0x9d: {  	[tilespmem:s14], [sflag:$0x2] =	stream.indirect_vreg.gather [hbm4b:s6+s3], $0x80, v3, vm0, $0xb8;
	[tilespmem:$0x18100] =	vst v63  }
0x9e: {  	v3 =	vld [tilespmem:$0x70];
	_ =	sdelay $0x4  }
0x9f: {  	v55 =	vshrl.u32 v3, $0x3  }
0xa0: {  	v4 =	vmul.u32 $0x30, v55  }
0xa1: {  	v3 =	vand.u32 $0x7, v3  }
0xa2: {  	v3 =	vor.u32 v3, v4  }
0xa3: {  	v4 =	vperm.xlane v3, v0;
	_ =	sdelay $0x1  }
0xa4: {  	v4 =	vadd.s32 v1, v4;
	_ =	sdelay $0x3  }
0xa5: {  	s7 =	simm.s32 $0x15100;
	v3 =	vperm.xlane v3, v2  }
0xa6: {  	[tilespmem:s7], [sflag:$0x2] =	stream.indirect_vreg.gather [hbm4b:s2+s3], $0x80, v4, vm0, $0xb8;
	[tilespmem:$0x18100] =	vst v63  }
0xa7: {  	s14 =	simm.s32 $0x15900;
	v3 =	vadd.s32 v1, v3  }
0xa8: {  	[tilespmem:s14], [sflag:$0x2] =	stream.indirect_vreg.gather [hbm4b:s5+s3], $0x80, v4, vm0, $0xb8;
	[tilespmem:$0x18100] =	vst v63  }
0xa9: {  	s7 =	simm.s32 $0x16100  }
0xaa: {  	[tilespmem:s7], [sflag:$0x2] =	stream.indirect_vreg.gather [hbm4b:s6+s3], $0x80, v4, vm0, $0xb8;
	[tilespmem:$0x18100] =	vst v63  }
0xab: {  	s14 =	simm.s32 $0x16900  }
0xac: {  	[tilespmem:s14], [sflag:$0x2] =	stream.indirect_vreg.gather [hbm4b:s2+s3], $0x80, v3, vm0, $0xb8;
	[tilespmem:$0x18100] =	vst v63  }
0xad: {  	s7 =	simm.s32 $0x17100  }
0xae: {  	[tilespmem:s7], [sflag:$0x2] =	stream.indirect_vreg.gather [hbm4b:s5+s3], $0x80, v3, vm0, $0xb8;
	[tilespmem:$0x18100] =	vst v63  }
0xaf: {  	s14 =	simm.s32 $0x17900  }
0xb0: {  	[tilespmem:s14], [sflag:$0x2] =	stream.indirect_vreg.gather [hbm4b:s6+s3], $0x80, v3, vm0, $0xb8;
	[tilespmem:$0x18100] =	vst v63  }
0xb1: {  	_ =	swait.ge [sflag:s13], $0xC000  }
0xb2: {  	[sflag:s13] =	ssyncset.done $0x0  }
0xb3: {  	s7 =	simm.s32 $0x100;
	s0 =	rddreg [dreg:$0x7];
	[sflag:s13] =	ssyncadd.s32 $0xFFFF4000  }
0xb4: {  	[hbm4b:s0+s3] =	stream.linear.scatter [tilespmem:s7], [sflag:$0x3], $0xC000, $0x38;
	[tilespmem:$0x18100] =	vst v63  }
0xb5: {  	s0 =	simm.s32 $0x3  }
0xb6: {  	_ =	swait.ge [sflag:s0], $0xC000  }
0xb7: {  	[sflag:s0] =	ssyncset.done $0x0  }
0xb8: {  	[sflag:s0] =	ssyncadd.s32 $0xFFFF4000  }
0xb9: {  	v3 =	vld [tilespmem:$0x80];
	_ =	sdelay $0x4  }
0xba: {  	v56 =	vshrl.u32 v3, $0x3  }
0xbb: {  	v4 =	vmul.u32 $0x30, v56  }
0xbc: {  	v3 =	vand.u32 $0x7, v3  }
0xbd: {  	v3 =	vor.u32 v3, v4  }
0xbe: {  	v4 =	vperm.xlane v3, v0;
	_ =	sdelay $0x1  }
0xbf: {  	v4 =	vadd.s32 v1, v4;
	_ =	sdelay $0x3  }
0xc0: {  	v3 =	vperm.xlane v3, v2  }
0xc1: {  	[tilespmem:s7], [sflag:$0x1] =	stream.indirect_vreg.gather [hbm4b:s2+s3], $0x80, v4, vm0, $0xb8;
	[tilespmem:$0x18100] =	vst v63  }
0xc2: {  	v3 =	vadd.s32 v1, v3  }
0xc3: {  	[tilespmem:s15], [sflag:$0x1] =	stream.indirect_vreg.gather [hbm4b:s5+s3], $0x80, v4, vm0, $0xb8;
	[tilespmem:$0x18100] =	vst v63  }
0xc4: {  	_ = 	snop  }
0xc5: {  	[tilespmem:s16], [sflag:$0x1] =	stream.indirect_vreg.gather [hbm4b:s6+s3], $0x80, v4, vm0, $0xb8;
	[tilespmem:$0x18100] =	vst v63  }
0xc6: {  	_ = 	snop  }
0xc7: {  	[tilespmem:s17], [sflag:$0x1] =	stream.indirect_vreg.gather [hbm4b:s2+s3], $0x80, v3, vm0, $0xb8;
	[tilespmem:$0x18100] =	vst v63  }
0xc8: {  	_ = 	snop  }
0xc9: {  	[tilespmem:s18], [sflag:$0x1] =	stream.indirect_vreg.gather [hbm4b:s5+s3], $0x80, v3, vm0, $0xb8;
	[tilespmem:$0x18100] =	vst v63  }
0xca: {  	_ = 	snop  }
0xcb: {  	[tilespmem:s19], [sflag:$0x1] =	stream.indirect_vreg.gather [hbm4b:s6+s3], $0x80, v3, vm0, $0xb8;
	[tilespmem:$0x18100] =	vst v63  }
0xcc: {  	v3 =	vld [tilespmem:$0x90];
	_ =	sdelay $0x4  }
0xcd: {  	v57 =	vshrl.u32 v3, $0x3  }
0xce: {  	v4 =	vmul.u32 $0x30, v57  }
0xcf: {  	v3 =	vand.u32 $0x7, v3  }
0xd0: {  	v3 =	vor.u32 v3, v4  }
0xd1: {  	v4 =	vperm.xlane v3, v0;
	_ =	sdelay $0x1  }
0xd2: {  	v4 =	vadd.s32 v1, v4;
	_ =	sdelay $0x3  }
0xd3: {  	v3 =	vperm.xlane v3, v2  }
0xd4: {  	[tilespmem:s20], [sflag:$0x1] =	stream.indirect_vreg.gather [hbm4b:s2+s3], $0x80, v4, vm0, $0xb8;
	[tilespmem:$0x18100] =	vst v63  }
0xd5: {  	v3 =	vadd.s32 v1, v3  }
0xd6: {  	[tilespmem:s21], [sflag:$0x1] =	stream.indirect_vreg.gather [hbm4b:s5+s3], $0x80, v4, vm0, $0xb8;
	[tilespmem:$0x18100] =	vst v63  }
0xd7: {  	_ = 	snop  }
0xd8: {  	[tilespmem:s22], [sflag:$0x1] =	stream.indirect_vreg.gather [hbm4b:s6+s3], $0x80, v4, vm0, $0xb8;
	[tilespmem:$0x18100] =	vst v63  }
0xd9: {  	_ = 	snop  }
0xda: {  	[tilespmem:s23], [sflag:$0x1] =	stream.indirect_vreg.gather [hbm4b:s2+s3], $0x80, v3, vm0, $0xb8;
	[tilespmem:$0x18100] =	vst v63  }
0xdb: {  	_ = 	snop  }
0xdc: {  	[tilespmem:s24], [sflag:$0x1] =	stream.indirect_vreg.gather [hbm4b:s5+s3], $0x80, v3, vm0, $0xb8;
	[tilespmem:$0x18100] =	vst v63  }
0xdd: {  	_ = 	snop  }
0xde: {  	[tilespmem:s25], [sflag:$0x1] =	stream.indirect_vreg.gather [hbm4b:s6+s3], $0x80, v3, vm0, $0xb8;
	[tilespmem:$0x18100] =	vst v63  }
0xdf: {  	v3 =	vld [tilespmem:$0xA0];
	_ =	sdelay $0x4  }
0xe0: {  	v58 =	vshrl.u32 v3, $0x3  }
0xe1: {  	v4 =	vmul.u32 $0x30, v58  }
0xe2: {  	v3 =	vand.u32 $0x7, v3  }
0xe3: {  	v3 =	vor.u32 v3, v4  }
0xe4: {  	v4 =	vperm.xlane v3, v0;
	_ =	sdelay $0x1  }
0xe5: {  	v4 =	vadd.s32 v1, v4;
	_ =	sdelay $0x3  }
0xe6: {  	v3 =	vperm.xlane v3, v2  }
0xe7: {  	[tilespmem:s26], [sflag:$0x1] =	stream.indirect_vreg.gather [hbm4b:s2+s3], $0x80, v4, vm0, $0xb8;
	[tilespmem:$0x18100] =	vst v63  }
0xe8: {  	v3 =	vadd.s32 v1, v3  }
0xe9: {  	[tilespmem:s28], [sflag:$0x1] =	stream.indirect_vreg.gather [hbm4b:s5+s3], $0x80, v4, vm0, $0xb8;
	[tilespmem:$0x18100] =	vst v63  }
0xea: {  	_ = 	snop  }
0xeb: {  	[tilespmem:s29], [sflag:$0x1] =	stream.indirect_vreg.gather [hbm4b:s6+s3], $0x80, v4, vm0, $0xb8;
	[tilespmem:$0x18100] =	vst v63  }
0xec: {  	_ = 	snop  }
0xed: {  	[tilespmem:s30], [sflag:$0x1] =	stream.indirect_vreg.gather [hbm4b:s2+s3], $0x80, v3, vm0, $0xb8;
	[tilespmem:$0x18100] =	vst v63  }
0xee: {  	_ = 	snop  }
0xef: {  	[tilespmem:s31], [sflag:$0x1] =	stream.indirect_vreg.gather [hbm4b:s5+s3], $0x80, v3, vm0, $0xb8;
	[tilespmem:$0x18100] =	vst v63  }
0xf0: {  	_ = 	snop  }
0xf1: {  	[tilespmem:s1], [sflag:$0x1] =	stream.indirect_vreg.gather [hbm4b:s6+s3], $0x80, v3, vm0, $0xb8;
	[tilespmem:$0x18100] =	vst v63  }
0xf2: {  	v3 =	vld [tilespmem:$0xB0];
	_ =	sdelay $0x4  }
0xf3: {  	v59 =	vshrl.u32 v3, $0x3  }
0xf4: {  	v4 =	vmul.u32 $0x30, v59  }
0xf5: {  	v3 =	vand.u32 $0x7, v3  }
0xf6: {  	v3 =	vor.u32 v3, v4  }
0xf7: {  	v4 =	vperm.xlane v3, v0;
	_ =	sdelay $0x1  }
0xf8: {  	v4 =	vadd.s32 v1, v4;
	_ =	sdelay $0x3  }
0xf9: {  	s7 =	simm.s32 $0x9100;
	v3 =	vperm.xlane v3, v2  }
0xfa: {  	[tilespmem:s7], [sflag:$0x1] =	stream.indirect_vreg.gather [hbm4b:s2+s3], $0x80, v4, vm0, $0xb8;
	[tilespmem:$0x18100] =	vst v63  }
0xfb: {  	s14 =	simm.s32 $0x9900;
	v3 =	vadd.s32 v1, v3  }
0xfc: {  	[tilespmem:s14], [sflag:$0x1] =	stream.indirect_vreg.gather [hbm4b:s5+s3], $0x80, v4, vm0, $0xb8;
	[tilespmem:$0x18100] =	vst v63  }
0xfd: {  	_ = 	snop  }
0xfe: {  	[tilespmem:s9], [sflag:$0x1] =	stream.indirect_vreg.gather [hbm4b:s6+s3], $0x80, v4, vm0, $0xb8;
	[tilespmem:$0x18100] =	vst v63  }
0xff: {  	_ = 	snop  }
0x100: {  	[tilespmem:s4], [sflag:$0x1] =	stream.indirect_vreg.gather [hbm4b:s2+s3], $0x80, v3, vm0, $0xb8;
	[tilespmem:$0x18100] =	vst v63  }
0x101: {  	_ = 	snop  }
0x102: {  	[tilespmem:s10], [sflag:$0x1] =	stream.indirect_vreg.gather [hbm4b:s5+s3], $0x80, v3, vm0, $0xb8;
	[tilespmem:$0x18100] =	vst v63  }
0x103: {  	s1 =	simm.s32 $0x2  }
0x104: {  	[tilespmem:s11], [sflag:$0x1] =	stream.indirect_vreg.gather [hbm4b:s6+s3], $0x80, v3, vm0, $0xb8;
	[tilespmem:$0x18100] =	vst v63  }
0x105: {  	_ =	swait.ge [sflag:s1], $0xC000  }
0x106: {  	[sflag:s1] =	ssyncset.done $0x0  }
0x107: {  	s4 =	simm.s32 $0x4;
	s7 =	rddreg [dreg:$0x4];
	[sflag:s1] =	ssyncadd.s32 $0xFFFF4000  }
0x108: {  	[hbm4b:s7+s3] =	stream.linear.scatter [tilespmem:s12], [sflag:$0x4], $0xC000, $0x38;
	[tilespmem:$0x18100] =	vst v63  }
0x109: {  	_ =	swait.ge [sflag:s4], $0xC000  }
0x10a: {  	[sflag:s4] =	ssyncset.done $0x0  }
0x10b: {  	[sflag:s4] =	ssyncadd.s32 $0xFFFF4000  }
0x10c: {  	v3 =	vld [tilespmem:$0xC0];
	_ =	sdelay $0x4  }
0x10d: {  	v60 =	vshrl.u32 v3, $0x3  }
0x10e: {  	v4 =	vmul.u32 $0x30, v60  }
0x10f: {  	v3 =	vand.u32 $0x7, v3  }
0x110: {  	v3 =	vor.u32 v3, v4  }
0x111: {  	v4 =	vperm.xlane v3, v0;
	_ =	sdelay $0x1  }
0x112: {  	v4 =	vadd.s32 v1, v4;
	_ =	sdelay $0x3  }
0x113: {  	v3 =	vperm.xlane v3, v2  }
0x114: {  	[tilespmem:s12], [sflag:$0x2] =	stream.indirect_vreg.gather [hbm4b:s2+s3], $0x80, v4, vm0, $0xb8;
	[tilespmem:$0x18100] =	vst v63  }
0x115: {  	s14 =	simm.s32 $0xC900;
	v3 =	vadd.s32 v1, v3  }
0x116: {  	[tilespmem:s14], [sflag:$0x2] =	stream.indirect_vreg.gather [hbm4b:s5+s3], $0x80, v4, vm0, $0xb8;
	[tilespmem:$0x18100] =	vst v63  }
0x117: {  	s14 =	simm.s32 $0xD100  }
0x118: {  	[tilespmem:s14], [sflag:$0x2] =	stream.indirect_vreg.gather [hbm4b:s6+s3], $0x80, v4, vm0, $0xb8;
	[tilespmem:$0x18100] =	vst v63  }
0x119: {  	s14 =	simm.s32 $0xD900  }
0x11a: {  	[tilespmem:s14], [sflag:$0x2] =	stream.indirect_vreg.gather [hbm4b:s2+s3], $0x80, v3, vm0, $0xb8;
	[tilespmem:$0x18100] =	vst v63  }
0x11b: {  	s14 =	simm.s32 $0xE100  }
0x11c: {  	[tilespmem:s14], [sflag:$0x2] =	stream.indirect_vreg.gather [hbm4b:s5+s3], $0x80, v3, vm0, $0xb8;
	[tilespmem:$0x18100] =	vst v63  }
0x11d: {  	s14 =	simm.s32 $0xE900  }
0x11e: {  	[tilespmem:s14], [sflag:$0x2] =	stream.indirect_vreg.gather [hbm4b:s6+s3], $0x80, v3, vm0, $0xb8;
	[tilespmem:$0x18100] =	vst v63  }
0x11f: {  	v3 =	vld [tilespmem:$0xD0];
	_ =	sdelay $0x4  }
0x120: {  	v61 =	vshrl.u32 v3, $0x3  }
0x121: {  	v4 =	vmul.u32 $0x30, v61  }
0x122: {  	v3 =	vand.u32 $0x7, v3  }
0x123: {  	v3 =	vor.u32 v3, v4  }
0x124: {  	v4 =	vperm.xlane v3, v0;
	_ =	sdelay $0x1  }
0x125: {  	v4 =	vadd.s32 v1, v4;
	_ =	sdelay $0x3  }
0x126: {  	s14 =	simm.s32 $0xF100;
	v3 =	vperm.xlane v3, v2  }
0x127: {  	[tilespmem:s14], [sflag:$0x2] =	stream.indirect_vreg.gather [hbm4b:s2+s3], $0x80, v4, vm0, $0xb8;
	[tilespmem:$0x18100] =	vst v63  }
0x128: {  	v3 =	vadd.s32 v1, v3;
	s14 =	simm.s32 $0xF900  }
0x129: {  	[tilespmem:s14], [sflag:$0x2] =	stream.indirect_vreg.gather [hbm4b:s5+s3], $0x80, v4, vm0, $0xb8;
	[tilespmem:$0x18100] =	vst v63  }
0x12a: {  	s14 =	simm.s32 $0x10100  }
0x12b: {  	[tilespmem:s14], [sflag:$0x2] =	stream.indirect_vreg.gather [hbm4b:s6+s3], $0x80, v4, vm0, $0xb8;
	[tilespmem:$0x18100] =	vst v63  }
0x12c: {  	s14 =	simm.s32 $0x10900  }
0x12d: {  	[tilespmem:s14], [sflag:$0x2] =	stream.indirect_vreg.gather [hbm4b:s2+s3], $0x80, v3, vm0, $0xb8;
	[tilespmem:$0x18100] =	vst v63  }
0x12e: {  	s14 =	simm.s32 $0x11100  }
0x12f: {  	[tilespmem:s14], [sflag:$0x2] =	stream.indirect_vreg.gather [hbm4b:s5+s3], $0x80, v3, vm0, $0xb8;
	[tilespmem:$0x18100] =	vst v63  }
0x130: {  	s14 =	simm.s32 $0x11900  }
0x131: {  	[tilespmem:s14], [sflag:$0x2] =	stream.indirect_vreg.gather [hbm4b:s6+s3], $0x80, v3, vm0, $0xb8;
	[tilespmem:$0x18100] =	vst v63  }
0x132: {  	v3 =	vld [tilespmem:$0xE0];
	_ =	sdelay $0x4  }
0x133: {  	v62 =	vshrl.u32 v3, $0x3  }
0x134: {  	v4 =	vmul.u32 $0x30, v62  }
0x135: {  	v3 =	vand.u32 $0x7, v3  }
0x136: {  	v3 =	vor.u32 v3, v4  }
0x137: {  	v4 =	vperm.xlane v3, v0;
	_ =	sdelay $0x1  }
0x138: {  	v4 =	vadd.s32 v1, v4;
	_ =	sdelay $0x3  }
0x139: {  	s14 =	simm.s32 $0x12100;
	v3 =	vperm.xlane v3, v2  }
0x13a: {  	[tilespmem:s14], [sflag:$0x2] =	stream.indirect_vreg.gather [hbm4b:s2+s3], $0x80, v4, vm0, $0xb8;
	[tilespmem:$0x18100] =	vst v63  }
0x13b: {  	v3 =	vadd.s32 v1, v3;
	s14 =	simm.s32 $0x12900  }
0x13c: {  	[tilespmem:s14], [sflag:$0x2] =	stream.indirect_vreg.gather [hbm4b:s5+s3], $0x80, v4, vm0, $0xb8;
	[tilespmem:$0x18100] =	vst v63  }
0x13d: {  	s14 =	simm.s32 $0x13100  }
0x13e: {  	[tilespmem:s14], [sflag:$0x2] =	stream.indirect_vreg.gather [hbm4b:s6+s3], $0x80, v4, vm0, $0xb8;
	[tilespmem:$0x18100] =	vst v63  }
0x13f: {  	s14 =	simm.s32 $0x13900  }
0x140: {  	[tilespmem:s14], [sflag:$0x2] =	stream.indirect_vreg.gather [hbm4b:s2+s3], $0x80, v3, vm0, $0xb8;
	[tilespmem:$0x18100] =	vst v63  }
0x141: {  	s14 =	simm.s32 $0x14100  }
0x142: {  	[tilespmem:s14], [sflag:$0x2] =	stream.indirect_vreg.gather [hbm4b:s5+s3], $0x80, v3, vm0, $0xb8;
	[tilespmem:$0x18100] =	vst v63  }
0x143: {  	s14 =	simm.s32 $0x14900  }
0x144: {  	[tilespmem:s14], [sflag:$0x2] =	stream.indirect_vreg.gather [hbm4b:s6+s3], $0x80, v3, vm0, $0xb8;
	[tilespmem:$0x18100] =	vst v63  }
0x145: {  	v3 =	vld [tilespmem:$0xF0];
	_ =	sdelay $0x4  }
0x146: {  	v63 =	vshrl.u32 v3, $0x3  }
0x147: {  	v4 =	vmul.u32 $0x30, v63  }
0x148: {  	v3 =	vand.u32 $0x7, v3  }
0x149: {  	v3 =	vor.u32 v3, v4  }
0x14a: {  	v4 =	vperm.xlane v3, v0;
	_ =	sdelay $0x1  }
0x14b: {  	v4 =	vadd.s32 v1, v4;
	_ =	sdelay $0x3  }
0x14c: {  	s14 =	simm.s32 $0x15100;
	v3 =	vperm.xlane v3, v2  }
0x14d: {  	[tilespmem:s14], [sflag:$0x2] =	stream.indirect_vreg.gather [hbm4b:s2+s3], $0x80, v4, vm0, $0xb8;
	[tilespmem:$0x18100] =	vst v63  }
0x14e: {  	v3 =	vadd.s32 v1, v3;
	s14 =	simm.s32 $0x15900  }
0x14f: {  	[tilespmem:s14], [sflag:$0x2] =	stream.indirect_vreg.gather [hbm4b:s5+s3], $0x80, v4, vm0, $0xb8;
	[tilespmem:$0x18100] =	vst v63  }
0x150: {  	s14 =	simm.s32 $0x16100  }
0x151: {  	[tilespmem:s14], [sflag:$0x2] =	stream.indirect_vreg.gather [hbm4b:s6+s3], $0x80, v4, vm0, $0xb8;
	[tilespmem:$0x18100] =	vst v63  }
0x152: {  	s14 =	simm.s32 $0x16900  }
0x153: {  	[tilespmem:s14], [sflag:$0x2] =	stream.indirect_vreg.gather [hbm4b:s2+s3], $0x80, v3, vm0, $0xb8;
	[tilespmem:$0x18100] =	vst v63  }
0x154: {  	s14 =	simm.s32 $0x17100  }
0x155: {  	[tilespmem:s14], [sflag:$0x2] =	stream.indirect_vreg.gather [hbm4b:s5+s3], $0x80, v3, vm0, $0xb8;
	[tilespmem:$0x18100] =	vst v63  }
0x156: {  	s14 =	simm.s32 $0x17900  }
0x157: {  	[tilespmem:s14], [sflag:$0x2] =	stream.indirect_vreg.gather [hbm4b:s6+s3], $0x80, v3, vm0, $0xb8;
	[tilespmem:$0x18100] =	vst v63  }
0x158: {  	_ =	swait.ge [sflag:s13], $0xC000  }
0x159: {  	[sflag:s13] =	ssyncset.done $0x0  }
0x15a: {  	s7 =	simm.s32 $0x100;
	s14 =	rddreg [dreg:$0x5];
	[sflag:s13] =	ssyncadd.s32 $0xFFFF4000  }
0x15b: {  	[hbm4b:s14+s3] =	stream.linear.scatter [tilespmem:s7], [sflag:$0x3], $0xC000, $0x38;
	[tilespmem:$0x18100] =	vst v63  }
0x15c: {  	_ =	swait.ge [sflag:s1], $0xC000  }
0x15d: {  	[sflag:s1] =	ssyncset.done $0x0  }
0x15e: {  	s7 =	rddreg [dreg:$0x6];
	[sflag:s1] =	ssyncadd.s32 $0xFFFF4000  }
0x15f: {  	[hbm4b:s7+s3] =	stream.linear.scatter [tilespmem:s12], [sflag:$0x4], $0xC000, $0x38;
	[tilespmem:$0x18100] =	vst v63  }
0x160: {  	p0 =	sne.s32 s8, $0x1;
	_ =	swait.ge [sflag:s0], $0xC000  }
.Ltmp0:
0x161: {  	[sflag:s0] =	ssyncset.done $0x0;
	(pc) =	sbr.rel @p0 .LBB2_1-.Ltmp0, $4  }
0x162: {  	[sflag:s0] =	ssyncadd.s32 $0xFFFF4000  }
0x163: {  	_ =	swait.ge [sflag:s4], $0xC000  }
0x164: {  	[sflag:s4] =	ssyncset.done $0x0  }
0x165: {  	s8 =	sadd.s32 $0xFFFFFFFF, s8;
	[sflag:s4] =	ssyncadd.s32 $0xFFFF4000  }
0x166: {  	_ =	sfence.sel $0x180000  }
0x167: {  	[bflag:$0x0] =	sbarrier.arrive $0xFFFF  }
0x168: {  	_ =	strace $0x9000004A  }
0x169: {  	s0 =	stileid.u32;
	[bflag:$0x2] =	sbarrier.arrive $0xFFFF  }
0x16a: {  	p0 =	sne.s32 s0, $0x0;
	s0 =	rddreg [dreg:$0x2]  }
0x16b: {  	s0 =	sadd.s32 @!p0 $0x100000, s0  }
0x16c: {  	[sflag:s0] =	ssyncadd.tile.s32 @!p0 $0x1;
	_ =	shalt  }
.Lfunc_end2:
_tile_overlayer_lowered:
.L_overlay_start_2:
0x16d: {  	(tag) =	ssettag $0x2  }
0x16e: {  	s0 =	rddreg [dreg:$0x0];
	s2 =	stileid.u32  }
0x16f: {  	s1 =	rddreg [dreg:$0x1];
	p0 =	sne.s32 s2, $0x0  }
0x170: {  	s3 =	rddreg [dreg:$0x2];
	[bflag:$0x3] =	sbarrier.arrive $0xFFFF;
	s2 =	simm.s32 @!p0 $0x1C05  }
0x171: {  	[timem:s3], [sflag:s2] =	dma.local @!p0 [hbm:s0], s1  }
0x172: {  	s0 =	simm.s32 @!p0 $0x5  }
0x173: {  	_ =	swait.ge @!p0 [sflag:s0], s1  }
0x174: {  	s1 =	ssub.s32 @!p0 $0x0, s1;
	[sflag:s0] =	ssyncset.done @!p0 $0x0  }
0x175: {  	[sflag:s0] =	ssyncadd.s32 @!p0 s1  }
0x176: {  	[bflag:$0x3] =	sbarrier.arrive $0xFFFF  }
0x177: {  	_ =	shalt  }

// kernel: kernel.20.cloned.1.call-start
scs
__scs_entry_jumppad:
0x0: {  	(pc) =	sbr.rel $0x88, $3  }
0x1: {  	(tag) =	ssettag $0x0;
	lr =	simm.s32 $0x1  }
0x2: {  	[smem:$0x3F97] =	sst lr;
	_ =	strace $0xD0000000  }
0x3: {  	_ = 	snop  }
0x4: {  	_ = 	snop  }
0x5: {  	_ = 	snop  }
0x6: {  	_ = 	snop  }
0x7: {  	_ = 	snop  }
__scs_overlays_trampoline_lowered:
0x8: {  	[smem:$0x3FA6] =	sst s0  }
0x9: {  	[smem:$0x3FA7] =	sst s1  }
0xa: {  	[smem:$0x3FA8] =	sst s2  }
0xb: {  	[smem:$0x3FA9] =	sst s3  }
0xc: {  	[smem:$0x3FAA] =	sst s4  }
0xd: {  	[smem:$0x3FAB] =	sst s5  }
0xe: {  	[smem:$0x3FAC] =	sst s6  }
0xf: {  	[smem:$0x3FAD] =	sst s7  }
0x10: {  	[smem:$0x3FAE] =	sst s8  }
0x11: {  	[smem:$0x3FAF] =	sst s9;
	s0 =	simm.s32 @!p0 $0x0  }
0x12: {  	s1 =	sld [smem:$0x3F95];
	s0 =	simm.s32 @p0 $0x1  }
0x13: {  	[smem:$0x3FB0] =	sst s0;
	s0 =	simm.s32 @!p1 $0x0  }
0x14: {  	s2 =	sld [smem:$0x3F94];
	s0 =	simm.s32 @p1 $0x1  }
0x15: {  	[smem:$0x3FB1] =	sst s0;
	s0 =	simm.s32 @!p2 $0x0  }
0x16: {  	s3 =	sld [smem:$0x3FDB];
	s0 =	simm.s32 @p2 $0x1  }
0x17: {  	s4 =	simm.s32 $0x1BF5;
	[smem:$0x3FB3] =	sst s0  }
0x18: {  	s0 =	sld [smem:$0x3F96];
	_ =	swait.ge [sflag:s4], $0x0  }
0x19: {  	s7 =	sld [smem:$0x3F97]  }
0x1a: {  	s8 =	sadd.s32 $0xFFFFE003, lr  }
0x1b: {  	s9 =	sadd.s32 $0xFFFFFEF7, lr;
	s5 =	simm.s32 $0xFFFFFFFF;
	p2 =	slt.u32 s8, $0xFFFFF086  }
0x1c: {  	p1 =	slt.u32 s9, $0xF7A;
	s5 =	simm.s32 @!p2 $0x0  }
0x1d: {  	s5 =	simm.s32 @p1 $0x1;
	p0 =	seq.s32 s7, s2  }
0x1e: {  	s7 =	smul.u32 @!p0 $0xF7A, s2;
	p2 =	seq.s32 @!p0 s5, $0x0  }
0x1f: {  	s9 =	smul.u32 $0xF7A, s1;
	s8 =	simm.s32 @!p0 $0x1BF5;
	p2 =	por !p2, p0  }
0x20: {  	[sflag:s8] =	ssyncset.s32 @!p0 $0xFFFFF086;
	s6 =	sadd.s32 @!p0 s3, s7;
	s7 =	simm.s32 @!p0 $0x108  }
0x21: {  	s3 =	sadd.s32 s3, s9;
	s6 =	sadd.s32 @!p0 $0x88, s6;
	s7 =	simm.s32 @p2 $0x1082  }
0x22: {  	[simem:s7], [sflag:s8] =	dma.local @!p0 [hbm:s6], $0xF7A  }
0x23: {  	s9 =	sor.u32 $0xD0000000, s2;
	s6 =	simm.s32 $0x108;
	_ =	swait.ge @!p0 [sflag:s8], $0x0  }
0x24: {  	s3 =	sadd.s32 $0x88, s3;
	s6 =	simm.s32 @!p1 $0x1082;
	[sflag:s4] =	ssyncset.s32 $0xFFFFF086  }
0x25: {  	[simem:s6], [sflag:s4] =	dma.local [hbm:s3], $0xF7A  }
0x26: {  	[smem:$0x3F97] =	sst s1;
	(tag) =	ssettag s2;
	_ =	strace s9  }
0x27: {  	s1 =	sld [smem:$0x3FA7]  }
0x28: {  	s2 =	sld [smem:$0x3FA8]  }
0x29: {  	s4 =	sld [smem:$0x3FAA]  }
0x2a: {  	p0 =	seq.s32 s5, $0x0;
	s5 =	sld [smem:$0x3FAB]  }
0x2b: {  	s6 =	sld [smem:$0x3FAC]  }
0x2c: {  	s7 =	sld [smem:$0x3FAD]  }
0x2d: {  	s3 =	simm.s32 $0x108;
	s8 =	sld [smem:$0x3FAE]  }
0x2e: {  	s3 =	simm.s32 @!p0 $0x1082;
	s9 =	sld [smem:$0x3FAF]  }
0x2f: {  	lr =	sadd.s32 s0, s3;
	s0 =	sld [smem:$0x3FA6]  }
0x30: {  	s3 =	sld [smem:$0x3FA9]  }
0x31: {  	[smem:$0x3FB2] =	sst s10  }
0x32: {  	s10 =	sld [smem:$0x3FB0];
	_ =	sdelay $0x3  }
0x33: {  	p0 =	seq.s32 s10, $0x1;
	s10 =	sld [smem:$0x3FB2];
	_ =	sdelay $0x3  }
0x34: {  	[smem:$0x3FB2] =	sst s10  }
0x35: {  	s10 =	sld [smem:$0x3FB1];
	_ =	sdelay $0x3  }
0x36: {  	p1 =	seq.s32 s10, $0x1;
	s10 =	sld [smem:$0x3FB2];
	_ =	sdelay $0x3  }
0x37: {  	[smem:$0x3FB2] =	sst s10  }
0x38: {  	s10 =	sld [smem:$0x3FB3]  }
0x39: {  	_ = 	snop;
	(pc) =	sbr.ind lr, $3  }
0x3a: {  	_ = 	snop  }
0x3b: {  	_ = 	snop  }
0x3c: {  	p2 =	seq.s32 s10, $0x1;
	s10 =	sld [smem:$0x3FB2]  }
0x3d: {  	_ =	shalt  }
0x3e: {  	_ =	shalt  }
0x3f: {  	_ =	shalt  }
0x40: {  	_ =	shalt  }
0x41: {  	_ =	shalt  }
0x42: {  	_ =	shalt  }
0x43: {  	_ =	shalt  }
0x44: {  	_ =	shalt  }
0x45: {  	_ =	shalt  }
0x46: {  	_ =	shalt  }
0x47: {  	_ =	shalt  }
0x48: {  	_ =	shalt  }
0x49: {  	_ =	shalt  }
0x4a: {  	_ =	shalt  }
0x4b: {  	_ =	shalt  }
0x4c: {  	_ =	shalt  }
0x4d: {  	_ =	shalt  }
0x4e: {  	_ =	shalt  }
0x4f: {  	_ =	shalt  }
0x50: {  	_ =	shalt  }
0x51: {  	_ =	shalt  }
0x52: {  	_ =	shalt  }
0x53: {  	_ =	shalt  }
0x54: {  	_ =	shalt  }
0x55: {  	_ =	shalt  }
0x56: {  	_ =	shalt  }
0x57: {  	_ =	shalt  }
0x58: {  	_ =	shalt  }
0x59: {  	_ =	shalt  }
0x5a: {  	_ =	shalt  }
0x5b: {  	_ =	shalt  }
0x5c: {  	_ =	shalt  }
0x5d: {  	_ =	shalt  }
0x5e: {  	_ =	shalt  }
0x5f: {  	_ =	shalt  }
0x60: {  	_ =	shalt  }
0x61: {  	_ =	shalt  }
0x62: {  	_ =	shalt  }
0x63: {  	_ =	shalt  }
0x64: {  	_ =	shalt  }
0x65: {  	_ =	shalt  }
0x66: {  	_ =	shalt  }
0x67: {  	_ =	shalt  }
0x68: {  	_ =	shalt  }
0x69: {  	_ =	shalt  }
0x6a: {  	_ =	shalt  }
0x6b: {  	_ =	shalt  }
0x6c: {  	_ =	shalt  }
0x6d: {  	_ =	shalt  }
0x6e: {  	_ =	shalt  }
0x6f: {  	_ =	shalt  }
0x70: {  	_ =	shalt  }
0x71: {  	_ =	shalt  }
0x72: {  	_ =	shalt  }
0x73: {  	_ =	shalt  }
0x74: {  	_ =	shalt  }
0x75: {  	_ =	shalt  }
0x76: {  	_ =	shalt  }
0x77: {  	_ =	shalt  }
0x78: {  	_ =	shalt  }
0x79: {  	_ =	shalt  }
0x7a: {  	_ =	shalt  }
0x7b: {  	_ =	shalt  }
0x7c: {  	_ =	shalt  }
0x7d: {  	_ =	shalt  }
0x7e: {  	_ =	shalt  }
0x7f: {  	_ =	shalt  }
0x80: {  	_ =	shalt  }
0x81: {  	_ =	shalt  }
0x82: {  	_ =	shalt  }
0x83: {  	_ =	shalt  }
0x84: {  	_ =	shalt  }
0x85: {  	_ =	shalt  }
0x86: {  	_ =	shalt  }
0x87: {  	_ =	shalt  }
.Lfunc_end0:
.L_simem_size_0:
called_computation.3_lowered:
.L_overlay_start_0:
0x88: {  	s2 =	sld [smem:$0x3FD9]  }
0x89: {  	s3 =	sld [smem:$0x3FFE];
	_ =	sdelay $0x1  }
0x8a: {  	s1 =	srdreg.scid  }
0x8b: {  	s0 =	sand.u32 $0x1, s1  }
0x8c: {  	s17 =	sshll.u32 s0, $0xA;
	s2 =	sadd.s32 s3, s2  }
0x8d: {  	s2 =	sadd.s32 s2, s17  }
0x8e: {  	[smem:$0x3FBE] =	sst s2  }
0x8f: {  	_ = 	snop  }
0x90: {  	s2 =	sld [smem:$0x3FD0];
	(tm) =	ssettm $0x1  }
0x91: {  	s18 =	sld [smem:$0x3FFB];
	_ =	sdelay $0x3  }
0x92: {  	_ =	strace s18  }
0x93: {  	s3 =	sld [smem:$0x3FFC];
	_ =	sdelay $0x3  }
0x94: {  	_ =	strace s3  }
0x95: {  	s3 =	sld [smem:$0x3FFD];
	_ =	sdelay $0x3  }
0x96: {  	_ =	strace s3  }
0x97: {  	_ =	strace $0x8FFFFFFF  }
0x98: {  	s19 =	sld [smem:$0x3FDB];
	_ =	sdelay $0x1  }
0x99: {  	s4 =	simm.s32 $_scs_section_size  }
0x9a: {  	s5 =	simm.s32 $_size__tile_overlayer_lowered;
	s6 =	simm.s32 $_tile_overlayer_lowered  }
0x9b: {  	s22 =	simm.s32 $0x1BFF;
	s21 =	sshll.u32 s6, $0x1;
	s3 =	sadd.s32 s4, s19  }
0x9c: {  	s7 =	simm.s32 $0x0;
	s20 =	sshll.u32 s5, $0x1;
	s5 =	sadd.s32 s21, s3  }
0x9d: {  	[timem:s7], [sflag:s22] =	dma.local [hbm:s5], s20  }
0x9e: {  	_ =	swait.ge [sflag:s22], s20  }
0x9f: {  	s4 =	ssub.s32 $0x0, s20;
	[sflag:s22] =	ssyncset.done $0x0  }
0xa0: {  	[sflag:s22] =	ssyncadd.s32 s4;
	_ =	sdelay $0x1  }
0xa1: {  	s23 =	simm.s32 $0x1B8B  }
0xa2: {  	_ =	swait.ge [sflag:s23], $0x1  }
0xa3: {  	[sflag:s23] =	ssyncset.done $0x0  }
0xa4: {  	s25 =	simm.s32 $0x1B8E;
	s24 =	sld [smem:$0x3FFE];
	[sflag:s23] =	ssyncadd.s32 $0xFFFFFFFF  }
0xa5: {  	s26 =	simm.s32 $execute0_lowered;
	[smem:$0x3FD2] =	sst s25  }
0xa6: {  	s5 =	sshll.u32 s26, $0x1;
	_ =	strace $0x80000046;
	[dreg:$0x1] =	wrdreg $0xFFFFFFFF  }
0xa7: {  	s28 =	simm.s32 $_size_execute0_lowered;
	s3 =	sadd.s32 s3, s5;
	[dreg:$0x0] =	wrdreg $0x0  }
0xa8: {  	s5 =	sshll.u32 s28, $0x1;
	[dreg:$0x2] =	wrdreg s3  }
0xa9: {  	[dreg:$0x3] =	wrdreg s5  }
0xaa: {  	[dreg:$0x4] =	wrdreg $0xC0  }
0xab: {  	_ =	task [dreg:s7], $0x5FFFF  }
0xac: {  	[dreg:$0x1] =	wrdreg $0xFFFFFFFF  }
0xad: {  	[dreg:$0x0] =	wrdreg $0x60  }
0xae: {  	[dreg:$0x2] =	wrdreg s2  }
0xaf: {  	[dreg:$0x3] =	wrdreg s24  }
0xb0: {  	[dreg:$0x4] =	wrdreg $0xC  }
0xb1: {  	_ =	task.clear_ibuf [dreg:s7], $0x5FFFF;
	_ =	strace $0x90000046  }
0xb2: {  	s29 =	simm.s32 $0xC;
	_ =	strace $0x80000048  }
0xb3: {  	_ =	swait.ge [sflag:s29], $0x1  }
0xb4: {  	[sflag:s29] =	ssyncadd.s32 $0xFFFFFFFF  }
0xb5: {  	_ =	strace $0x90000048  }
0xb6: {  	_ =	sfence  }
0xb7: {  	s30 =	sld [smem:$0x0];
	_ =	sdelay $0x2  }
0xb8: {  	s31 =	sshll.u32 s1, $0xD;
	s1 =	sshrl.u32 s1, $0x2  }
0xb9: {  	s3 =	sand.u32 $0x4000, s31;
	s1 =	sadd.s32 s1, s30  }
0xba: {  	s0 =	sor.u32 s3, s0;
	s1 =	sshll.u32 s1, $0x11  }
0xbb: {  	s0 =	sor.u32 s1, s0  }
0xbc: {  	s0 =	sadd.s32 $0x8F2B, s0  }
0xbd: {  	[sflag:s0] =	ssyncadd.remote.s32 $0x1  }
0xbe: {  	_ =	sfence.sel $0xFFFF  }
0xbf: {  	[dreg:$0x0] =	wrdreg $0xFFFFFFFF;
	(pc) =	sbr.abs _section_cstart, $3  }
0xc0: {  	[dreg:$0x1] =	wrdreg $0xFFFFFFFF  }
0xc1: {  	_ =	task.clear_ibuf [dreg:s7], $0x2FFFF;
	_ =	strace $0x9FFFFFFF  }
0xc2: {  	(tm) =	ssettm $0x7FFFFFFF  }
0xc3: {  	_ =	shalt  }
tec
execute0_lowered:
.L_overlay_start_1:
0x0: {  	(tag) =	ssettag $0x1  }
0x1: {  	s0 =	srdreg.scid  }
0x2: {  	s2 =	rddreg [dreg:$0x0];
	s3 =	stileid.u32  }
0x3: {  	s1 =	rddreg [dreg:$0x1];
	s15 =	simm.s32 $0x900;
	s16 =	simm.s32 $0x1100  }
0x4: {  	s17 =	simm.s32 $0x1900;
	s18 =	simm.s32 $0x2100;
	s19 =	simm.s32 $0x2900  }
0x5: {  	s20 =	simm.s32 $0x3100;
	s21 =	simm.s32 $0x3900;
	s22 =	simm.s32 $0x4100  }
0x6: {  	s28 =	simm.s32 $0x6900;
	s29 =	simm.s32 $0x7100;
	s30 =	simm.s32 $0x7900  }
0x7: {  	s31 =	simm.s32 $0x8100;
	s9 =	simm.s32 $0xA100;
	s10 =	simm.s32 $0xB100  }
0x8: {  	s11 =	simm.s32 $0xB900;
	s12 =	simm.s32 $0xC100;
	s0 =	sand.u32 $0x1, s0  }
0x9: {  	s4 =	sshll.u32 s3, $0x6;
	s3 =	simm.s32 $0x0;
	s5 =	sshll.u32 s0, $0x5  }
0xa: {  	s13 =	simm.s32 $0x1;
	[smem:$0x7FF] =	sst s3;
	s4 =	sor.u32 s5, s4  }
0xb: {  	s0 =	ssub.s32 $0x2, s0;
	_ =	strace $0x80000047;
	s5 =	smul.u32 $0x300, s4  }
0xc: {  	s25 =	sshrl.u32 s0, $0x1;
	s6 =	smul.u32 $0x1800, s4;
	s4 =	sadd.s32 s4, s1  }
0xd: {  	s1 =	sadd.s32 $0x4200, s1;
	s0 =	ssub.s32 s0, s25;
	s25 =	simm.s32 $0x5900  }
0xe: {  	s4 =	sadd.s32 $0x3E00, s4;
	s8 =	smax.u32 s0, $0x1;
	s7 =	sadd.s32 s1, s5  }
0xf: {  	s23 =	sshrl.u32 s6, $0x3;
	[dreg:$0x3] =	wrdreg s4;
	s5 =	sadd.s32 $0x100, s2  }
0x10: {  	[dreg:$0x7] =	wrdreg s7;
	s24 =	sadd.s32 $0x1800, s7;
	s1 =	sadd.s32 s1, s23  }
0x11: {  	v2 =	vlaneseq.u32;
	s6 =	sadd.s32 $0x200, s2;
	[dreg:$0x4] =	wrdreg s24;
	s26 =	sadd.s32 $0x3000, s1  }
0x12: {  	vm0 =	vmmov $0xffff;
	v1 =	vshrl.u32 v2, $0x3;
	s23 =	simm.s32 $0x4900;
	s1 =	sadd.s32 $0x4800, s1;
	[dreg:$0x5] =	wrdreg s26  }
0x13: {  	v0 =	vand.u32 $0x7, v2;
	v2 =	vor.u32 $0x8, v2;
	v1 =	vmul.u32 $0x8, v1;
	s24 =	simm.s32 $0x5100;
	[dreg:$0x6] =	wrdreg s1;
	s26 =	simm.s32 $0x6100  }
.LBB2_1:
0x14: {  	s14 =	rddreg [dreg:$0x3];
	s0 =	simm.s32 $0x5  }
0x15: {  	[tilespmem:s3], [sflag:$0x5] =	stream.linear.gather [hbm4b:s14+s3], $0x100, $0x38;
	[tilespmem:$0x18100] =	vst v63  }
0x16: {  	_ =	swait.ge [sflag:s0], $0x100  }
0x17: {  	[sflag:s0] =	ssyncset.done $0x0  }
0x18: {  	[sflag:s0] =	ssyncadd.s32 $0xFFFFFF00  }
0x19: {  	v3 =	vld [tilespmem:$0x0];
	_ =	sdelay $0x4  }
0x1a: {  	v4 =	vshrl.u32 v3, $0x3  }
0x1b: {  	v4 =	vmul.u32 $0x30, v4  }
0x1c: {  	v3 =	vand.u32 $0x7, v3  }
0x1d: {  	v3 =	vor.u32 v3, v4  }
0x1e: {  	v4 =	vperm.xlane v3, v0;
	_ =	sdelay $0x1  }
0x1f: {  	v4 =	vadd.s32 v1, v4;
	_ =	sdelay $0x3  }
0x20: {  	s1 =	simm.s32 $0x100;
	v3 =	vperm.xlane v3, v2  }
0x21: {  	[tilespmem:s1], [sflag:$0x1] =	stream.indirect_vreg.gather [hbm4b:s2+s3], $0x80, v4, vm0, $0xb8;
	[tilespmem:$0x18100] =	vst v63  }
0x22: {  	v3 =	vadd.s32 v1, v3  }
0x23: {  	[tilespmem:s15], [sflag:$0x1] =	stream.indirect_vreg.gather [hbm4b:s5+s3], $0x80, v4, vm0, $0xb8;
	[tilespmem:$0x18100] =	vst v63  }
0x24: {  	_ = 	snop  }
0x25: {  	[tilespmem:s16], [sflag:$0x1] =	stream.indirect_vreg.gather [hbm4b:s6+s3], $0x80, v4, vm0, $0xb8;
	[tilespmem:$0x18100] =	vst v63  }
0x26: {  	_ = 	snop  }
0x27: {  	[tilespmem:s17], [sflag:$0x1] =	stream.indirect_vreg.gather [hbm4b:s2+s3], $0x80, v3, vm0, $0xb8;
	[tilespmem:$0x18100] =	vst v63  }
0x28: {  	_ = 	snop  }
0x29: {  	[tilespmem:s18], [sflag:$0x1] =	stream.indirect_vreg.gather [hbm4b:s5+s3], $0x80, v3, vm0, $0xb8;
	[tilespmem:$0x18100] =	vst v63  }
0x2a: {  	_ = 	snop  }
0x2b: {  	[tilespmem:s19], [sflag:$0x1] =	stream.indirect_vreg.gather [hbm4b:s6+s3], $0x80, v3, vm0, $0xb8;
	[tilespmem:$0x18100] =	vst v63  }
0x2c: {  	v3 =	vld [tilespmem:$0x10];
	_ =	sdelay $0x4  }
0x2d: {  	v49 =	vshrl.u32 v3, $0x3  }
0x2e: {  	v4 =	vmul.u32 $0x30, v49  }
0x2f: {  	v3 =	vand.u32 $0x7, v3  }
0x30: {  	v3 =	vor.u32 v3, v4  }
0x31: {  	v4 =	vperm.xlane v3, v0;
	_ =	sdelay $0x1  }
0x32: {  	v4 =	vadd.s32 v1, v4;
	_ =	sdelay $0x3  }
0x33: {  	v3 =	vperm.xlane v3, v2  }
0x34: {  	[tilespmem:s20], [sflag:$0x1] =	stream.indirect_vreg.gather [hbm4b:s2+s3], $0x80, v4, vm0, $0xb8;
	[tilespmem:$0x18100] =	vst v63  }
0x35: {  	v3 =	vadd.s32 v1, v3  }
0x36: {  	[tilespmem:s21], [sflag:$0x1] =	stream.indirect_vreg.gather [hbm4b:s5+s3], $0x80, v4, vm0, $0xb8;
	[tilespmem:$0x18100] =	vst v63  }
0x37: {  	_ = 	snop  }
0x38: {  	[tilespmem:s22], [sflag:$0x1] =	stream.indirect_vreg.gather [hbm4b:s6+s3], $0x80, v4, vm0, $0xb8;
	[tilespmem:$0x18100] =	vst v63  }
0x39: {  	_ = 	snop  }
0x3a: {  	[tilespmem:s23], [sflag:$0x1] =	stream.indirect_vreg.gather [hbm4b:s2+s3], $0x80, v3, vm0, $0xb8;
	[tilespmem:$0x18100] =	vst v63  }
0x3b: {  	_ = 	snop  }
0x3c: {  	[tilespmem:s24], [sflag:$0x1] =	stream.indirect_vreg.gather [hbm4b:s5+s3], $0x80, v3, vm0, $0xb8;
	[tilespmem:$0x18100] =	vst v63  }
0x3d: {  	_ = 	snop  }
0x3e: {  	[tilespmem:s25], [sflag:$0x1] =	stream.indirect_vreg.gather [hbm4b:s6+s3], $0x80, v3, vm0, $0xb8;
	[tilespmem:$0x18100] =	vst v63  }
0x3f: {  	v3 =	vld [tilespmem:$0x20];
	_ =	sdelay $0x4  }
0x40: {  	v50 =	vshrl.u32 v3, $0x3  }
0x41: {  	v4 =	vmul.u32 $0x30, v50  }
0x42: {  	v3 =	vand.u32 $0x7, v3  }
0x43: {  	v3 =	vor.u32 v3, v4  }
0x44: {  	v4 =	vperm.xlane v3, v0;
	_ =	sdelay $0x1  }
0x45: {  	v4 =	vadd.s32 v1, v4;
	_ =	sdelay $0x3  }
0x46: {  	v3 =	vperm.xlane v3, v2  }
0x47: {  	[tilespmem:s26], [sflag:$0x1] =	stream.indirect_vreg.gather [hbm4b:s2+s3], $0x80, v4, vm0, $0xb8;
	[tilespmem:$0x18100] =	vst v63  }
0x48: {  	v3 =	vadd.s32 v1, v3  }
0x49: {  	[tilespmem:s28], [sflag:$0x1] =	stream.indirect_vreg.gather [hbm4b:s5+s3], $0x80, v4, vm0, $0xb8;
	[tilespmem:$0x18100] =	vst v63  }
0x4a: {  	_ = 	snop  }
0x4b: {  	[tilespmem:s29], [sflag:$0x1] =	stream.indirect_vreg.gather [hbm4b:s6+s3], $0x80, v4, vm0, $0xb8;
	[tilespmem:$0x18100] =	vst v63  }
0x4c: {  	_ = 	snop  }
0x4d: {  	[tilespmem:s30], [sflag:$0x1] =	stream.indirect_vreg.gather [hbm4b:s2+s3], $0x80, v3, vm0, $0xb8;
	[tilespmem:$0x18100] =	vst v63  }
0x4e: {  	_ = 	snop  }
0x4f: {  	[tilespmem:s31], [sflag:$0x1] =	stream.indirect_vreg.gather [hbm4b:s5+s3], $0x80, v3, vm0, $0xb8;
	[tilespmem:$0x18100] =	vst v63  }
0x50: {  	s1 =	simm.s32 $0x8900  }
0x51: {  	[tilespmem:s1], [sflag:$0x1] =	stream.indirect_vreg.gather [hbm4b:s6+s3], $0x80, v3, vm0, $0xb8;
	[tilespmem:$0x18100] =	vst v63  }
0x52: {  	v3 =	vld [tilespmem:$0x30];
	_ =	sdelay $0x4  }
0x53: {  	v51 =	vshrl.u32 v3, $0x3  }
0x54: {  	v4 =	vmul.u32 $0x30, v51  }
0x55: {  	v3 =	vand.u32 $0x7, v3  }
0x56: {  	v3 =	vor.u32 v3, v4  }
0x57: {  	v4 =	vperm.xlane v3, v0;
	_ =	sdelay $0x1  }
0x58: {  	v4 =	vadd.s32 v1, v4;
	_ =	sdelay $0x3  }
0x59: {  	s4 =	simm.s32 $0x9100;
	v3 =	vperm.xlane v3, v2  }
0x5a: {  	[tilespmem:s4], [sflag:$0x1] =	stream.indirect_vreg.gather [hbm4b:s2+s3], $0x80, v4, vm0, $0xb8;
	[tilespmem:$0x18100] =	vst v63  }
0x5b: {  	s7 =	simm.s32 $0x9900;
	v3 =	vadd.s32 v1, v3  }
0x5c: {  	[tilespmem:s7], [sflag:$0x1] =	stream.indirect_vreg.gather [hbm4b:s5+s3], $0x80, v4, vm0, $0xb8;
	[tilespmem:$0x18100] =	vst v63  }
0x5d: {  	_ = 	snop  }
0x5e: {  	[tilespmem:s9], [sflag:$0x1] =	stream.indirect_vreg.gather [hbm4b:s6+s3], $0x80, v4, vm0, $0xb8;
	[tilespmem:$0x18100] =	vst v63  }
0x5f: {  	s4 =	simm.s32 $0xA900  }
0x60: {  	[tilespmem:s4], [sflag:$0x1] =	stream.indirect_vreg.gather [hbm4b:s2+s3], $0x80, v3, vm0, $0xb8;
	[tilespmem:$0x18100] =	vst v63  }
0x61: {  	_ = 	snop  }
0x62: {  	[tilespmem:s10], [sflag:$0x1] =	stream.indirect_vreg.gather [hbm4b:s5+s3], $0x80, v3, vm0, $0xb8;
	[tilespmem:$0x18100] =	vst v63  }
0x63: {  	_ = 	snop  }
0x64: {  	[tilespmem:s11], [sflag:$0x1] =	stream.indirect_vreg.gather [hbm4b:s6+s3], $0x80, v3, vm0, $0xb8;
	[tilespmem:$0x18100] =	vst v63  }
0x65: {  	v3 =	vld [tilespmem:$0x40];
	_ =	sdelay $0x4  }
0x66: {  	v52 =	vshrl.u32 v3, $0x3  }
0x67: {  	v4 =	vmul.u32 $0x30, v52  }
0x68: {  	v3 =	vand.u32 $0x7, v3  }
0x69: {  	v3 =	vor.u32 v3, v4  }
0x6a: {  	v4 =	vperm.xlane v3, v0;
	_ =	sdelay $0x1  }
0x6b: {  	v4 =	vadd.s32 v1, v4;
	_ =	sdelay $0x3  }
0x6c: {  	v3 =	vperm.xlane v3, v2  }
0x6d: {  	[tilespmem:s12], [sflag:$0x2] =	stream.indirect_vreg.gather [hbm4b:s2+s3], $0x80, v4, vm0, $0xb8;
	[tilespmem:$0x18100] =	vst v63  }
0x6e: {  	s14 =	simm.s32 $0xC900;
	v3 =	vadd.s32 v1, v3  }
0x6f: {  	[tilespmem:s14], [sflag:$0x2] =	stream.indirect_vreg.gather [hbm4b:s5+s3], $0x80, v4, vm0, $0xb8;
	[tilespmem:$0x18100] =	vst v63  }
0x70: {  	s7 =	simm.s32 $0xD100  }
0x71: {  	[tilespmem:s7], [sflag:$0x2] =	stream.indirect_vreg.gather [hbm4b:s6+s3], $0x80, v4, vm0, $0xb8;
	[tilespmem:$0x18100] =	vst v63  }
0x72: {  	s14 =	simm.s32 $0xD900  }
0x73: {  	[tilespmem:s14], [sflag:$0x2] =	stream.indirect_vreg.gather [hbm4b:s2+s3], $0x80, v3, vm0, $0xb8;
	[tilespmem:$0x18100] =	vst v63  }
0x74: {  	s7 =	simm.s32 $0xE100  }
0x75: {  	[tilespmem:s7], [sflag:$0x2] =	stream.indirect_vreg.gather [hbm4b:s5+s3], $0x80, v3, vm0, $0xb8;
	[tilespmem:$0x18100] =	vst v63  }
0x76: {  	s14 =	simm.s32 $0xE900  }
0x77: {  	[tilespmem:s14], [sflag:$0x2] =	stream.indirect_vreg.gather [hbm4b:s6+s3], $0x80, v3, vm0, $0xb8;
	[tilespmem:$0x18100] =	vst v63  }
0x78: {  	v3 =	vld [tilespmem:$0x50];
	_ =	sdelay $0x4  }
0x79: {  	v53 =	vshrl.u32 v3, $0x3  }
0x7a: {  	v4 =	vmul.u32 $0x30, v53  }
0x7b: {  	v3 =	vand.u32 $0x7, v3  }
0x7c: {  	v3 =	vor.u32 v3, v4  }
0x7d: {  	v4 =	vperm.xlane v3, v0;
	_ =	sdelay $0x1  }
0x7e: {  	v4 =	vadd.s32 v1, v4;
	_ =	sdelay $0x3  }
0x7f: {  	s7 =	simm.s32 $0xF100;
	v3 =	vperm.xlane v3, v2  }
0x80: {  	[tilespmem:s7], [sflag:$0x2] =	stream.indirect_vreg.gather [hbm4b:s2+s3], $0x80, v4, vm0, $0xb8;
	[tilespmem:$0x18100] =	vst v63  }
0x81: {  	s14 =	simm.s32 $0xF900;
	v3 =	vadd.s32 v1, v3  }
0x82: {  	[tilespmem:s14], [sflag:$0x2] =	stream.indirect_vreg.gather [hbm4b:s5+s3], $0x80, v4, vm0, $0xb8;
	[tilespmem:$0x18100] =	vst v63  }
0x83: {  	s7 =	simm.s32 $0x10100  }
0x84: {  	[tilespmem:s7], [sflag:$0x2] =	stream.indirect_vreg.gather [hbm4b:s6+s3], $0x80, v4, vm0, $0xb8;
	[tilespmem:$0x18100] =	vst v63  }
0x85: {  	s14 =	simm.s32 $0x10900  }
0x86: {  	[tilespmem:s14], [sflag:$0x2] =	stream.indirect_vreg.gather [hbm4b:s2+s3], $0x80, v3, vm0, $0xb8;
	[tilespmem:$0x18100] =	vst v63  }
0x87: {  	s7 =	simm.s32 $0x11100  }
0x88: {  	[tilespmem:s7], [sflag:$0x2] =	stream.indirect_vreg.gather [hbm4b:s5+s3], $0x80, v3, vm0, $0xb8;
	[tilespmem:$0x18100] =	vst v63  }
0x89: {  	s14 =	simm.s32 $0x11900  }
0x8a: {  	[tilespmem:s14], [sflag:$0x2] =	stream.indirect_vreg.gather [hbm4b:s6+s3], $0x80, v3, vm0, $0xb8;
	[tilespmem:$0x18100] =	vst v63  }
0x8b: {  	v3 =	vld [tilespmem:$0x60];
	_ =	sdelay $0x4  }
0x8c: {  	v54 =	vshrl.u32 v3, $0x3  }
0x8d: {  	v4 =	vmul.u32 $0x30, v54  }
0x8e: {  	v3 =	vand.u32 $0x7, v3  }
0x8f: {  	v3 =	vor.u32 v3, v4  }
0x90: {  	v4 =	vperm.xlane v3, v0;
	_ =	sdelay $0x1  }
0x91: {  	v4 =	vadd.s32 v1, v4;
	_ =	sdelay $0x3  }
0x92: {  	s7 =	simm.s32 $0x12100;
	v3 =	vperm.xlane v3, v2  }
0x93: {  	[tilespmem:s7], [sflag:$0x2] =	stream.indirect_vreg.gather [hbm4b:s2+s3], $0x80, v4, vm0, $0xb8;
	[tilespmem:$0x18100] =	vst v63  }
0x94: {  	s14 =	simm.s32 $0x12900;
	v3 =	vadd.s32 v1, v3  }
0x95: {  	[tilespmem:s14], [sflag:$0x2] =	stream.indirect_vreg.gather [hbm4b:s5+s3], $0x80, v4, vm0, $0xb8;
	[tilespmem:$0x18100] =	vst v63  }
0x96: {  	s7 =	simm.s32 $0x13100  }
0x97: {  	[tilespmem:s7], [sflag:$0x2] =	stream.indirect_vreg.gather [hbm4b:s6+s3], $0x80, v4, vm0, $0xb8;
	[tilespmem:$0x18100] =	vst v63  }
0x98: {  	s14 =	simm.s32 $0x13900  }
0x99: {  	[tilespmem:s14], [sflag:$0x2] =	stream.indirect_vreg.gather [hbm4b:s2+s3], $0x80, v3, vm0, $0xb8;
	[tilespmem:$0x18100] =	vst v63  }
0x9a: {  	s7 =	simm.s32 $0x14100  }
0x9b: {  	[tilespmem:s7], [sflag:$0x2] =	stream.indirect_vreg.gather [hbm4b:s5+s3], $0x80, v3, vm0, $0xb8;
	[tilespmem:$0x18100] =	vst v63  }
0x9c: {  	s14 =	simm.s32 $0x14900  }
0x9d: {  	[tilespmem:s14], [sflag:$0x2] =	stream.indirect_vreg.gather [hbm4b:s6+s3], $0x80, v3, vm0, $0xb8;
	[tilespmem:$0x18100] =	vst v63  }
0x9e: {  	v3 =	vld [tilespmem:$0x70];
	_ =	sdelay $0x4  }
0x9f: {  	v55 =	vshrl.u32 v3, $0x3  }
0xa0: {  	v4 =	vmul.u32 $0x30, v55  }
0xa1: {  	v3 =	vand.u32 $0x7, v3  }
0xa2: {  	v3 =	vor.u32 v3, v4  }
0xa3: {  	v4 =	vperm.xlane v3, v0;
	_ =	sdelay $0x1  }
0xa4: {  	v4 =	vadd.s32 v1, v4;
	_ =	sdelay $0x3  }
0xa5: {  	s7 =	simm.s32 $0x15100;
	v3 =	vperm.xlane v3, v2  }
0xa6: {  	[tilespmem:s7], [sflag:$0x2] =	stream.indirect_vreg.gather [hbm4b:s2+s3], $0x80, v4, vm0, $0xb8;
	[tilespmem:$0x18100] =	vst v63  }
0xa7: {  	s14 =	simm.s32 $0x15900;
	v3 =	vadd.s32 v1, v3  }
0xa8: {  	[tilespmem:s14], [sflag:$0x2] =	stream.indirect_vreg.gather [hbm4b:s5+s3], $0x80, v4, vm0, $0xb8;
	[tilespmem:$0x18100] =	vst v63  }
0xa9: {  	s7 =	simm.s32 $0x16100  }
0xaa: {  	[tilespmem:s7], [sflag:$0x2] =	stream.indirect_vreg.gather [hbm4b:s6+s3], $0x80, v4, vm0, $0xb8;
	[tilespmem:$0x18100] =	vst v63  }
0xab: {  	s14 =	simm.s32 $0x16900  }
0xac: {  	[tilespmem:s14], [sflag:$0x2] =	stream.indirect_vreg.gather [hbm4b:s2+s3], $0x80, v3, vm0, $0xb8;
	[tilespmem:$0x18100] =	vst v63  }
0xad: {  	s7 =	simm.s32 $0x17100  }
0xae: {  	[tilespmem:s7], [sflag:$0x2] =	stream.indirect_vreg.gather [hbm4b:s5+s3], $0x80, v3, vm0, $0xb8;
	[tilespmem:$0x18100] =	vst v63  }
0xaf: {  	s14 =	simm.s32 $0x17900  }
0xb0: {  	[tilespmem:s14], [sflag:$0x2] =	stream.indirect_vreg.gather [hbm4b:s6+s3], $0x80, v3, vm0, $0xb8;
	[tilespmem:$0x18100] =	vst v63  }
0xb1: {  	_ =	swait.ge [sflag:s13], $0xC000  }
0xb2: {  	[sflag:s13] =	ssyncset.done $0x0  }
0xb3: {  	s7 =	simm.s32 $0x100;
	s0 =	rddreg [dreg:$0x7];
	[sflag:s13] =	ssyncadd.s32 $0xFFFF4000  }
0xb4: {  	[hbm4b:s0+s3] =	stream.linear.scatter [tilespmem:s7], [sflag:$0x3], $0xC000, $0x38;
	[tilespmem:$0x18100] =	vst v63  }
0xb5: {  	s0 =	simm.s32 $0x3  }
0xb6: {  	_ =	swait.ge [sflag:s0], $0xC000  }
0xb7: {  	[sflag:s0] =	ssyncset.done $0x0  }
0xb8: {  	[sflag:s0] =	ssyncadd.s32 $0xFFFF4000  }
0xb9: {  	v3 =	vld [tilespmem:$0x80];
	_ =	sdelay $0x4  }
0xba: {  	v56 =	vshrl.u32 v3, $0x3  }
0xbb: {  	v4 =	vmul.u32 $0x30, v56  }
0xbc: {  	v3 =	vand.u32 $0x7, v3  }
0xbd: {  	v3 =	vor.u32 v3, v4  }
0xbe: {  	v4 =	vperm.xlane v3, v0;
	_ =	sdelay $0x1  }
0xbf: {  	v4 =	vadd.s32 v1, v4;
	_ =	sdelay $0x3  }
0xc0: {  	v3 =	vperm.xlane v3, v2  }
0xc1: {  	[tilespmem:s7], [sflag:$0x1] =	stream.indirect_vreg.gather [hbm4b:s2+s3], $0x80, v4, vm0, $0xb8;
	[tilespmem:$0x18100] =	vst v63  }
0xc2: {  	v3 =	vadd.s32 v1, v3  }
0xc3: {  	[tilespmem:s15], [sflag:$0x1] =	stream.indirect_vreg.gather [hbm4b:s5+s3], $0x80, v4, vm0, $0xb8;
	[tilespmem:$0x18100] =	vst v63  }
0xc4: {  	_ = 	snop  }
0xc5: {  	[tilespmem:s16], [sflag:$0x1] =	stream.indirect_vreg.gather [hbm4b:s6+s3], $0x80, v4, vm0, $0xb8;
	[tilespmem:$0x18100] =	vst v63  }
0xc6: {  	_ = 	snop  }
0xc7: {  	[tilespmem:s17], [sflag:$0x1] =	stream.indirect_vreg.gather [hbm4b:s2+s3], $0x80, v3, vm0, $0xb8;
	[tilespmem:$0x18100] =	vst v63  }
0xc8: {  	_ = 	snop  }
0xc9: {  	[tilespmem:s18], [sflag:$0x1] =	stream.indirect_vreg.gather [hbm4b:s5+s3], $0x80, v3, vm0, $0xb8;
	[tilespmem:$0x18100] =	vst v63  }
0xca: {  	_ = 	snop  }
0xcb: {  	[tilespmem:s19], [sflag:$0x1] =	stream.indirect_vreg.gather [hbm4b:s6+s3], $0x80, v3, vm0, $0xb8;
	[tilespmem:$0x18100] =	vst v63  }
0xcc: {  	v3 =	vld [tilespmem:$0x90];
	_ =	sdelay $0x4  }
0xcd: {  	v57 =	vshrl.u32 v3, $0x3  }
0xce: {  	v4 =	vmul.u32 $0x30, v57  }
0xcf: {  	v3 =	vand.u32 $0x7, v3  }
0xd0: {  	v3 =	vor.u32 v3, v4  }
0xd1: {  	v4 =	vperm.xlane v3, v0;
	_ =	sdelay $0x1  }
0xd2: {  	v4 =	vadd.s32 v1, v4;
	_ =	sdelay $0x3  }
0xd3: {  	v3 =	vperm.xlane v3, v2  }
0xd4: {  	[tilespmem:s20], [sflag:$0x1] =	stream.indirect_vreg.gather [hbm4b:s2+s3], $0x80, v4, vm0, $0xb8;
	[tilespmem:$0x18100] =	vst v63  }
0xd5: {  	v3 =	vadd.s32 v1, v3  }
0xd6: {  	[tilespmem:s21], [sflag:$0x1] =	stream.indirect_vreg.gather [hbm4b:s5+s3], $0x80, v4, vm0, $0xb8;
	[tilespmem:$0x18100] =	vst v63  }
0xd7: {  	_ = 	snop  }
0xd8: {  	[tilespmem:s22], [sflag:$0x1] =	stream.indirect_vreg.gather [hbm4b:s6+s3], $0x80, v4, vm0, $0xb8;
	[tilespmem:$0x18100] =	vst v63  }
0xd9: {  	_ = 	snop  }
0xda: {  	[tilespmem:s23], [sflag:$0x1] =	stream.indirect_vreg.gather [hbm4b:s2+s3], $0x80, v3, vm0, $0xb8;
	[tilespmem:$0x18100] =	vst v63  }
0xdb: {  	_ = 	snop  }
0xdc: {  	[tilespmem:s24], [sflag:$0x1] =	stream.indirect_vreg.gather [hbm4b:s5+s3], $0x80, v3, vm0, $0xb8;
	[tilespmem:$0x18100] =	vst v63  }
0xdd: {  	_ = 	snop  }
0xde: {  	[tilespmem:s25], [sflag:$0x1] =	stream.indirect_vreg.gather [hbm4b:s6+s3], $0x80, v3, vm0, $0xb8;
	[tilespmem:$0x18100] =	vst v63  }
0xdf: {  	v3 =	vld [tilespmem:$0xA0];
	_ =	sdelay $0x4  }
0xe0: {  	v58 =	vshrl.u32 v3, $0x3  }
0xe1: {  	v4 =	vmul.u32 $0x30, v58  }
0xe2: {  	v3 =	vand.u32 $0x7, v3  }
0xe3: {  	v3 =	vor.u32 v3, v4  }
0xe4: {  	v4 =	vperm.xlane v3, v0;
	_ =	sdelay $0x1  }
0xe5: {  	v4 =	vadd.s32 v1, v4;
	_ =	sdelay $0x3  }
0xe6: {  	v3 =	vperm.xlane v3, v2  }
0xe7: {  	[tilespmem:s26], [sflag:$0x1] =	stream.indirect_vreg.gather [hbm4b:s2+s3], $0x80, v4, vm0, $0xb8;
	[tilespmem:$0x18100] =	vst v63  }
0xe8: {  	v3 =	vadd.s32 v1, v3  }
0xe9: {  	[tilespmem:s28], [sflag:$0x1] =	stream.indirect_vreg.gather [hbm4b:s5+s3], $0x80, v4, vm0, $0xb8;
	[tilespmem:$0x18100] =	vst v63  }
0xea: {  	_ = 	snop  }
0xeb: {  	[tilespmem:s29], [sflag:$0x1] =	stream.indirect_vreg.gather [hbm4b:s6+s3], $0x80, v4, vm0, $0xb8;
	[tilespmem:$0x18100] =	vst v63  }
0xec: {  	_ = 	snop  }
0xed: {  	[tilespmem:s30], [sflag:$0x1] =	stream.indirect_vreg.gather [hbm4b:s2+s3], $0x80, v3, vm0, $0xb8;
	[tilespmem:$0x18100] =	vst v63  }
0xee: {  	_ = 	snop  }
0xef: {  	[tilespmem:s31], [sflag:$0x1] =	stream.indirect_vreg.gather [hbm4b:s5+s3], $0x80, v3, vm0, $0xb8;
	[tilespmem:$0x18100] =	vst v63  }
0xf0: {  	_ = 	snop  }
0xf1: {  	[tilespmem:s1], [sflag:$0x1] =	stream.indirect_vreg.gather [hbm4b:s6+s3], $0x80, v3, vm0, $0xb8;
	[tilespmem:$0x18100] =	vst v63  }
0xf2: {  	v3 =	vld [tilespmem:$0xB0];
	_ =	sdelay $0x4  }
0xf3: {  	v59 =	vshrl.u32 v3, $0x3  }
0xf4: {  	v4 =	vmul.u32 $0x30, v59  }
0xf5: {  	v3 =	vand.u32 $0x7, v3  }
0xf6: {  	v3 =	vor.u32 v3, v4  }
0xf7: {  	v4 =	vperm.xlane v3, v0;
	_ =	sdelay $0x1  }
0xf8: {  	v4 =	vadd.s32 v1, v4;
	_ =	sdelay $0x3  }
0xf9: {  	s7 =	simm.s32 $0x9100;
	v3 =	vperm.xlane v3, v2  }
0xfa: {  	[tilespmem:s7], [sflag:$0x1] =	stream.indirect_vreg.gather [hbm4b:s2+s3], $0x80, v4, vm0, $0xb8;
	[tilespmem:$0x18100] =	vst v63  }
0xfb: {  	s14 =	simm.s32 $0x9900;
	v3 =	vadd.s32 v1, v3  }
0xfc: {  	[tilespmem:s14], [sflag:$0x1] =	stream.indirect_vreg.gather [hbm4b:s5+s3], $0x80, v4, vm0, $0xb8;
	[tilespmem:$0x18100] =	vst v63  }
0xfd: {  	_ = 	snop  }
0xfe: {  	[tilespmem:s9], [sflag:$0x1] =	stream.indirect_vreg.gather [hbm4b:s6+s3], $0x80, v4, vm0, $0xb8;
	[tilespmem:$0x18100] =	vst v63  }
0xff: {  	_ = 	snop  }
0x100: {  	[tilespmem:s4], [sflag:$0x1] =	stream.indirect_vreg.gather [hbm4b:s2+s3], $0x80, v3, vm0, $0xb8;
	[tilespmem:$0x18100] =	vst v63  }
0x101: {  	_ = 	snop  }
0x102: {  	[tilespmem:s10], [sflag:$0x1] =	stream.indirect_vreg.gather [hbm4b:s5+s3], $0x80, v3, vm0, $0xb8;
	[tilespmem:$0x18100] =	vst v63  }
0x103: {  	s1 =	simm.s32 $0x2  }
0x104: {  	[tilespmem:s11], [sflag:$0x1] =	stream.indirect_vreg.gather [hbm4b:s6+s3], $0x80, v3, vm0, $0xb8;
	[tilespmem:$0x18100] =	vst v63  }
0x105: {  	_ =	swait.ge [sflag:s1], $0xC000  }
0x106: {  	[sflag:s1] =	ssyncset.done $0x0  }
0x107: {  	s4 =	simm.s32 $0x4;
	s7 =	rddreg [dreg:$0x4];
	[sflag:s1] =	ssyncadd.s32 $0xFFFF4000  }
0x108: {  	[hbm4b:s7+s3] =	stream.linear.scatter [tilespmem:s12], [sflag:$0x4], $0xC000, $0x38;
	[tilespmem:$0x18100] =	vst v63  }
0x109: {  	_ =	swait.ge [sflag:s4], $0xC000  }
0x10a: {  	[sflag:s4] =	ssyncset.done $0x0  }
0x10b: {  	[sflag:s4] =	ssyncadd.s32 $0xFFFF4000  }
0x10c: {  	v3 =	vld [tilespmem:$0xC0];
	_ =	sdelay $0x4  }
0x10d: {  	v60 =	vshrl.u32 v3, $0x3  }
0x10e: {  	v4 =	vmul.u32 $0x30, v60  }
0x10f: {  	v3 =	vand.u32 $0x7, v3  }
0x110: {  	v3 =	vor.u32 v3, v4  }
0x111: {  	v4 =	vperm.xlane v3, v0;
	_ =	sdelay $0x1  }
0x112: {  	v4 =	vadd.s32 v1, v4;
	_ =	sdelay $0x3  }
0x113: {  	v3 =	vperm.xlane v3, v2  }
0x114: {  	[tilespmem:s12], [sflag:$0x2] =	stream.indirect_vreg.gather [hbm4b:s2+s3], $0x80, v4, vm0, $0xb8;
	[tilespmem:$0x18100] =	vst v63  }
0x115: {  	s14 =	simm.s32 $0xC900;
	v3 =	vadd.s32 v1, v3  }
0x116: {  	[tilespmem:s14], [sflag:$0x2] =	stream.indirect_vreg.gather [hbm4b:s5+s3], $0x80, v4, vm0, $0xb8;
	[tilespmem:$0x18100] =	vst v63  }
0x117: {  	s14 =	simm.s32 $0xD100  }
0x118: {  	[tilespmem:s14], [sflag:$0x2] =	stream.indirect_vreg.gather [hbm4b:s6+s3], $0x80, v4, vm0, $0xb8;
	[tilespmem:$0x18100] =	vst v63  }
0x119: {  	s14 =	simm.s32 $0xD900  }
0x11a: {  	[tilespmem:s14], [sflag:$0x2] =	stream.indirect_vreg.gather [hbm4b:s2+s3], $0x80, v3, vm0, $0xb8;
	[tilespmem:$0x18100] =	vst v63  }
0x11b: {  	s14 =	simm.s32 $0xE100  }
0x11c: {  	[tilespmem:s14], [sflag:$0x2] =	stream.indirect_vreg.gather [hbm4b:s5+s3], $0x80, v3, vm0, $0xb8;
	[tilespmem:$0x18100] =	vst v63  }
0x11d: {  	s14 =	simm.s32 $0xE900  }
0x11e: {  	[tilespmem:s14], [sflag:$0x2] =	stream.indirect_vreg.gather [hbm4b:s6+s3], $0x80, v3, vm0, $0xb8;
	[tilespmem:$0x18100] =	vst v63  }
0x11f: {  	v3 =	vld [tilespmem:$0xD0];
	_ =	sdelay $0x4  }
0x120: {  	v61 =	vshrl.u32 v3, $0x3  }
0x121: {  	v4 =	vmul.u32 $0x30, v61  }
0x122: {  	v3 =	vand.u32 $0x7, v3  }
0x123: {  	v3 =	vor.u32 v3, v4  }
0x124: {  	v4 =	vperm.xlane v3, v0;
	_ =	sdelay $0x1  }
0x125: {  	v4 =	vadd.s32 v1, v4;
	_ =	sdelay $0x3  }
0x126: {  	s14 =	simm.s32 $0xF100;
	v3 =	vperm.xlane v3, v2  }
0x127: {  	[tilespmem:s14], [sflag:$0x2] =	stream.indirect_vreg.gather [hbm4b:s2+s3], $0x80, v4, vm0, $0xb8;
	[tilespmem:$0x18100] =	vst v63  }
0x128: {  	v3 =	vadd.s32 v1, v3;
	s14 =	simm.s32 $0xF900  }
0x129: {  	[tilespmem:s14], [sflag:$0x2] =	stream.indirect_vreg.gather [hbm4b:s5+s3], $0x80, v4, vm0, $0xb8;
	[tilespmem:$0x18100] =	vst v63  }
0x12a: {  	s14 =	simm.s32 $0x10100  }
0x12b: {  	[tilespmem:s14], [sflag:$0x2] =	stream.indirect_vreg.gather [hbm4b:s6+s3], $0x80, v4, vm0, $0xb8;
	[tilespmem:$0x18100] =	vst v63  }
0x12c: {  	s14 =	simm.s32 $0x10900  }
0x12d: {  	[tilespmem:s14], [sflag:$0x2] =	stream.indirect_vreg.gather [hbm4b:s2+s3], $0x80, v3, vm0, $0xb8;
	[tilespmem:$0x18100] =	vst v63  }
0x12e: {  	s14 =	simm.s32 $0x11100  }
0x12f: {  	[tilespmem:s14], [sflag:$0x2] =	stream.indirect_vreg.gather [hbm4b:s5+s3], $0x80, v3, vm0, $0xb8;
	[tilespmem:$0x18100] =	vst v63  }
0x130: {  	s14 =	simm.s32 $0x11900  }
0x131: {  	[tilespmem:s14], [sflag:$0x2] =	stream.indirect_vreg.gather [hbm4b:s6+s3], $0x80, v3, vm0, $0xb8;
	[tilespmem:$0x18100] =	vst v63  }
0x132: {  	v3 =	vld [tilespmem:$0xE0];
	_ =	sdelay $0x4  }
0x133: {  	v62 =	vshrl.u32 v3, $0x3  }
0x134: {  	v4 =	vmul.u32 $0x30, v62  }
0x135: {  	v3 =	vand.u32 $0x7, v3  }
0x136: {  	v3 =	vor.u32 v3, v4  }
0x137: {  	v4 =	vperm.xlane v3, v0;
	_ =	sdelay $0x1  }
0x138: {  	v4 =	vadd.s32 v1, v4;
	_ =	sdelay $0x3  }
0x139: {  	s14 =	simm.s32 $0x12100;
	v3 =	vperm.xlane v3, v2  }
0x13a: {  	[tilespmem:s14], [sflag:$0x2] =	stream.indirect_vreg.gather [hbm4b:s2+s3], $0x80, v4, vm0, $0xb8;
	[tilespmem:$0x18100] =	vst v63  }
0x13b: {  	v3 =	vadd.s32 v1, v3;
	s14 =	simm.s32 $0x12900  }
0x13c: {  	[tilespmem:s14], [sflag:$0x2] =	stream.indirect_vreg.gather [hbm4b:s5+s3], $0x80, v4, vm0, $0xb8;
	[tilespmem:$0x18100] =	vst v63  }
0x13d: {  	s14 =	simm.s32 $0x13100  }
0x13e: {  	[tilespmem:s14], [sflag:$0x2] =	stream.indirect_vreg.gather [hbm4b:s6+s3], $0x80, v4, vm0, $0xb8;
	[tilespmem:$0x18100] =	vst v63  }
0x13f: {  	s14 =	simm.s32 $0x13900  }
0x140: {  	[tilespmem:s14], [sflag:$0x2] =	stream.indirect_vreg.gather [hbm4b:s2+s3], $0x80, v3, vm0, $0xb8;
	[tilespmem:$0x18100] =	vst v63  }
0x141: {  	s14 =	simm.s32 $0x14100  }
0x142: {  	[tilespmem:s14], [sflag:$0x2] =	stream.indirect_vreg.gather [hbm4b:s5+s3], $0x80, v3, vm0, $0xb8;
	[tilespmem:$0x18100] =	vst v63  }
0x143: {  	s14 =	simm.s32 $0x14900  }
0x144: {  	[tilespmem:s14], [sflag:$0x2] =	stream.indirect_vreg.gather [hbm4b:s6+s3], $0x80, v3, vm0, $0xb8;
	[tilespmem:$0x18100] =	vst v63  }
0x145: {  	v3 =	vld [tilespmem:$0xF0];
	_ =	sdelay $0x4  }
0x146: {  	v63 =	vshrl.u32 v3, $0x3  }
0x147: {  	v4 =	vmul.u32 $0x30, v63  }
0x148: {  	v3 =	vand.u32 $0x7, v3  }
0x149: {  	v3 =	vor.u32 v3, v4  }
0x14a: {  	v4 =	vperm.xlane v3, v0;
	_ =	sdelay $0x1  }
0x14b: {  	v4 =	vadd.s32 v1, v4;
	_ =	sdelay $0x3  }
0x14c: {  	s14 =	simm.s32 $0x15100;
	v3 =	vperm.xlane v3, v2  }
0x14d: {  	[tilespmem:s14], [sflag:$0x2] =	stream.indirect_vreg.gather [hbm4b:s2+s3], $0x80, v4, vm0, $0xb8;
	[tilespmem:$0x18100] =	vst v63  }
0x14e: {  	v3 =	vadd.s32 v1, v3;
	s14 =	simm.s32 $0x15900  }
0x14f: {  	[tilespmem:s14], [sflag:$0x2] =	stream.indirect_vreg.gather [hbm4b:s5+s3], $0x80, v4, vm0, $0xb8;
	[tilespmem:$0x18100] =	vst v63  }
0x150: {  	s14 =	simm.s32 $0x16100  }
0x151: {  	[tilespmem:s14], [sflag:$0x2] =	stream.indirect_vreg.gather [hbm4b:s6+s3], $0x80, v4, vm0, $0xb8;
	[tilespmem:$0x18100] =	vst v63  }
0x152: {  	s14 =	simm.s32 $0x16900  }
0x153: {  	[tilespmem:s14], [sflag:$0x2] =	stream.indirect_vreg.gather [hbm4b:s2+s3], $0x80, v3, vm0, $0xb8;
	[tilespmem:$0x18100] =	vst v63  }
0x154: {  	s14 =	simm.s32 $0x17100  }
0x155: {  	[tilespmem:s14], [sflag:$0x2] =	stream.indirect_vreg.gather [hbm4b:s5+s3], $0x80, v3, vm0, $0xb8;
	[tilespmem:$0x18100] =	vst v63  }
0x156: {  	s14 =	simm.s32 $0x17900  }
0x157: {  	[tilespmem:s14], [sflag:$0x2] =	stream.indirect_vreg.gather [hbm4b:s6+s3], $0x80, v3, vm0, $0xb8;
	[tilespmem:$0x18100] =	vst v63  }
0x158: {  	_ =	swait.ge [sflag:s13], $0xC000  }
0x159: {  	[sflag:s13] =	ssyncset.done $0x0  }
0x15a: {  	s7 =	simm.s32 $0x100;
	s14 =	rddreg [dreg:$0x5];
	[sflag:s13] =	ssyncadd.s32 $0xFFFF4000  }
0x15b: {  	[hbm4b:s14+s3] =	stream.linear.scatter [tilespmem:s7], [sflag:$0x3], $0xC000, $0x38;
	[tilespmem:$0x18100] =	vst v63  }
0x15c: {  	_ =	swait.ge [sflag:s1], $0xC000  }
0x15d: {  	[sflag:s1] =	ssyncset.done $0x0  }
0x15e: {  	s7 =	rddreg [dreg:$0x6];
	[sflag:s1] =	ssyncadd.s32 $0xFFFF4000  }
0x15f: {  	[hbm4b:s7+s3] =	stream.linear.scatter [tilespmem:s12], [sflag:$0x4], $0xC000, $0x38;
	[tilespmem:$0x18100] =	vst v63  }
0x160: {  	p0 =	sne.s32 s8, $0x1;
	_ =	swait.ge [sflag:s0], $0xC000  }
.Ltmp0:
0x161: {  	[sflag:s0] =	ssyncset.done $0x0;
	(pc) =	sbr.rel @p0 .LBB2_1-.Ltmp0, $4  }
0x162: {  	[sflag:s0] =	ssyncadd.s32 $0xFFFF4000  }
0x163: {  	_ =	swait.ge [sflag:s4], $0xC000  }
0x164: {  	[sflag:s4] =	ssyncset.done $0x0  }
0x165: {  	s8 =	sadd.s32 $0xFFFFFFFF, s8;
	[sflag:s4] =	ssyncadd.s32 $0xFFFF4000  }
0x166: {  	_ =	sfence.sel $0x180000  }
0x167: {  	[bflag:$0x0] =	sbarrier.arrive $0xFFFF  }
0x168: {  	_ =	strace $0x90000047  }
0x169: {  	s0 =	stileid.u32;
	[bflag:$0x2] =	sbarrier.arrive $0xFFFF  }
0x16a: {  	p0 =	sne.s32 s0, $0x0;
	s0 =	rddreg [dreg:$0x2]  }
0x16b: {  	s0 =	sadd.s32 @!p0 $0x100000, s0  }
0x16c: {  	[sflag:s0] =	ssyncadd.tile.s32 @!p0 $0x1;
	_ =	shalt  }
.Lfunc_end2:
_tile_overlayer_lowered:
.L_overlay_start_2:
0x16d: {  	(tag) =	ssettag $0x2  }
0x16e: {  	s0 =	rddreg [dreg:$0x0];
	s2 =	stileid.u32  }
0x16f: {  	s1 =	rddreg [dreg:$0x1];
	p0 =	sne.s32 s2, $0x0  }
0x170: {  	s3 =	rddreg [dreg:$0x2];
	[bflag:$0x3] =	sbarrier.arrive $0xFFFF;
	s2 =	simm.s32 @!p0 $0x1C05  }
0x171: {  	[timem:s3], [sflag:s2] =	dma.local @!p0 [hbm:s0], s1  }
0x172: {  	s0 =	simm.s32 @!p0 $0x5  }
0x173: {  	_ =	swait.ge @!p0 [sflag:s0], s1  }
0x174: {  	s1 =	ssub.s32 @!p0 $0x0, s1;
	[sflag:s0] =	ssyncset.done @!p0 $0x0  }
0x175: {  	[sflag:s0] =	ssyncadd.s32 @!p0 s1  }
0x176: {  	[bflag:$0x3] =	sbarrier.arrive $0xFFFF  }
0x177: {  	_ =	shalt  }

</sc_bundles>
